<compile_context>
chip_gen: v7x
topology: tpu7x:2x2x1
jax: 0.10.2.dev20260603
libtpu: 0.0.44.dev20260713+nightly
codegen_flags: <defaults>
</compile_context>

<pallas_src>
import functools

import jax
import jax.numpy as jnp
from jax import lax
from jax.experimental import pallas as pl
from jax.experimental.pallas import tpu as pltpu
from jax.experimental.pallas import tpu_sc as plsc

N_NODES = 10000
N_EDGES = 320000
D = 128

NC = 2
NS = 16
NW = NC * NS

E_PER_TILE = N_EDGES // NW
EB = 125
CHUNKS = E_PER_TILE // EB
STAGE = 20
NSTAGE = CHUNKS // STAGE
PAIRS = STAGE // 2
DEG_INFLIGHT = 5
DC = 104
N_PAD = 10112
ROWS_PER_TILE = N_PAD // NS
_DRAIN_CHUNKS = [(k * DC, DC) for k in range(ROWS_PER_TILE // DC)]
if ROWS_PER_TILE % DC:
    _DRAIN_CHUNKS.append((ROWS_PER_TILE - ROWS_PER_TILE % DC, ROWS_PER_TILE % DC))

_sc_mesh = plsc.VectorSubcoreMesh(core_axis_name="c", subcore_axis_name="s")


@functools.partial(
    pl.kernel,
    mesh=_sc_mesh,
    out_type=[
        jax.ShapeDtypeStruct((NC, N_PAD, D), jnp.float32),
        jax.ShapeDtypeStruct((NC, N_PAD, D), jnp.float32),
    ],
    scratch_types=[
        pltpu.VMEM((STAGE, EB), jnp.int32),
        pltpu.VMEM((STAGE, EB), jnp.int32),
        pltpu.VMEM((EB, D), jnp.float32),
        pltpu.VMEM((EB, D), jnp.float32),
        pltpu.VMEM_SHARED((N_PAD, D), jnp.float32),
        pltpu.SemaphoreType.DMA,
        pltpu.SemaphoreType.DMA,
        pltpu.SemaphoreType.DMA,
    ],
)
def _sc_aggregate(x_hbm, row_hbm, col_hbm, zeros_hbm, ones_hbm,
                  agg_out, deg_out,
                  row_v, col_v, gbufa, gbufb, agg_sh, sema, semb, sems):
    c = lax.axis_index("c")
    s = lax.axis_index("s")
    wid = c * NS + s
    r0 = s * ROWS_PER_TILE

    def zero_accum():
        pltpu.sync_copy(zeros_hbm, gbufa)
        for off, sz in _DRAIN_CHUNKS:
            pltpu.sync_copy(gbufa.at[pl.ds(0, sz)],
                            agg_sh.at[pl.ds(r0 + off, sz)])

    def drain_accum(out_ref):
        for off, sz in _DRAIN_CHUNKS:
            pltpu.sync_copy(agg_sh.at[pl.ds(r0 + off, sz)],
                            gbufa.at[pl.ds(0, sz)])
            pltpu.sync_copy(gbufa.at[pl.ds(0, sz)],
                            out_ref.at[c, pl.ds(r0 + off, sz)])

    zero_accum()
    plsc.subcore_barrier()

    def stage_body(g, carry):
        pltpu.sync_copy(row_hbm.at[wid, g], row_v)
        pltpu.sync_copy(col_hbm.at[wid, g], col_v)
        pltpu.async_copy(x_hbm.at[col_v.at[0]], gbufa, sema)

        def body(t, carry2):
            j0 = 2 * t
            j1 = j0 + 1
            pltpu.make_async_copy(x_hbm.at[col_v.at[j0]], gbufa, sema).wait()
            pltpu.async_copy(x_hbm.at[col_v.at[j1]], gbufb, semb)
            pltpu.sync_copy(gbufa, agg_sh.at[row_v.at[j0]], add=True)
            pltpu.make_async_copy(x_hbm.at[col_v.at[j1]], gbufb, semb).wait()

            @pl.when(t < PAIRS - 1)
            def _():
                pltpu.async_copy(x_hbm.at[col_v.at[j0 + 2]], gbufa, sema)

            pltpu.sync_copy(gbufb, agg_sh.at[row_v.at[j1]], add=True)
            return carry2

        lax.fori_loop(0, PAIRS, body, 0)
        return carry

    lax.fori_loop(0, NSTAGE, stage_body, 0)
    plsc.subcore_barrier()

    pltpu.sync_copy(zeros_hbm, gbufb)
    for off, sz in _DRAIN_CHUNKS:
        pltpu.sync_copy(agg_sh.at[pl.ds(r0 + off, sz)], gbufa.at[pl.ds(0, sz)])
        pltpu.sync_copy(gbufa.at[pl.ds(0, sz)],
                        agg_out.at[c, pl.ds(r0 + off, sz)])
        pltpu.sync_copy(gbufb.at[pl.ds(0, sz)],
                        agg_sh.at[pl.ds(r0 + off, sz)])

    pltpu.sync_copy(ones_hbm, gbufb)
    plsc.subcore_barrier()

    def stage_body_deg(g, carry):
        pltpu.sync_copy(row_hbm.at[wid, g], row_v)
        for p in range(DEG_INFLIGHT):
            pltpu.async_copy(gbufb, agg_sh.at[row_v.at[p]], sems, add=True)

        def body(j, carry2):
            pltpu.async_copy(
                gbufb, agg_sh.at[row_v.at[j + DEG_INFLIGHT]], sems, add=True)
            pltpu.make_async_copy(gbufb, agg_sh.at[row_v.at[j]], sems).wait()
            return carry2

        lax.fori_loop(0, STAGE - DEG_INFLIGHT, body, 0)
        for p in range(DEG_INFLIGHT):
            pltpu.make_async_copy(
                gbufb, agg_sh.at[row_v.at[STAGE - DEG_INFLIGHT + p]],
                sems).wait()
        return carry

    lax.fori_loop(0, NSTAGE, stage_body_deg, 0)
    plsc.subcore_barrier()
    drain_accum(deg_out)


BLK = 1000


def _tc_body(agg_ref, deg_ref, w0_ref, b0_ref, w1_ref, b1_ref, y_ref):
    agg = agg_ref[0] + agg_ref[1]
    deg = deg_ref[0, :, 0:1] + deg_ref[1, :, 0:1]
    inv = 1.0 / jnp.maximum(deg, 1.0)
    mask = (deg > 0.0).astype(jnp.float32)
    h = jnp.dot(agg * inv, w0_ref[...], preferred_element_type=jnp.float32)
    h = jnp.maximum(h + b0_ref[...] * mask, 0.0)
    y = jnp.dot(h, w1_ref[...], preferred_element_type=jnp.float32)
    y_ref[...] = y + b1_ref[...]


def _tc_finish(agg, deg, w0, b0, w1, b1):
    grid = N_NODES // BLK
    return pl.pallas_call(
        _tc_body,
        grid=(grid,),
        in_specs=[
            pl.BlockSpec((NC, BLK, D), lambda i: (0, i, 0)),
            pl.BlockSpec((NC, BLK, D), lambda i: (0, i, 0)),
            pl.BlockSpec((D, D), lambda i: (0, 0)),
            pl.BlockSpec((1, D), lambda i: (0, 0)),
            pl.BlockSpec((D, D), lambda i: (0, 0)),
            pl.BlockSpec((1, D), lambda i: (0, 0)),
        ],
        out_specs=pl.BlockSpec((BLK, D), lambda i: (i, 0)),
        out_shape=jax.ShapeDtypeStruct((N_NODES, D), jnp.float32),
    )(agg, deg, w0, b0, w1, b1)


def kernel(x, edge_index, W0, b0, W1, b1):
    ei = edge_index.astype(jnp.int32)
    row = ei[0].reshape(NW, NSTAGE, STAGE, EB)
    col = ei[1].reshape(NW, NSTAGE, STAGE, EB)
    zeros = jnp.zeros((EB, D), jnp.float32)
    ones = jnp.ones((EB, D), jnp.float32)
    agg, deg = _sc_aggregate(x, row, col, zeros, ones)
    return _tc_finish(agg, deg, W0, b0.reshape(1, D), W1, b1.reshape(1, D))

# --- scband reference (transcript-rebuilt; emitter-appended) ---
"""Pipeline reference for scband-simple-gnn-25177098289708 (READ-ONLY COPY).

The authoritative reference and input builder live on the scoring server;
editing this copy changes nothing except your own understanding.
"""

import jax, jax.numpy as jnp
import numpy as np

N_NODES = 10000
N_EDGES = 320000
D_IN = 128
D_HID = 128
D_OUT = 128


def setup_inputs(seed: int = 0) -> dict:
    key = jax.random.key(seed)
    k1, k2, k3, k4, k5, k6 = jax.random.split(key, 6)
    x = jax.random.normal(k1, (N_NODES, D_IN), dtype=jnp.float32)
    edge_index = jax.random.randint(k2, (2, N_EDGES), 0, N_NODES, dtype=jnp.int64)
    # Linear layer params (stored as [in, out] so forward is x @ W + b)
    W0 = jax.random.normal(k3, (D_IN, D_HID), dtype=jnp.float32) * (1.0 / np.sqrt(D_IN))
    b0 = jax.random.normal(k4, (D_HID,), dtype=jnp.float32) * 0.01
    W1 = jax.random.normal(k5, (D_HID, D_OUT), dtype=jnp.float32) * (1.0 / np.sqrt(D_HID))
    b1 = jax.random.normal(k6, (D_OUT,), dtype=jnp.float32) * 0.01
    return {"x": x, "edge_index": edge_index, "W0": W0, "b0": b0, "W1": W1, "b1": b1}


def reference(x, edge_index, W0, b0, W1, b1):
    # Layer 0 (all layers except last): linear -> mean-aggregate message passing -> relu
    h = x @ W0 + b0
    row = edge_index[0]
    col = edge_index[1]
    out = jnp.zeros_like(h).at[row].add(h[col])
    degree = jnp.bincount(row, minlength=h.shape[0], length=h.shape[0]).astype(jnp.float32)
    degree = jnp.clip(degree, 1.0, None)
    h = out / degree[:, None]
    h = jax.nn.relu(h)
    # Final layer: plain linear
    y = h @ W1 + b1
    return y

if __name__ == "__main__":
    import jax
    _d = setup_inputs()
    print(jax.jit(kernel)(*tuple(_d.values())))

</pallas_src>

<mosaic_0001>
#map = affine_map<(d0, d1) -> (0, 0)>
#map1 = affine_map<(d0, d1) -> (0, 0, 0, 0)>
#map2 = affine_map<(d0, d1) -> (0, 0, 0)>
module attributes {stable_mosaic.version = 14 : i64} {
  func.func @_sc_aggregate(%arg0: i32, %arg1: i32, %arg2: memref<10000x128xf32, #tpu.memory_space<hbm>>, %arg3: memref<32x4x20x125xi32, #tpu.memory_space<hbm>>, %arg4: memref<32x4x20x125xi32, #tpu.memory_space<hbm>>, %arg5: memref<125x128xf32, #tpu.memory_space<hbm>>, %arg6: memref<125x128xf32, #tpu.memory_space<hbm>>, %arg7: memref<2x10112x128xf32, #tpu.memory_space<hbm>>, %arg8: memref<2x10112x128xf32, #tpu.memory_space<hbm>>, %arg9: memref<20x125xi32, #tpu.memory_space<vmem>>, %arg10: memref<20x125xi32, #tpu.memory_space<vmem>>, %arg11: memref<125x128xf32, #tpu.memory_space<vmem>>, %arg12: memref<125x128xf32, #tpu.memory_space<vmem>>, %arg13: memref<10112x128xf32, #tpu.memory_space<vmem_shared>>, %arg14: memref<!tpu.dma_semaphore, #tpu.memory_space<semaphore_mem>>, %arg15: memref<!tpu.dma_semaphore, #tpu.memory_space<semaphore_mem>>, %arg16: memref<!tpu.dma_semaphore, #tpu.memory_space<semaphore_mem>>) attributes {dimension_semantics = [#tpu.dimension_semantics<core_parallel>, #tpu.dimension_semantics<subcore_parallel>], iteration_bounds = array<i64: 2, 16>, scalar_prefetch = 0 : i64, scratch_operands = 8 : i64, tpu.core_type = #tpu.core_type<sc_vector_subcore>, window_params = [{transform_indices = #map}, {transform_indices = #map1}, {transform_indices = #map1}, {transform_indices = #map}, {transform_indices = #map}, {transform_indices = #map2}, {transform_indices = #map2}]} {
    %mul3A = arith.constant 16 : i32
    %mul3A_0 = arith.muli %arg0, %mul3A : i32
    %add3A = arith.addi %mul3A_0, %arg1 : i32
    %mul3A_1 = arith.constant 632 : i32
    %mul3A_2 = arith.muli %arg1, %mul3A_1 : i32
    "tpu.region"() ({
      %run_scoped3A = tpu.sem_alloc : memref<!tpu.dma_semaphore, #tpu.memory_space<semaphore_mem>>
      tpu.enqueue_dma source(%arg5 : memref<125x128xf32, #tpu.memory_space<hbm>>) target(%arg11 : memref<125x128xf32, #tpu.memory_space<vmem>>) target_semaphore(%run_scoped3A : memref<!tpu.dma_semaphore, #tpu.memory_space<semaphore_mem>>)
      tpu.wait_dma2 semaphore(%run_scoped3A : memref<!tpu.dma_semaphore, #tpu.memory_space<semaphore_mem>>) src(%arg5 : memref<125x128xf32, #tpu.memory_space<hbm>>) dst(%arg11 : memref<125x128xf32, #tpu.memory_space<vmem>>)
      tpu.yield
    }) : () -> ()
    %add3A_3 = arith.constant 0 : i32
    %add3A_4 = arith.addi %mul3A_2, %add3A_3 : i32
    "tpu.region"() ({
      %run_scoped3A = tpu.sem_alloc : memref<!tpu.dma_semaphore, #tpu.memory_space<semaphore_mem>>
      %dma_start3A = arith.constant 0 : i32
      %dma_start3A_101 = arith.constant 0 : i32
      %dma_start3A_102 = tpu.memref_slice %arg11[%dma_start3A, %dma_start3A_101] : memref<125x128xf32, #tpu.memory_space<vmem>> -> memref<104x128xf32, #tpu.memory_space<vmem>>
      %dma_start3A_103 = arith.constant 0 : i32
      %dma_start3A_104 = tpu.memref_slice %arg13[%add3A_4, %dma_start3A_103] : memref<10112x128xf32, #tpu.memory_space<vmem_shared>> -> memref<104x128xf32, #tpu.memory_space<vmem_shared>>
      %dma_start3A_105 = arith.constant 0 : i32
      %dma_start3A_106 = tpu.memref_slice %arg13[%add3A_4, %dma_start3A_105] : memref<10112x128xf32, #tpu.memory_space<vmem_shared>> -> memref<104x128xf32, #tpu.memory_space<vmem_shared>>
      %dma_start3A_107 = arith.constant 0 : i32
      %dma_start3A_108 = arith.constant 0 : i32
      %dma_start3A_109 = tpu.memref_slice %arg11[%dma_start3A_107, %dma_start3A_108] : memref<125x128xf32, #tpu.memory_space<vmem>> -> memref<104x128xf32, #tpu.memory_space<vmem>>
      tpu.enqueue_dma source(%dma_start3A_109 : memref<104x128xf32, #tpu.memory_space<vmem>>) target(%dma_start3A_106 : memref<104x128xf32, #tpu.memory_space<vmem_shared>>) target_semaphore(%run_scoped3A : memref<!tpu.dma_semaphore, #tpu.memory_space<semaphore_mem>>)
      %dma_wait3A = arith.constant 0 : i32
      %dma_wait3A_110 = arith.constant 0 : i32
      %dma_wait3A_111 = tpu.memref_slice %arg11[%dma_wait3A, %dma_wait3A_110] : memref<125x128xf32, #tpu.memory_space<vmem>> -> memref<104x128xf32, #tpu.memory_space<vmem>>
      %dma_wait3A_112 = arith.constant 0 : i32
      %dma_wait3A_113 = tpu.memref_slice %arg13[%add3A_4, %dma_wait3A_112] : memref<10112x128xf32, #tpu.memory_space<vmem_shared>> -> memref<104x128xf32, #tpu.memory_space<vmem_shared>>
      %dma_wait3A_114 = arith.constant 0 : i32
      %dma_wait3A_115 = tpu.memref_slice %arg13[%add3A_4, %dma_wait3A_114] : memref<10112x128xf32, #tpu.memory_space<vmem_shared>> -> memref<104x128xf32, #tpu.memory_space<vmem_shared>>
      %dma_wait3A_116 = arith.constant 0 : i32
      %dma_wait3A_117 = arith.constant 0 : i32
      %dma_wait3A_118 = tpu.memref_slice %arg11[%dma_wait3A_116, %dma_wait3A_117] : memref<125x128xf32, #tpu.memory_space<vmem>> -> memref<104x128xf32, #tpu.memory_space<vmem>>
      tpu.wait_dma2 semaphore(%run_scoped3A : memref<!tpu.dma_semaphore, #tpu.memory_space<semaphore_mem>>) src(%dma_wait3A_118 : memref<104x128xf32, #tpu.memory_space<vmem>>) dst(%dma_wait3A_115 : memref<104x128xf32, #tpu.memory_space<vmem_shared>>)
      tpu.yield
    }) : () -> ()
    %add3A_5 = arith.constant 104 : i32
    %add3A_6 = arith.addi %mul3A_2, %add3A_5 : i32
    "tpu.region"() ({
      %run_scoped3A = tpu.sem_alloc : memref<!tpu.dma_semaphore, #tpu.memory_space<semaphore_mem>>
      %dma_start3A = arith.constant 0 : i32
      %dma_start3A_101 = arith.constant 0 : i32
      %dma_start3A_102 = tpu.memref_slice %arg11[%dma_start3A, %dma_start3A_101] : memref<125x128xf32, #tpu.memory_space<vmem>> -> memref<104x128xf32, #tpu.memory_space<vmem>>
      %dma_start3A_103 = arith.constant 0 : i32
      %dma_start3A_104 = tpu.memref_slice %arg13[%add3A_6, %dma_start3A_103] : memref<10112x128xf32, #tpu.memory_space<vmem_shared>> -> memref<104x128xf32, #tpu.memory_space<vmem_shared>>
      %dma_start3A_105 = arith.constant 0 : i32
      %dma_start3A_106 = tpu.memref_slice %arg13[%add3A_6, %dma_start3A_105] : memref<10112x128xf32, #tpu.memory_space<vmem_shared>> -> memref<104x128xf32, #tpu.memory_space<vmem_shared>>
      %dma_start3A_107 = arith.constant 0 : i32
      %dma_start3A_108 = arith.constant 0 : i32
      %dma_start3A_109 = tpu.memref_slice %arg11[%dma_start3A_107, %dma_start3A_108] : memref<125x128xf32, #tpu.memory_space<vmem>> -> memref<104x128xf32, #tpu.memory_space<vmem>>
      tpu.enqueue_dma source(%dma_start3A_109 : memref<104x128xf32, #tpu.memory_space<vmem>>) target(%dma_start3A_106 : memref<104x128xf32, #tpu.memory_space<vmem_shared>>) target_semaphore(%run_scoped3A : memref<!tpu.dma_semaphore, #tpu.memory_space<semaphore_mem>>)
      %dma_wait3A = arith.constant 0 : i32
      %dma_wait3A_110 = arith.constant 0 : i32
      %dma_wait3A_111 = tpu.memref_slice %arg11[%dma_wait3A, %dma_wait3A_110] : memref<125x128xf32, #tpu.memory_space<vmem>> -> memref<104x128xf32, #tpu.memory_space<vmem>>
      %dma_wait3A_112 = arith.constant 0 : i32
      %dma_wait3A_113 = tpu.memref_slice %arg13[%add3A_6, %dma_wait3A_112] : memref<10112x128xf32, #tpu.memory_space<vmem_shared>> -> memref<104x128xf32, #tpu.memory_space<vmem_shared>>
      %dma_wait3A_114 = arith.constant 0 : i32
      %dma_wait3A_115 = tpu.memref_slice %arg13[%add3A_6, %dma_wait3A_114] : memref<10112x128xf32, #tpu.memory_space<vmem_shared>> -> memref<104x128xf32, #tpu.memory_space<vmem_shared>>
      %dma_wait3A_116 = arith.constant 0 : i32
      %dma_wait3A_117 = arith.constant 0 : i32
      %dma_wait3A_118 = tpu.memref_slice %arg11[%dma_wait3A_116, %dma_wait3A_117] : memref<125x128xf32, #tpu.memory_space<vmem>> -> memref<104x128xf32, #tpu.memory_space<vmem>>
      tpu.wait_dma2 semaphore(%run_scoped3A : memref<!tpu.dma_semaphore, #tpu.memory_space<semaphore_mem>>) src(%dma_wait3A_118 : memref<104x128xf32, #tpu.memory_space<vmem>>) dst(%dma_wait3A_115 : memref<104x128xf32, #tpu.memory_space<vmem_shared>>)
      tpu.yield
    }) : () -> ()
    %add3A_7 = arith.constant 208 : i32
    %add3A_8 = arith.addi %mul3A_2, %add3A_7 : i32
    "tpu.region"() ({
      %run_scoped3A = tpu.sem_alloc : memref<!tpu.dma_semaphore, #tpu.memory_space<semaphore_mem>>
      %dma_start3A = arith.constant 0 : i32
      %dma_start3A_101 = arith.constant 0 : i32
      %dma_start3A_102 = tpu.memref_slice %arg11[%dma_start3A, %dma_start3A_101] : memref<125x128xf32, #tpu.memory_space<vmem>> -> memref<104x128xf32, #tpu.memory_space<vmem>>
      %dma_start3A_103 = arith.constant 0 : i32
      %dma_start3A_104 = tpu.memref_slice %arg13[%add3A_8, %dma_start3A_103] : memref<10112x128xf32, #tpu.memory_space<vmem_shared>> -> memref<104x128xf32, #tpu.memory_space<vmem_shared>>
      %dma_start3A_105 = arith.constant 0 : i32
      %dma_start3A_106 = tpu.memref_slice %arg13[%add3A_8, %dma_start3A_105] : memref<10112x128xf32, #tpu.memory_space<vmem_shared>> -> memref<104x128xf32, #tpu.memory_space<vmem_shared>>
      %dma_start3A_107 = arith.constant 0 : i32
      %dma_start3A_108 = arith.constant 0 : i32
      %dma_start3A_109 = tpu.memref_slice %arg11[%dma_start3A_107, %dma_start3A_108] : memref<125x128xf32, #tpu.memory_space<vmem>> -> memref<104x128xf32, #tpu.memory_space<vmem>>
      tpu.enqueue_dma source(%dma_start3A_109 : memref<104x128xf32, #tpu.memory_space<vmem>>) target(%dma_start3A_106 : memref<104x128xf32, #tpu.memory_space<vmem_shared>>) target_semaphore(%run_scoped3A : memref<!tpu.dma_semaphore, #tpu.memory_space<semaphore_mem>>)
      %dma_wait3A = arith.constant 0 : i32
      %dma_wait3A_110 = arith.constant 0 : i32
      %dma_wait3A_111 = tpu.memref_slice %arg11[%dma_wait3A, %dma_wait3A_110] : memref<125x128xf32, #tpu.memory_space<vmem>> -> memref<104x128xf32, #tpu.memory_space<vmem>>
      %dma_wait3A_112 = arith.constant 0 : i32
      %dma_wait3A_113 = tpu.memref_slice %arg13[%add3A_8, %dma_wait3A_112] : memref<10112x128xf32, #tpu.memory_space<vmem_shared>> -> memref<104x128xf32, #tpu.memory_space<vmem_shared>>
      %dma_wait3A_114 = arith.constant 0 : i32
      %dma_wait3A_115 = tpu.memref_slice %arg13[%add3A_8, %dma_wait3A_114] : memref<10112x128xf32, #tpu.memory_space<vmem_shared>> -> memref<104x128xf32, #tpu.memory_space<vmem_shared>>
      %dma_wait3A_116 = arith.constant 0 : i32
      %dma_wait3A_117 = arith.constant 0 : i32
      %dma_wait3A_118 = tpu.memref_slice %arg11[%dma_wait3A_116, %dma_wait3A_117] : memref<125x128xf32, #tpu.memory_space<vmem>> -> memref<104x128xf32, #tpu.memory_space<vmem>>
      tpu.wait_dma2 semaphore(%run_scoped3A : memref<!tpu.dma_semaphore, #tpu.memory_space<semaphore_mem>>) src(%dma_wait3A_118 : memref<104x128xf32, #tpu.memory_space<vmem>>) dst(%dma_wait3A_115 : memref<104x128xf32, #tpu.memory_space<vmem_shared>>)
      tpu.yield
    }) : () -> ()
    %add3A_9 = arith.constant 312 : i32
    %add3A_10 = arith.addi %mul3A_2, %add3A_9 : i32
    "tpu.region"() ({
      %run_scoped3A = tpu.sem_alloc : memref<!tpu.dma_semaphore, #tpu.memory_space<semaphore_mem>>
      %dma_start3A = arith.constant 0 : i32
      %dma_start3A_101 = arith.constant 0 : i32
      %dma_start3A_102 = tpu.memref_slice %arg11[%dma_start3A, %dma_start3A_101] : memref<125x128xf32, #tpu.memory_space<vmem>> -> memref<104x128xf32, #tpu.memory_space<vmem>>
      %dma_start3A_103 = arith.constant 0 : i32
      %dma_start3A_104 = tpu.memref_slice %arg13[%add3A_10, %dma_start3A_103] : memref<10112x128xf32, #tpu.memory_space<vmem_shared>> -> memref<104x128xf32, #tpu.memory_space<vmem_shared>>
      %dma_start3A_105 = arith.constant 0 : i32
      %dma_start3A_106 = tpu.memref_slice %arg13[%add3A_10, %dma_start3A_105] : memref<10112x128xf32, #tpu.memory_space<vmem_shared>> -> memref<104x128xf32, #tpu.memory_space<vmem_shared>>
      %dma_start3A_107 = arith.constant 0 : i32
      %dma_start3A_108 = arith.constant 0 : i32
      %dma_start3A_109 = tpu.memref_slice %arg11[%dma_start3A_107, %dma_start3A_108] : memref<125x128xf32, #tpu.memory_space<vmem>> -> memref<104x128xf32, #tpu.memory_space<vmem>>
      tpu.enqueue_dma source(%dma_start3A_109 : memref<104x128xf32, #tpu.memory_space<vmem>>) target(%dma_start3A_106 : memref<104x128xf32, #tpu.memory_space<vmem_shared>>) target_semaphore(%run_scoped3A : memref<!tpu.dma_semaphore, #tpu.memory_space<semaphore_mem>>)
      %dma_wait3A = arith.constant 0 : i32
      %dma_wait3A_110 = arith.constant 0 : i32
      %dma_wait3A_111 = tpu.memref_slice %arg11[%dma_wait3A, %dma_wait3A_110] : memref<125x128xf32, #tpu.memory_space<vmem>> -> memref<104x128xf32, #tpu.memory_space<vmem>>
      %dma_wait3A_112 = arith.constant 0 : i32
      %dma_wait3A_113 = tpu.memref_slice %arg13[%add3A_10, %dma_wait3A_112] : memref<10112x128xf32, #tpu.memory_space<vmem_shared>> -> memref<104x128xf32, #tpu.memory_space<vmem_shared>>
      %dma_wait3A_114 = arith.constant 0 : i32
      %dma_wait3A_115 = tpu.memref_slice %arg13[%add3A_10, %dma_wait3A_114] : memref<10112x128xf32, #tpu.memory_space<vmem_shared>> -> memref<104x128xf32, #tpu.memory_space<vmem_shared>>
      %dma_wait3A_116 = arith.constant 0 : i32
      %dma_wait3A_117 = arith.constant 0 : i32
      %dma_wait3A_118 = tpu.memref_slice %arg11[%dma_wait3A_116, %dma_wait3A_117] : memref<125x128xf32, #tpu.memory_space<vmem>> -> memref<104x128xf32, #tpu.memory_space<vmem>>
      tpu.wait_dma2 semaphore(%run_scoped3A : memref<!tpu.dma_semaphore, #tpu.memory_space<semaphore_mem>>) src(%dma_wait3A_118 : memref<104x128xf32, #tpu.memory_space<vmem>>) dst(%dma_wait3A_115 : memref<104x128xf32, #tpu.memory_space<vmem_shared>>)
      tpu.yield
    }) : () -> ()
    %add3A_11 = arith.constant 416 : i32
    %add3A_12 = arith.addi %mul3A_2, %add3A_11 : i32
    "tpu.region"() ({
      %run_scoped3A = tpu.sem_alloc : memref<!tpu.dma_semaphore, #tpu.memory_space<semaphore_mem>>
      %dma_start3A = arith.constant 0 : i32
      %dma_start3A_101 = arith.constant 0 : i32
      %dma_start3A_102 = tpu.memref_slice %arg11[%dma_start3A, %dma_start3A_101] : memref<125x128xf32, #tpu.memory_space<vmem>> -> memref<104x128xf32, #tpu.memory_space<vmem>>
      %dma_start3A_103 = arith.constant 0 : i32
      %dma_start3A_104 = tpu.memref_slice %arg13[%add3A_12, %dma_start3A_103] : memref<10112x128xf32, #tpu.memory_space<vmem_shared>> -> memref<104x128xf32, #tpu.memory_space<vmem_shared>>
      %dma_start3A_105 = arith.constant 0 : i32
      %dma_start3A_106 = tpu.memref_slice %arg13[%add3A_12, %dma_start3A_105] : memref<10112x128xf32, #tpu.memory_space<vmem_shared>> -> memref<104x128xf32, #tpu.memory_space<vmem_shared>>
      %dma_start3A_107 = arith.constant 0 : i32
      %dma_start3A_108 = arith.constant 0 : i32
      %dma_start3A_109 = tpu.memref_slice %arg11[%dma_start3A_107, %dma_start3A_108] : memref<125x128xf32, #tpu.memory_space<vmem>> -> memref<104x128xf32, #tpu.memory_space<vmem>>
      tpu.enqueue_dma source(%dma_start3A_109 : memref<104x128xf32, #tpu.memory_space<vmem>>) target(%dma_start3A_106 : memref<104x128xf32, #tpu.memory_space<vmem_shared>>) target_semaphore(%run_scoped3A : memref<!tpu.dma_semaphore, #tpu.memory_space<semaphore_mem>>)
      %dma_wait3A = arith.constant 0 : i32
      %dma_wait3A_110 = arith.constant 0 : i32
      %dma_wait3A_111 = tpu.memref_slice %arg11[%dma_wait3A, %dma_wait3A_110] : memref<125x128xf32, #tpu.memory_space<vmem>> -> memref<104x128xf32, #tpu.memory_space<vmem>>
      %dma_wait3A_112 = arith.constant 0 : i32
      %dma_wait3A_113 = tpu.memref_slice %arg13[%add3A_12, %dma_wait3A_112] : memref<10112x128xf32, #tpu.memory_space<vmem_shared>> -> memref<104x128xf32, #tpu.memory_space<vmem_shared>>
      %dma_wait3A_114 = arith.constant 0 : i32
      %dma_wait3A_115 = tpu.memref_slice %arg13[%add3A_12, %dma_wait3A_114] : memref<10112x128xf32, #tpu.memory_space<vmem_shared>> -> memref<104x128xf32, #tpu.memory_space<vmem_shared>>
      %dma_wait3A_116 = arith.constant 0 : i32
      %dma_wait3A_117 = arith.constant 0 : i32
      %dma_wait3A_118 = tpu.memref_slice %arg11[%dma_wait3A_116, %dma_wait3A_117] : memref<125x128xf32, #tpu.memory_space<vmem>> -> memref<104x128xf32, #tpu.memory_space<vmem>>
      tpu.wait_dma2 semaphore(%run_scoped3A : memref<!tpu.dma_semaphore, #tpu.memory_space<semaphore_mem>>) src(%dma_wait3A_118 : memref<104x128xf32, #tpu.memory_space<vmem>>) dst(%dma_wait3A_115 : memref<104x128xf32, #tpu.memory_space<vmem_shared>>)
      tpu.yield
    }) : () -> ()
    %add3A_13 = arith.constant 520 : i32
    %add3A_14 = arith.addi %mul3A_2, %add3A_13 : i32
    "tpu.region"() ({
      %run_scoped3A = tpu.sem_alloc : memref<!tpu.dma_semaphore, #tpu.memory_space<semaphore_mem>>
      %dma_start3A = arith.constant 0 : i32
      %dma_start3A_101 = arith.constant 0 : i32
      %dma_start3A_102 = tpu.memref_slice %arg11[%dma_start3A, %dma_start3A_101] : memref<125x128xf32, #tpu.memory_space<vmem>> -> memref<104x128xf32, #tpu.memory_space<vmem>>
      %dma_start3A_103 = arith.constant 0 : i32
      %dma_start3A_104 = tpu.memref_slice %arg13[%add3A_14, %dma_start3A_103] : memref<10112x128xf32, #tpu.memory_space<vmem_shared>> -> memref<104x128xf32, #tpu.memory_space<vmem_shared>>
      %dma_start3A_105 = arith.constant 0 : i32
      %dma_start3A_106 = tpu.memref_slice %arg13[%add3A_14, %dma_start3A_105] : memref<10112x128xf32, #tpu.memory_space<vmem_shared>> -> memref<104x128xf32, #tpu.memory_space<vmem_shared>>
      %dma_start3A_107 = arith.constant 0 : i32
      %dma_start3A_108 = arith.constant 0 : i32
      %dma_start3A_109 = tpu.memref_slice %arg11[%dma_start3A_107, %dma_start3A_108] : memref<125x128xf32, #tpu.memory_space<vmem>> -> memref<104x128xf32, #tpu.memory_space<vmem>>
      tpu.enqueue_dma source(%dma_start3A_109 : memref<104x128xf32, #tpu.memory_space<vmem>>) target(%dma_start3A_106 : memref<104x128xf32, #tpu.memory_space<vmem_shared>>) target_semaphore(%run_scoped3A : memref<!tpu.dma_semaphore, #tpu.memory_space<semaphore_mem>>)
      %dma_wait3A = arith.constant 0 : i32
      %dma_wait3A_110 = arith.constant 0 : i32
      %dma_wait3A_111 = tpu.memref_slice %arg11[%dma_wait3A, %dma_wait3A_110] : memref<125x128xf32, #tpu.memory_space<vmem>> -> memref<104x128xf32, #tpu.memory_space<vmem>>
      %dma_wait3A_112 = arith.constant 0 : i32
      %dma_wait3A_113 = tpu.memref_slice %arg13[%add3A_14, %dma_wait3A_112] : memref<10112x128xf32, #tpu.memory_space<vmem_shared>> -> memref<104x128xf32, #tpu.memory_space<vmem_shared>>
      %dma_wait3A_114 = arith.constant 0 : i32
      %dma_wait3A_115 = tpu.memref_slice %arg13[%add3A_14, %dma_wait3A_114] : memref<10112x128xf32, #tpu.memory_space<vmem_shared>> -> memref<104x128xf32, #tpu.memory_space<vmem_shared>>
      %dma_wait3A_116 = arith.constant 0 : i32
      %dma_wait3A_117 = arith.constant 0 : i32
      %dma_wait3A_118 = tpu.memref_slice %arg11[%dma_wait3A_116, %dma_wait3A_117] : memref<125x128xf32, #tpu.memory_space<vmem>> -> memref<104x128xf32, #tpu.memory_space<vmem>>
      tpu.wait_dma2 semaphore(%run_scoped3A : memref<!tpu.dma_semaphore, #tpu.memory_space<semaphore_mem>>) src(%dma_wait3A_118 : memref<104x128xf32, #tpu.memory_space<vmem>>) dst(%dma_wait3A_115 : memref<104x128xf32, #tpu.memory_space<vmem_shared>>)
      tpu.yield
    }) : () -> ()
    %add3A_15 = arith.constant 624 : i32
    %add3A_16 = arith.addi %mul3A_2, %add3A_15 : i32
    "tpu.region"() ({
      %run_scoped3A = tpu.sem_alloc : memref<!tpu.dma_semaphore, #tpu.memory_space<semaphore_mem>>
      %dma_start3A = arith.constant 0 : i32
      %dma_start3A_101 = arith.constant 0 : i32
      %dma_start3A_102 = tpu.memref_slice %arg11[%dma_start3A, %dma_start3A_101] : memref<125x128xf32, #tpu.memory_space<vmem>> -> memref<8x128xf32, #tpu.memory_space<vmem>>
      %dma_start3A_103 = arith.constant 0 : i32
      %dma_start3A_104 = tpu.memref_slice %arg13[%add3A_16, %dma_start3A_103] : memref<10112x128xf32, #tpu.memory_space<vmem_shared>> -> memref<8x128xf32, #tpu.memory_space<vmem_shared>>
      %dma_start3A_105 = arith.constant 0 : i32
      %dma_start3A_106 = tpu.memref_slice %arg13[%add3A_16, %dma_start3A_105] : memref<10112x128xf32, #tpu.memory_space<vmem_shared>> -> memref<8x128xf32, #tpu.memory_space<vmem_shared>>
      %dma_start3A_107 = arith.constant 0 : i32
      %dma_start3A_108 = arith.constant 0 : i32
      %dma_start3A_109 = tpu.memref_slice %arg11[%dma_start3A_107, %dma_start3A_108] : memref<125x128xf32, #tpu.memory_space<vmem>> -> memref<8x128xf32, #tpu.memory_space<vmem>>
      tpu.enqueue_dma source(%dma_start3A_109 : memref<8x128xf32, #tpu.memory_space<vmem>>) target(%dma_start3A_106 : memref<8x128xf32, #tpu.memory_space<vmem_shared>>) target_semaphore(%run_scoped3A : memref<!tpu.dma_semaphore, #tpu.memory_space<semaphore_mem>>)
      %dma_wait3A = arith.constant 0 : i32
      %dma_wait3A_110 = arith.constant 0 : i32
      %dma_wait3A_111 = tpu.memref_slice %arg11[%dma_wait3A, %dma_wait3A_110] : memref<125x128xf32, #tpu.memory_space<vmem>> -> memref<8x128xf32, #tpu.memory_space<vmem>>
      %dma_wait3A_112 = arith.constant 0 : i32
      %dma_wait3A_113 = tpu.memref_slice %arg13[%add3A_16, %dma_wait3A_112] : memref<10112x128xf32, #tpu.memory_space<vmem_shared>> -> memref<8x128xf32, #tpu.memory_space<vmem_shared>>
      %dma_wait3A_114 = arith.constant 0 : i32
      %dma_wait3A_115 = tpu.memref_slice %arg13[%add3A_16, %dma_wait3A_114] : memref<10112x128xf32, #tpu.memory_space<vmem_shared>> -> memref<8x128xf32, #tpu.memory_space<vmem_shared>>
      %dma_wait3A_116 = arith.constant 0 : i32
      %dma_wait3A_117 = arith.constant 0 : i32
      %dma_wait3A_118 = tpu.memref_slice %arg11[%dma_wait3A_116, %dma_wait3A_117] : memref<125x128xf32, #tpu.memory_space<vmem>> -> memref<8x128xf32, #tpu.memory_space<vmem>>
      tpu.wait_dma2 semaphore(%run_scoped3A : memref<!tpu.dma_semaphore, #tpu.memory_space<semaphore_mem>>) src(%dma_wait3A_118 : memref<8x128xf32, #tpu.memory_space<vmem>>) dst(%dma_wait3A_115 : memref<8x128xf32, #tpu.memory_space<vmem_shared>>)
      tpu.yield
    }) : () -> ()
    %barrier3A = arith.constant 0 : index
    tpu.barrier barrier_id(%barrier3A)
    %scan3A = arith.constant 0 : i32
    %scan3A_17 = arith.constant 0 : i32
    %scan3A_18 = arith.constant 4 : i32
    %scan3A_19 = arith.addi %scan3A_17, %scan3A_18 : i32
    %scan3A_20 = arith.constant 1 : i32
    scf.for %scan3A_101 = %scan3A_17 to %scan3A_19 step %scan3A_20  : i32 {
      "tpu.region"() ({
        %run_scoped3A = tpu.sem_alloc : memref<!tpu.dma_semaphore, #tpu.memory_space<semaphore_mem>>
        %dma_start3A_114 = arith.constant 0 : i32
        %dma_start3A_115 = arith.constant 0 : i32
        %dma_start3A_116 = tpu.memref_slice %arg3[%add3A, %scan3A_101, %dma_start3A_114, %dma_start3A_115] : memref<32x4x20x125xi32, #tpu.memory_space<hbm>> -> memref<1x1x20x125xi32, #tpu.memory_space<hbm>>
        %dma_start3A_117 = tpu.memref_squeeze %dma_start3A_116 : memref<1x1x20x125xi32, #tpu.memory_space<hbm>> -> memref<20x125xi32, #tpu.memory_space<hbm>>
        %dma_start3A_118 = arith.constant 0 : i32
        %dma_start3A_119 = arith.constant 0 : i32
        %dma_start3A_120 = tpu.memref_slice %arg3[%add3A, %scan3A_101, %dma_start3A_118, %dma_start3A_119] : memref<32x4x20x125xi32, #tpu.memory_space<hbm>> -> memref<1x1x20x125xi32, #tpu.memory_space<hbm>>
        %dma_start3A_121 = tpu.memref_squeeze %dma_start3A_120 : memref<1x1x20x125xi32, #tpu.memory_space<hbm>> -> memref<20x125xi32, #tpu.memory_space<hbm>>
        tpu.enqueue_dma source(%dma_start3A_121 : memref<20x125xi32, #tpu.memory_space<hbm>>) target(%arg9 : memref<20x125xi32, #tpu.memory_space<vmem>>) target_semaphore(%run_scoped3A : memref<!tpu.dma_semaphore, #tpu.memory_space<semaphore_mem>>)
        %dma_wait3A = arith.constant 0 : i32
        %dma_wait3A_122 = arith.constant 0 : i32
        %dma_wait3A_123 = tpu.memref_slice %arg3[%add3A, %scan3A_101, %dma_wait3A, %dma_wait3A_122] : memref<32x4x20x125xi32, #tpu.memory_space<hbm>> -> memref<1x1x20x125xi32, #tpu.memory_space<hbm>>
        %dma_wait3A_124 = tpu.memref_squeeze %dma_wait3A_123 : memref<1x1x20x125xi32, #tpu.memory_space<hbm>> -> memref<20x125xi32, #tpu.memory_space<hbm>>
        %dma_wait3A_125 = arith.constant 0 : i32
        %dma_wait3A_126 = arith.constant 0 : i32
        %dma_wait3A_127 = tpu.memref_slice %arg3[%add3A, %scan3A_101, %dma_wait3A_125, %dma_wait3A_126] : memref<32x4x20x125xi32, #tpu.memory_space<hbm>> -> memref<1x1x20x125xi32, #tpu.memory_space<hbm>>
        %dma_wait3A_128 = tpu.memref_squeeze %dma_wait3A_127 : memref<1x1x20x125xi32, #tpu.memory_space<hbm>> -> memref<20x125xi32, #tpu.memory_space<hbm>>
        tpu.wait_dma2 semaphore(%run_scoped3A : memref<!tpu.dma_semaphore, #tpu.memory_space<semaphore_mem>>) src(%dma_wait3A_128 : memref<20x125xi32, #tpu.memory_space<hbm>>) dst(%arg9 : memref<20x125xi32, #tpu.memory_space<vmem>>)
        tpu.yield
      }) : () -> ()
      "tpu.region"() ({
        %run_scoped3A = tpu.sem_alloc : memref<!tpu.dma_semaphore, #tpu.memory_space<semaphore_mem>>
        %dma_start3A_114 = arith.constant 0 : i32
        %dma_start3A_115 = arith.constant 0 : i32
        %dma_start3A_116 = tpu.memref_slice %arg4[%add3A, %scan3A_101, %dma_start3A_114, %dma_start3A_115] : memref<32x4x20x125xi32, #tpu.memory_space<hbm>> -> memref<1x1x20x125xi32, #tpu.memory_space<hbm>>
        %dma_start3A_117 = tpu.memref_squeeze %dma_start3A_116 : memref<1x1x20x125xi32, #tpu.memory_space<hbm>> -> memref<20x125xi32, #tpu.memory_space<hbm>>
        %dma_start3A_118 = arith.constant 0 : i32
        %dma_start3A_119 = arith.constant 0 : i32
        %dma_start3A_120 = tpu.memref_slice %arg4[%add3A, %scan3A_101, %dma_start3A_118, %dma_start3A_119] : memref<32x4x20x125xi32, #tpu.memory_space<hbm>> -> memref<1x1x20x125xi32, #tpu.memory_space<hbm>>
        %dma_start3A_121 = tpu.memref_squeeze %dma_start3A_120 : memref<1x1x20x125xi32, #tpu.memory_space<hbm>> -> memref<20x125xi32, #tpu.memory_space<hbm>>
        tpu.enqueue_dma source(%dma_start3A_121 : memref<20x125xi32, #tpu.memory_space<hbm>>) target(%arg10 : memref<20x125xi32, #tpu.memory_space<vmem>>) target_semaphore(%run_scoped3A : memref<!tpu.dma_semaphore, #tpu.memory_space<semaphore_mem>>)
        %dma_wait3A = arith.constant 0 : i32
        %dma_wait3A_122 = arith.constant 0 : i32
        %dma_wait3A_123 = tpu.memref_slice %arg4[%add3A, %scan3A_101, %dma_wait3A, %dma_wait3A_122] : memref<32x4x20x125xi32, #tpu.memory_space<hbm>> -> memref<1x1x20x125xi32, #tpu.memory_space<hbm>>
        %dma_wait3A_124 = tpu.memref_squeeze %dma_wait3A_123 : memref<1x1x20x125xi32, #tpu.memory_space<hbm>> -> memref<20x125xi32, #tpu.memory_space<hbm>>
        %dma_wait3A_125 = arith.constant 0 : i32
        %dma_wait3A_126 = arith.constant 0 : i32
        %dma_wait3A_127 = tpu.memref_slice %arg4[%add3A, %scan3A_101, %dma_wait3A_125, %dma_wait3A_126] : memref<32x4x20x125xi32, #tpu.memory_space<hbm>> -> memref<1x1x20x125xi32, #tpu.memory_space<hbm>>
        %dma_wait3A_128 = tpu.memref_squeeze %dma_wait3A_127 : memref<1x1x20x125xi32, #tpu.memory_space<hbm>> -> memref<20x125xi32, #tpu.memory_space<hbm>>
        tpu.wait_dma2 semaphore(%run_scoped3A : memref<!tpu.dma_semaphore, #tpu.memory_space<semaphore_mem>>) src(%dma_wait3A_128 : memref<20x125xi32, #tpu.memory_space<hbm>>) dst(%arg10 : memref<20x125xi32, #tpu.memory_space<vmem>>)
        tpu.yield
      }) : () -> ()
      %dma_start3A = arith.constant 0 : i32
      %dma_start3A_102 = arith.constant 0 : i32
      %dma_start3A_103 = tpu.memref_slice %arg10[%dma_start3A, %dma_start3A_102] : memref<20x125xi32, #tpu.memory_space<vmem>> -> memref<1x125xi32, #tpu.memory_space<vmem>>
      %dma_start3A_104 = tpu.memref_squeeze %dma_start3A_103 : memref<1x125xi32, #tpu.memory_space<vmem>> -> memref<125xi32, #tpu.memory_space<vmem>>
      %dma_start3A_105 = arith.constant 0 : i32
      %dma_start3A_106 = arith.constant 0 : i32
      %dma_start3A_107 = tpu.memref_slice %arg2[%dma_start3A_105, %dma_start3A_106] : memref<10000x128xf32, #tpu.memory_space<hbm>> -> memref<10000x128xf32, #tpu.memory_space<hbm>>
      tpu.enqueue_indirect_dma source(%dma_start3A_107 : memref<10000x128xf32, #tpu.memory_space<hbm>>) target(%arg11 : memref<125x128xf32, #tpu.memory_space<vmem>>) offsets(%dma_start3A_104 : memref<125xi32, #tpu.memory_space<vmem>>) semaphore(%arg14 : memref<!tpu.dma_semaphore, #tpu.memory_space<semaphore_mem>>)
      %scan3A_108 = arith.constant 0 : i32
      %scan3A_109 = arith.constant 0 : i32
      %scan3A_110 = arith.constant 10 : i32
      %scan3A_111 = arith.addi %scan3A_109, %scan3A_110 : i32
      %scan3A_112 = arith.constant 1 : i32
      scf.for %scan3A_114 = %scan3A_109 to %scan3A_111 step %scan3A_112  : i32 {
        %mul3A_115 = arith.constant 2 : i32
        %mul3A_116 = arith.muli %mul3A_115, %scan3A_114 : i32
        %add3A_117 = arith.constant 1 : i32
        %add3A_118 = arith.addi %mul3A_116, %add3A_117 : i32
        %dma_wait3A = arith.constant 0 : i32
        %dma_wait3A_119 = tpu.memref_slice %arg10[%mul3A_116, %dma_wait3A] : memref<20x125xi32, #tpu.memory_space<vmem>> -> memref<1x125xi32, #tpu.memory_space<vmem>>
        %dma_wait3A_120 = tpu.memref_squeeze %dma_wait3A_119 : memref<1x125xi32, #tpu.memory_space<vmem>> -> memref<125xi32, #tpu.memory_space<vmem>>
        %dma_wait3A_121 = arith.constant 0 : i32
        %dma_wait3A_122 = arith.constant 0 : i32
        %dma_wait3A_123 = tpu.memref_slice %arg2[%dma_wait3A_121, %dma_wait3A_122] : memref<10000x128xf32, #tpu.memory_space<hbm>> -> memref<10000x128xf32, #tpu.memory_space<hbm>>
        tpu.wait_indirect_dma semaphore(%arg14 : memref<!tpu.dma_semaphore, #tpu.memory_space<semaphore_mem>>) src(%dma_wait3A_123 : memref<10000x128xf32, #tpu.memory_space<hbm>>) dst(%arg11 : memref<125x128xf32, #tpu.memory_space<vmem>>)
        %dma_start3A_124 = arith.constant 0 : i32
        %dma_start3A_125 = tpu.memref_slice %arg10[%add3A_118, %dma_start3A_124] : memref<20x125xi32, #tpu.memory_space<vmem>> -> memref<1x125xi32, #tpu.memory_space<vmem>>
        %dma_start3A_126 = tpu.memref_squeeze %dma_start3A_125 : memref<1x125xi32, #tpu.memory_space<vmem>> -> memref<125xi32, #tpu.memory_space<vmem>>
        %dma_start3A_127 = arith.constant 0 : i32
        %dma_start3A_128 = arith.constant 0 : i32
        %dma_start3A_129 = tpu.memref_slice %arg2[%dma_start3A_127, %dma_start3A_128] : memref<10000x128xf32, #tpu.memory_space<hbm>> -> memref<10000x128xf32, #tpu.memory_space<hbm>>
        tpu.enqueue_indirect_dma source(%dma_start3A_129 : memref<10000x128xf32, #tpu.memory_space<hbm>>) target(%arg12 : memref<125x128xf32, #tpu.memory_space<vmem>>) offsets(%dma_start3A_126 : memref<125xi32, #tpu.memory_space<vmem>>) semaphore(%arg15 : memref<!tpu.dma_semaphore, #tpu.memory_space<semaphore_mem>>)
        "tpu.region"() ({
          %run_scoped3A = tpu.sem_alloc : memref<!tpu.dma_semaphore, #tpu.memory_space<semaphore_mem>>
          %dma_start3A_138 = arith.constant 0 : i32
          %dma_start3A_139 = tpu.memref_slice %arg9[%mul3A_116, %dma_start3A_138] : memref<20x125xi32, #tpu.memory_space<vmem>> -> memref<1x125xi32, #tpu.memory_space<vmem>>
          %dma_start3A_140 = tpu.memref_squeeze %dma_start3A_139 : memref<1x125xi32, #tpu.memory_space<vmem>> -> memref<125xi32, #tpu.memory_space<vmem>>
          %dma_start3A_141 = arith.constant 0 : i32
          %dma_start3A_142 = arith.constant 0 : i32
          %dma_start3A_143 = tpu.memref_slice %arg13[%dma_start3A_141, %dma_start3A_142] : memref<10112x128xf32, #tpu.memory_space<vmem_shared>> -> memref<10112x128xf32, #tpu.memory_space<vmem_shared>>
          tpu.enqueue_indirect_dma source(%arg11 : memref<125x128xf32, #tpu.memory_space<vmem>>) target(%dma_start3A_143 : memref<10112x128xf32, #tpu.memory_space<vmem_shared>>) offsets(%dma_start3A_140 : memref<125xi32, #tpu.memory_space<vmem>>) semaphore(%run_scoped3A : memref<!tpu.dma_semaphore, #tpu.memory_space<semaphore_mem>>) {add = true}
          %dma_wait3A_144 = arith.constant 0 : i32
          %dma_wait3A_145 = tpu.memref_slice %arg9[%mul3A_116, %dma_wait3A_144] : memref<20x125xi32, #tpu.memory_space<vmem>> -> memref<1x125xi32, #tpu.memory_space<vmem>>
          %dma_wait3A_146 = tpu.memref_squeeze %dma_wait3A_145 : memref<1x125xi32, #tpu.memory_space<vmem>> -> memref<125xi32, #tpu.memory_space<vmem>>
          %dma_wait3A_147 = arith.constant 0 : i32
          %dma_wait3A_148 = arith.constant 0 : i32
          %dma_wait3A_149 = tpu.memref_slice %arg13[%dma_wait3A_147, %dma_wait3A_148] : memref<10112x128xf32, #tpu.memory_space<vmem_shared>> -> memref<10112x128xf32, #tpu.memory_space<vmem_shared>>
          tpu.wait_indirect_dma semaphore(%run_scoped3A : memref<!tpu.dma_semaphore, #tpu.memory_space<semaphore_mem>>) src(%arg11 : memref<125x128xf32, #tpu.memory_space<vmem>>) dst(%dma_wait3A_149 : memref<10112x128xf32, #tpu.memory_space<vmem_shared>>)
          tpu.yield
        }) : () -> ()
        %dma_wait3A_130 = arith.constant 0 : i32
        %dma_wait3A_131 = tpu.memref_slice %arg10[%add3A_118, %dma_wait3A_130] : memref<20x125xi32, #tpu.memory_space<vmem>> -> memref<1x125xi32, #tpu.memory_space<vmem>>
        %dma_wait3A_132 = tpu.memref_squeeze %dma_wait3A_131 : memref<1x125xi32, #tpu.memory_space<vmem>> -> memref<125xi32, #tpu.memory_space<vmem>>
        %dma_wait3A_133 = arith.constant 0 : i32
        %dma_wait3A_134 = arith.constant 0 : i32
        %dma_wait3A_135 = tpu.memref_slice %arg2[%dma_wait3A_133, %dma_wait3A_134] : memref<10000x128xf32, #tpu.memory_space<hbm>> -> memref<10000x128xf32, #tpu.memory_space<hbm>>
        tpu.wait_indirect_dma semaphore(%arg15 : memref<!tpu.dma_semaphore, #tpu.memory_space<semaphore_mem>>) src(%dma_wait3A_135 : memref<10000x128xf32, #tpu.memory_space<hbm>>) dst(%arg12 : memref<125x128xf32, #tpu.memory_space<vmem>>)
        %lt3A = arith.constant 9 : i32
        %lt3A_136 = arith.cmpi slt, %scan3A_114, %lt3A : i32
        %convert_element_type3A = arith.extui %lt3A_136 : i1 to i32
        %cond3A = arith.constant 0 : i32
        %cond3A_137 = arith.cmpi ne, %convert_element_type3A, %cond3A : i32
        scf.if %cond3A_137 {
          %add3A_138 = arith.constant 2 : i32
          %add3A_139 = arith.addi %mul3A_116, %add3A_138 : i32
          %dma_start3A_140 = arith.constant 0 : i32
          %dma_start3A_141 = tpu.memref_slice %arg10[%add3A_139, %dma_start3A_140] : memref<20x125xi32, #tpu.memory_space<vmem>> -> memref<1x125xi32, #tpu.memory_space<vmem>>
          %dma_start3A_142 = tpu.memref_squeeze %dma_start3A_141 : memref<1x125xi32, #tpu.memory_space<vmem>> -> memref<125xi32, #tpu.memory_space<vmem>>
          %dma_start3A_143 = arith.constant 0 : i32
          %dma_start3A_144 = arith.constant 0 : i32
          %dma_start3A_145 = tpu.memref_slice %arg2[%dma_start3A_143, %dma_start3A_144] : memref<10000x128xf32, #tpu.memory_space<hbm>> -> memref<10000x128xf32, #tpu.memory_space<hbm>>
          tpu.enqueue_indirect_dma source(%dma_start3A_145 : memref<10000x128xf32, #tpu.memory_space<hbm>>) target(%arg11 : memref<125x128xf32, #tpu.memory_space<vmem>>) offsets(%dma_start3A_142 : memref<125xi32, #tpu.memory_space<vmem>>) semaphore(%arg14 : memref<!tpu.dma_semaphore, #tpu.memory_space<semaphore_mem>>)
        } else {
        }
        "tpu.region"() ({
          %run_scoped3A = tpu.sem_alloc : memref<!tpu.dma_semaphore, #tpu.memory_space<semaphore_mem>>
          %dma_start3A_138 = arith.constant 0 : i32
          %dma_start3A_139 = tpu.memref_slice %arg9[%add3A_118, %dma_start3A_138] : memref<20x125xi32, #tpu.memory_space<vmem>> -> memref<1x125xi32, #tpu.memory_space<vmem>>
          %dma_start3A_140 = tpu.memref_squeeze %dma_start3A_139 : memref<1x125xi32, #tpu.memory_space<vmem>> -> memref<125xi32, #tpu.memory_space<vmem>>
          %dma_start3A_141 = arith.constant 0 : i32
          %dma_start3A_142 = arith.constant 0 : i32
          %dma_start3A_143 = tpu.memref_slice %arg13[%dma_start3A_141, %dma_start3A_142] : memref<10112x128xf32, #tpu.memory_space<vmem_shared>> -> memref<10112x128xf32, #tpu.memory_space<vmem_shared>>
          tpu.enqueue_indirect_dma source(%arg12 : memref<125x128xf32, #tpu.memory_space<vmem>>) target(%dma_start3A_143 : memref<10112x128xf32, #tpu.memory_space<vmem_shared>>) offsets(%dma_start3A_140 : memref<125xi32, #tpu.memory_space<vmem>>) semaphore(%run_scoped3A : memref<!tpu.dma_semaphore, #tpu.memory_space<semaphore_mem>>) {add = true}
          %dma_wait3A_144 = arith.constant 0 : i32
          %dma_wait3A_145 = tpu.memref_slice %arg9[%add3A_118, %dma_wait3A_144] : memref<20x125xi32, #tpu.memory_space<vmem>> -> memref<1x125xi32, #tpu.memory_space<vmem>>
          %dma_wait3A_146 = tpu.memref_squeeze %dma_wait3A_145 : memref<1x125xi32, #tpu.memory_space<vmem>> -> memref<125xi32, #tpu.memory_space<vmem>>
          %dma_wait3A_147 = arith.constant 0 : i32
          %dma_wait3A_148 = arith.constant 0 : i32
          %dma_wait3A_149 = tpu.memref_slice %arg13[%dma_wait3A_147, %dma_wait3A_148] : memref<10112x128xf32, #tpu.memory_space<vmem_shared>> -> memref<10112x128xf32, #tpu.memory_space<vmem_shared>>
          tpu.wait_indirect_dma semaphore(%run_scoped3A : memref<!tpu.dma_semaphore, #tpu.memory_space<semaphore_mem>>) src(%arg12 : memref<125x128xf32, #tpu.memory_space<vmem>>) dst(%dma_wait3A_149 : memref<10112x128xf32, #tpu.memory_space<vmem_shared>>)
          tpu.yield
        }) : () -> ()
      }
      %scan3A_113 = arith.constant 10 : i32
    }
    %scan3A_21 = arith.constant 4 : i32
    %barrier3A_22 = arith.constant 0 : index
    tpu.barrier barrier_id(%barrier3A_22)
    "tpu.region"() ({
      %run_scoped3A = tpu.sem_alloc : memref<!tpu.dma_semaphore, #tpu.memory_space<semaphore_mem>>
      tpu.enqueue_dma source(%arg5 : memref<125x128xf32, #tpu.memory_space<hbm>>) target(%arg12 : memref<125x128xf32, #tpu.memory_space<vmem>>) target_semaphore(%run_scoped3A : memref<!tpu.dma_semaphore, #tpu.memory_space<semaphore_mem>>)
      tpu.wait_dma2 semaphore(%run_scoped3A : memref<!tpu.dma_semaphore, #tpu.memory_space<semaphore_mem>>) src(%arg5 : memref<125x128xf32, #tpu.memory_space<hbm>>) dst(%arg12 : memref<125x128xf32, #tpu.memory_space<vmem>>)
      tpu.yield
    }) : () -> ()
    %add3A_23 = arith.constant 0 : i32
    %add3A_24 = arith.addi %mul3A_2, %add3A_23 : i32
    "tpu.region"() ({
      %run_scoped3A = tpu.sem_alloc : memref<!tpu.dma_semaphore, #tpu.memory_space<semaphore_mem>>
      %dma_start3A = arith.constant 0 : i32
      %dma_start3A_101 = arith.constant 0 : i32
      %dma_start3A_102 = tpu.memref_slice %arg11[%dma_start3A, %dma_start3A_101] : memref<125x128xf32, #tpu.memory_space<vmem>> -> memref<104x128xf32, #tpu.memory_space<vmem>>
      %dma_start3A_103 = arith.constant 0 : i32
      %dma_start3A_104 = tpu.memref_slice %arg13[%add3A_24, %dma_start3A_103] : memref<10112x128xf32, #tpu.memory_space<vmem_shared>> -> memref<104x128xf32, #tpu.memory_space<vmem_shared>>
      %dma_start3A_105 = arith.constant 0 : i32
      %dma_start3A_106 = arith.constant 0 : i32
      %dma_start3A_107 = tpu.memref_slice %arg11[%dma_start3A_105, %dma_start3A_106] : memref<125x128xf32, #tpu.memory_space<vmem>> -> memref<104x128xf32, #tpu.memory_space<vmem>>
      %dma_start3A_108 = arith.constant 0 : i32
      %dma_start3A_109 = tpu.memref_slice %arg13[%add3A_24, %dma_start3A_108] : memref<10112x128xf32, #tpu.memory_space<vmem_shared>> -> memref<104x128xf32, #tpu.memory_space<vmem_shared>>
      tpu.enqueue_dma source(%dma_start3A_109 : memref<104x128xf32, #tpu.memory_space<vmem_shared>>) target(%dma_start3A_107 : memref<104x128xf32, #tpu.memory_space<vmem>>) target_semaphore(%run_scoped3A : memref<!tpu.dma_semaphore, #tpu.memory_space<semaphore_mem>>)
      %dma_wait3A = arith.constant 0 : i32
      %dma_wait3A_110 = arith.constant 0 : i32
      %dma_wait3A_111 = tpu.memref_slice %arg11[%dma_wait3A, %dma_wait3A_110] : memref<125x128xf32, #tpu.memory_space<vmem>> -> memref<104x128xf32, #tpu.memory_space<vmem>>
      %dma_wait3A_112 = arith.constant 0 : i32
      %dma_wait3A_113 = tpu.memref_slice %arg13[%add3A_24, %dma_wait3A_112] : memref<10112x128xf32, #tpu.memory_space<vmem_shared>> -> memref<104x128xf32, #tpu.memory_space<vmem_shared>>
      %dma_wait3A_114 = arith.constant 0 : i32
      %dma_wait3A_115 = arith.constant 0 : i32
      %dma_wait3A_116 = tpu.memref_slice %arg11[%dma_wait3A_114, %dma_wait3A_115] : memref<125x128xf32, #tpu.memory_space<vmem>> -> memref<104x128xf32, #tpu.memory_space<vmem>>
      %dma_wait3A_117 = arith.constant 0 : i32
      %dma_wait3A_118 = tpu.memref_slice %arg13[%add3A_24, %dma_wait3A_117] : memref<10112x128xf32, #tpu.memory_space<vmem_shared>> -> memref<104x128xf32, #tpu.memory_space<vmem_shared>>
      tpu.wait_dma2 semaphore(%run_scoped3A : memref<!tpu.dma_semaphore, #tpu.memory_space<semaphore_mem>>) src(%dma_wait3A_118 : memref<104x128xf32, #tpu.memory_space<vmem_shared>>) dst(%dma_wait3A_116 : memref<104x128xf32, #tpu.memory_space<vmem>>)
      tpu.yield
    }) : () -> ()
    %add3A_25 = arith.constant 0 : i32
    %add3A_26 = arith.addi %mul3A_2, %add3A_25 : i32
    "tpu.region"() ({
      %run_scoped3A = tpu.sem_alloc : memref<!tpu.dma_semaphore, #tpu.memory_space<semaphore_mem>>
      %dma_start3A = arith.constant 0 : i32
      %dma_start3A_101 = arith.constant 0 : i32
      %dma_start3A_102 = tpu.memref_slice %arg11[%dma_start3A, %dma_start3A_101] : memref<125x128xf32, #tpu.memory_space<vmem>> -> memref<104x128xf32, #tpu.memory_space<vmem>>
      %dma_start3A_103 = arith.constant 0 : i32
      %dma_start3A_104 = tpu.memref_slice %arg7[%arg0, %add3A_26, %dma_start3A_103] : memref<2x10112x128xf32, #tpu.memory_space<hbm>> -> memref<1x104x128xf32, #tpu.memory_space<hbm>>
      %dma_start3A_105 = tpu.memref_squeeze %dma_start3A_104 : memref<1x104x128xf32, #tpu.memory_space<hbm>> -> memref<104x128xf32, #tpu.memory_space<hbm>>
      %dma_start3A_106 = arith.constant 0 : i32
      %dma_start3A_107 = tpu.memref_slice %arg7[%arg0, %add3A_26, %dma_start3A_106] : memref<2x10112x128xf32, #tpu.memory_space<hbm>> -> memref<1x104x128xf32, #tpu.memory_space<hbm>>
      %dma_start3A_108 = tpu.memref_squeeze %dma_start3A_107 : memref<1x104x128xf32, #tpu.memory_space<hbm>> -> memref<104x128xf32, #tpu.memory_space<hbm>>
      %dma_start3A_109 = arith.constant 0 : i32
      %dma_start3A_110 = arith.constant 0 : i32
      %dma_start3A_111 = tpu.memref_slice %arg11[%dma_start3A_109, %dma_start3A_110] : memref<125x128xf32, #tpu.memory_space<vmem>> -> memref<104x128xf32, #tpu.memory_space<vmem>>
      tpu.enqueue_dma source(%dma_start3A_111 : memref<104x128xf32, #tpu.memory_space<vmem>>) target(%dma_start3A_108 : memref<104x128xf32, #tpu.memory_space<hbm>>) target_semaphore(%run_scoped3A : memref<!tpu.dma_semaphore, #tpu.memory_space<semaphore_mem>>)
      %dma_wait3A = arith.constant 0 : i32
      %dma_wait3A_112 = arith.constant 0 : i32
      %dma_wait3A_113 = tpu.memref_slice %arg11[%dma_wait3A, %dma_wait3A_112] : memref<125x128xf32, #tpu.memory_space<vmem>> -> memref<104x128xf32, #tpu.memory_space<vmem>>
      %dma_wait3A_114 = arith.constant 0 : i32
      %dma_wait3A_115 = tpu.memref_slice %arg7[%arg0, %add3A_26, %dma_wait3A_114] : memref<2x10112x128xf32, #tpu.memory_space<hbm>> -> memref<1x104x128xf32, #tpu.memory_space<hbm>>
      %dma_wait3A_116 = tpu.memref_squeeze %dma_wait3A_115 : memref<1x104x128xf32, #tpu.memory_space<hbm>> -> memref<104x128xf32, #tpu.memory_space<hbm>>
      %dma_wait3A_117 = arith.constant 0 : i32
      %dma_wait3A_118 = tpu.memref_slice %arg7[%arg0, %add3A_26, %dma_wait3A_117] : memref<2x10112x128xf32, #tpu.memory_space<hbm>> -> memref<1x104x128xf32, #tpu.memory_space<hbm>>
      %dma_wait3A_119 = tpu.memref_squeeze %dma_wait3A_118 : memref<1x104x128xf32, #tpu.memory_space<hbm>> -> memref<104x128xf32, #tpu.memory_space<hbm>>
      %dma_wait3A_120 = arith.constant 0 : i32
      %dma_wait3A_121 = arith.constant 0 : i32
      %dma_wait3A_122 = tpu.memref_slice %arg11[%dma_wait3A_120, %dma_wait3A_121] : memref<125x128xf32, #tpu.memory_space<vmem>> -> memref<104x128xf32, #tpu.memory_space<vmem>>
      tpu.wait_dma2 semaphore(%run_scoped3A : memref<!tpu.dma_semaphore, #tpu.memory_space<semaphore_mem>>) src(%dma_wait3A_122 : memref<104x128xf32, #tpu.memory_space<vmem>>) dst(%dma_wait3A_119 : memref<104x128xf32, #tpu.memory_space<hbm>>)
      tpu.yield
    }) : () -> ()
    %add3A_27 = arith.constant 0 : i32
    %add3A_28 = arith.addi %mul3A_2, %add3A_27 : i32
    "tpu.region"() ({
      %run_scoped3A = tpu.sem_alloc : memref<!tpu.dma_semaphore, #tpu.memory_space<semaphore_mem>>
      %dma_start3A = arith.constant 0 : i32
      %dma_start3A_101 = arith.constant 0 : i32
      %dma_start3A_102 = tpu.memref_slice %arg12[%dma_start3A, %dma_start3A_101] : memref<125x128xf32, #tpu.memory_space<vmem>> -> memref<104x128xf32, #tpu.memory_space<vmem>>
      %dma_start3A_103 = arith.constant 0 : i32
      %dma_start3A_104 = tpu.memref_slice %arg13[%add3A_28, %dma_start3A_103] : memref<10112x128xf32, #tpu.memory_space<vmem_shared>> -> memref<104x128xf32, #tpu.memory_space<vmem_shared>>
      %dma_start3A_105 = arith.constant 0 : i32
      %dma_start3A_106 = tpu.memref_slice %arg13[%add3A_28, %dma_start3A_105] : memref<10112x128xf32, #tpu.memory_space<vmem_shared>> -> memref<104x128xf32, #tpu.memory_space<vmem_shared>>
      %dma_start3A_107 = arith.constant 0 : i32
      %dma_start3A_108 = arith.constant 0 : i32
      %dma_start3A_109 = tpu.memref_slice %arg12[%dma_start3A_107, %dma_start3A_108] : memref<125x128xf32, #tpu.memory_space<vmem>> -> memref<104x128xf32, #tpu.memory_space<vmem>>
      tpu.enqueue_dma source(%dma_start3A_109 : memref<104x128xf32, #tpu.memory_space<vmem>>) target(%dma_start3A_106 : memref<104x128xf32, #tpu.memory_space<vmem_shared>>) target_semaphore(%run_scoped3A : memref<!tpu.dma_semaphore, #tpu.memory_space<semaphore_mem>>)
      %dma_wait3A = arith.constant 0 : i32
      %dma_wait3A_110 = arith.constant 0 : i32
      %dma_wait3A_111 = tpu.memref_slice %arg12[%dma_wait3A, %dma_wait3A_110] : memref<125x128xf32, #tpu.memory_space<vmem>> -> memref<104x128xf32, #tpu.memory_space<vmem>>
      %dma_wait3A_112 = arith.constant 0 : i32
      %dma_wait3A_113 = tpu.memref_slice %arg13[%add3A_28, %dma_wait3A_112] : memref<10112x128xf32, #tpu.memory_space<vmem_shared>> -> memref<104x128xf32, #tpu.memory_space<vmem_shared>>
      %dma_wait3A_114 = arith.constant 0 : i32
      %dma_wait3A_115 = tpu.memref_slice %arg13[%add3A_28, %dma_wait3A_114] : memref<10112x128xf32, #tpu.memory_space<vmem_shared>> -> memref<104x128xf32, #tpu.memory_space<vmem_shared>>
      %dma_wait3A_116 = arith.constant 0 : i32
      %dma_wait3A_117 = arith.constant 0 : i32
      %dma_wait3A_118 = tpu.memref_slice %arg12[%dma_wait3A_116, %dma_wait3A_117] : memref<125x128xf32, #tpu.memory_space<vmem>> -> memref<104x128xf32, #tpu.memory_space<vmem>>
      tpu.wait_dma2 semaphore(%run_scoped3A : memref<!tpu.dma_semaphore, #tpu.memory_space<semaphore_mem>>) src(%dma_wait3A_118 : memref<104x128xf32, #tpu.memory_space<vmem>>) dst(%dma_wait3A_115 : memref<104x128xf32, #tpu.memory_space<vmem_shared>>)
      tpu.yield
    }) : () -> ()
    %add3A_29 = arith.constant 104 : i32
    %add3A_30 = arith.addi %mul3A_2, %add3A_29 : i32
    "tpu.region"() ({
      %run_scoped3A = tpu.sem_alloc : memref<!tpu.dma_semaphore, #tpu.memory_space<semaphore_mem>>
      %dma_start3A = arith.constant 0 : i32
      %dma_start3A_101 = arith.constant 0 : i32
      %dma_start3A_102 = tpu.memref_slice %arg11[%dma_start3A, %dma_start3A_101] : memref<125x128xf32, #tpu.memory_space<vmem>> -> memref<104x128xf32, #tpu.memory_space<vmem>>
      %dma_start3A_103 = arith.constant 0 : i32
      %dma_start3A_104 = tpu.memref_slice %arg13[%add3A_30, %dma_start3A_103] : memref<10112x128xf32, #tpu.memory_space<vmem_shared>> -> memref<104x128xf32, #tpu.memory_space<vmem_shared>>
      %dma_start3A_105 = arith.constant 0 : i32
      %dma_start3A_106 = arith.constant 0 : i32
      %dma_start3A_107 = tpu.memref_slice %arg11[%dma_start3A_105, %dma_start3A_106] : memref<125x128xf32, #tpu.memory_space<vmem>> -> memref<104x128xf32, #tpu.memory_space<vmem>>
      %dma_start3A_108 = arith.constant 0 : i32
      %dma_start3A_109 = tpu.memref_slice %arg13[%add3A_30, %dma_start3A_108] : memref<10112x128xf32, #tpu.memory_space<vmem_shared>> -> memref<104x128xf32, #tpu.memory_space<vmem_shared>>
      tpu.enqueue_dma source(%dma_start3A_109 : memref<104x128xf32, #tpu.memory_space<vmem_shared>>) target(%dma_start3A_107 : memref<104x128xf32, #tpu.memory_space<vmem>>) target_semaphore(%run_scoped3A : memref<!tpu.dma_semaphore, #tpu.memory_space<semaphore_mem>>)
      %dma_wait3A = arith.constant 0 : i32
      %dma_wait3A_110 = arith.constant 0 : i32
      %dma_wait3A_111 = tpu.memref_slice %arg11[%dma_wait3A, %dma_wait3A_110] : memref<125x128xf32, #tpu.memory_space<vmem>> -> memref<104x128xf32, #tpu.memory_space<vmem>>
      %dma_wait3A_112 = arith.constant 0 : i32
      %dma_wait3A_113 = tpu.memref_slice %arg13[%add3A_30, %dma_wait3A_112] : memref<10112x128xf32, #tpu.memory_space<vmem_shared>> -> memref<104x128xf32, #tpu.memory_space<vmem_shared>>
      %dma_wait3A_114 = arith.constant 0 : i32
      %dma_wait3A_115 = arith.constant 0 : i32
      %dma_wait3A_116 = tpu.memref_slice %arg11[%dma_wait3A_114, %dma_wait3A_115] : memref<125x128xf32, #tpu.memory_space<vmem>> -> memref<104x128xf32, #tpu.memory_space<vmem>>
      %dma_wait3A_117 = arith.constant 0 : i32
      %dma_wait3A_118 = tpu.memref_slice %arg13[%add3A_30, %dma_wait3A_117] : memref<10112x128xf32, #tpu.memory_space<vmem_shared>> -> memref<104x128xf32, #tpu.memory_space<vmem_shared>>
      tpu.wait_dma2 semaphore(%run_scoped3A : memref<!tpu.dma_semaphore, #tpu.memory_space<semaphore_mem>>) src(%dma_wait3A_118 : memref<104x128xf32, #tpu.memory_space<vmem_shared>>) dst(%dma_wait3A_116 : memref<104x128xf32, #tpu.memory_space<vmem>>)
      tpu.yield
    }) : () -> ()
    %add3A_31 = arith.constant 104 : i32
    %add3A_32 = arith.addi %mul3A_2, %add3A_31 : i32
    "tpu.region"() ({
      %run_scoped3A = tpu.sem_alloc : memref<!tpu.dma_semaphore, #tpu.memory_space<semaphore_mem>>
      %dma_start3A = arith.constant 0 : i32
      %dma_start3A_101 = arith.constant 0 : i32
      %dma_start3A_102 = tpu.memref_slice %arg11[%dma_start3A, %dma_start3A_101] : memref<125x128xf32, #tpu.memory_space<vmem>> -> memref<104x128xf32, #tpu.memory_space<vmem>>
      %dma_start3A_103 = arith.constant 0 : i32
      %dma_start3A_104 = tpu.memref_slice %arg7[%arg0, %add3A_32, %dma_start3A_103] : memref<2x10112x128xf32, #tpu.memory_space<hbm>> -> memref<1x104x128xf32, #tpu.memory_space<hbm>>
      %dma_start3A_105 = tpu.memref_squeeze %dma_start3A_104 : memref<1x104x128xf32, #tpu.memory_space<hbm>> -> memref<104x128xf32, #tpu.memory_space<hbm>>
      %dma_start3A_106 = arith.constant 0 : i32
      %dma_start3A_107 = tpu.memref_slice %arg7[%arg0, %add3A_32, %dma_start3A_106] : memref<2x10112x128xf32, #tpu.memory_space<hbm>> -> memref<1x104x128xf32, #tpu.memory_space<hbm>>
      %dma_start3A_108 = tpu.memref_squeeze %dma_start3A_107 : memref<1x104x128xf32, #tpu.memory_space<hbm>> -> memref<104x128xf32, #tpu.memory_space<hbm>>
      %dma_start3A_109 = arith.constant 0 : i32
      %dma_start3A_110 = arith.constant 0 : i32
      %dma_start3A_111 = tpu.memref_slice %arg11[%dma_start3A_109, %dma_start3A_110] : memref<125x128xf32, #tpu.memory_space<vmem>> -> memref<104x128xf32, #tpu.memory_space<vmem>>
      tpu.enqueue_dma source(%dma_start3A_111 : memref<104x128xf32, #tpu.memory_space<vmem>>) target(%dma_start3A_108 : memref<104x128xf32, #tpu.memory_space<hbm>>) target_semaphore(%run_scoped3A : memref<!tpu.dma_semaphore, #tpu.memory_space<semaphore_mem>>)
      %dma_wait3A = arith.constant 0 : i32
      %dma_wait3A_112 = arith.constant 0 : i32
      %dma_wait3A_113 = tpu.memref_slice %arg11[%dma_wait3A, %dma_wait3A_112] : memref<125x128xf32, #tpu.memory_space<vmem>> -> memref<104x128xf32, #tpu.memory_space<vmem>>
      %dma_wait3A_114 = arith.constant 0 : i32
      %dma_wait3A_115 = tpu.memref_slice %arg7[%arg0, %add3A_32, %dma_wait3A_114] : memref<2x10112x128xf32, #tpu.memory_space<hbm>> -> memref<1x104x128xf32, #tpu.memory_space<hbm>>
      %dma_wait3A_116 = tpu.memref_squeeze %dma_wait3A_115 : memref<1x104x128xf32, #tpu.memory_space<hbm>> -> memref<104x128xf32, #tpu.memory_space<hbm>>
      %dma_wait3A_117 = arith.constant 0 : i32
      %dma_wait3A_118 = tpu.memref_slice %arg7[%arg0, %add3A_32, %dma_wait3A_117] : memref<2x10112x128xf32, #tpu.memory_space<hbm>> -> memref<1x104x128xf32, #tpu.memory_space<hbm>>
      %dma_wait3A_119 = tpu.memref_squeeze %dma_wait3A_118 : memref<1x104x128xf32, #tpu.memory_space<hbm>> -> memref<104x128xf32, #tpu.memory_space<hbm>>
      %dma_wait3A_120 = arith.constant 0 : i32
      %dma_wait3A_121 = arith.constant 0 : i32
      %dma_wait3A_122 = tpu.memref_slice %arg11[%dma_wait3A_120, %dma_wait3A_121] : memref<125x128xf32, #tpu.memory_space<vmem>> -> memref<104x128xf32, #tpu.memory_space<vmem>>
      tpu.wait_dma2 semaphore(%run_scoped3A : memref<!tpu.dma_semaphore, #tpu.memory_space<semaphore_mem>>) src(%dma_wait3A_122 : memref<104x128xf32, #tpu.memory_space<vmem>>) dst(%dma_wait3A_119 : memref<104x128xf32, #tpu.memory_space<hbm>>)
      tpu.yield
    }) : () -> ()
    %add3A_33 = arith.constant 104 : i32
    %add3A_34 = arith.addi %mul3A_2, %add3A_33 : i32
    "tpu.region"() ({
      %run_scoped3A = tpu.sem_alloc : memref<!tpu.dma_semaphore, #tpu.memory_space<semaphore_mem>>
      %dma_start3A = arith.constant 0 : i32
      %dma_start3A_101 = arith.constant 0 : i32
      %dma_start3A_102 = tpu.memref_slice %arg12[%dma_start3A, %dma_start3A_101] : memref<125x128xf32, #tpu.memory_space<vmem>> -> memref<104x128xf32, #tpu.memory_space<vmem>>
      %dma_start3A_103 = arith.constant 0 : i32
      %dma_start3A_104 = tpu.memref_slice %arg13[%add3A_34, %dma_start3A_103] : memref<10112x128xf32, #tpu.memory_space<vmem_shared>> -> memref<104x128xf32, #tpu.memory_space<vmem_shared>>
      %dma_start3A_105 = arith.constant 0 : i32
      %dma_start3A_106 = tpu.memref_slice %arg13[%add3A_34, %dma_start3A_105] : memref<10112x128xf32, #tpu.memory_space<vmem_shared>> -> memref<104x128xf32, #tpu.memory_space<vmem_shared>>
      %dma_start3A_107 = arith.constant 0 : i32
      %dma_start3A_108 = arith.constant 0 : i32
      %dma_start3A_109 = tpu.memref_slice %arg12[%dma_start3A_107, %dma_start3A_108] : memref<125x128xf32, #tpu.memory_space<vmem>> -> memref<104x128xf32, #tpu.memory_space<vmem>>
      tpu.enqueue_dma source(%dma_start3A_109 : memref<104x128xf32, #tpu.memory_space<vmem>>) target(%dma_start3A_106 : memref<104x128xf32, #tpu.memory_space<vmem_shared>>) target_semaphore(%run_scoped3A : memref<!tpu.dma_semaphore, #tpu.memory_space<semaphore_mem>>)
      %dma_wait3A = arith.constant 0 : i32
      %dma_wait3A_110 = arith.constant 0 : i32
      %dma_wait3A_111 = tpu.memref_slice %arg12[%dma_wait3A, %dma_wait3A_110] : memref<125x128xf32, #tpu.memory_space<vmem>> -> memref<104x128xf32, #tpu.memory_space<vmem>>
      %dma_wait3A_112 = arith.constant 0 : i32
      %dma_wait3A_113 = tpu.memref_slice %arg13[%add3A_34, %dma_wait3A_112] : memref<10112x128xf32, #tpu.memory_space<vmem_shared>> -> memref<104x128xf32, #tpu.memory_space<vmem_shared>>
      %dma_wait3A_114 = arith.constant 0 : i32
      %dma_wait3A_115 = tpu.memref_slice %arg13[%add3A_34, %dma_wait3A_114] : memref<10112x128xf32, #tpu.memory_space<vmem_shared>> -> memref<104x128xf32, #tpu.memory_space<vmem_shared>>
      %dma_wait3A_116 = arith.constant 0 : i32
      %dma_wait3A_117 = arith.constant 0 : i32
      %dma_wait3A_118 = tpu.memref_slice %arg12[%dma_wait3A_116, %dma_wait3A_117] : memref<125x128xf32, #tpu.memory_space<vmem>> -> memref<104x128xf32, #tpu.memory_space<vmem>>
      tpu.wait_dma2 semaphore(%run_scoped3A : memref<!tpu.dma_semaphore, #tpu.memory_space<semaphore_mem>>) src(%dma_wait3A_118 : memref<104x128xf32, #tpu.memory_space<vmem>>) dst(%dma_wait3A_115 : memref<104x128xf32, #tpu.memory_space<vmem_shared>>)
      tpu.yield
    }) : () -> ()
    %add3A_35 = arith.constant 208 : i32
    %add3A_36 = arith.addi %mul3A_2, %add3A_35 : i32
    "tpu.region"() ({
      %run_scoped3A = tpu.sem_alloc : memref<!tpu.dma_semaphore, #tpu.memory_space<semaphore_mem>>
      %dma_start3A = arith.constant 0 : i32
      %dma_start3A_101 = arith.constant 0 : i32
      %dma_start3A_102 = tpu.memref_slice %arg11[%dma_start3A, %dma_start3A_101] : memref<125x128xf32, #tpu.memory_space<vmem>> -> memref<104x128xf32, #tpu.memory_space<vmem>>
      %dma_start3A_103 = arith.constant 0 : i32
      %dma_start3A_104 = tpu.memref_slice %arg13[%add3A_36, %dma_start3A_103] : memref<10112x128xf32, #tpu.memory_space<vmem_shared>> -> memref<104x128xf32, #tpu.memory_space<vmem_shared>>
      %dma_start3A_105 = arith.constant 0 : i32
      %dma_start3A_106 = arith.constant 0 : i32
      %dma_start3A_107 = tpu.memref_slice %arg11[%dma_start3A_105, %dma_start3A_106] : memref<125x128xf32, #tpu.memory_space<vmem>> -> memref<104x128xf32, #tpu.memory_space<vmem>>
      %dma_start3A_108 = arith.constant 0 : i32
      %dma_start3A_109 = tpu.memref_slice %arg13[%add3A_36, %dma_start3A_108] : memref<10112x128xf32, #tpu.memory_space<vmem_shared>> -> memref<104x128xf32, #tpu.memory_space<vmem_shared>>
      tpu.enqueue_dma source(%dma_start3A_109 : memref<104x128xf32, #tpu.memory_space<vmem_shared>>) target(%dma_start3A_107 : memref<104x128xf32, #tpu.memory_space<vmem>>) target_semaphore(%run_scoped3A : memref<!tpu.dma_semaphore, #tpu.memory_space<semaphore_mem>>)
      %dma_wait3A = arith.constant 0 : i32
      %dma_wait3A_110 = arith.constant 0 : i32
      %dma_wait3A_111 = tpu.memref_slice %arg11[%dma_wait3A, %dma_wait3A_110] : memref<125x128xf32, #tpu.memory_space<vmem>> -> memref<104x128xf32, #tpu.memory_space<vmem>>
      %dma_wait3A_112 = arith.constant 0 : i32
      %dma_wait3A_113 = tpu.memref_slice %arg13[%add3A_36, %dma_wait3A_112] : memref<10112x128xf32, #tpu.memory_space<vmem_shared>> -> memref<104x128xf32, #tpu.memory_space<vmem_shared>>
      %dma_wait3A_114 = arith.constant 0 : i32
      %dma_wait3A_115 = arith.constant 0 : i32
      %dma_wait3A_116 = tpu.memref_slice %arg11[%dma_wait3A_114, %dma_wait3A_115] : memref<125x128xf32, #tpu.memory_space<vmem>> -> memref<104x128xf32, #tpu.memory_space<vmem>>
      %dma_wait3A_117 = arith.constant 0 : i32
      %dma_wait3A_118 = tpu.memref_slice %arg13[%add3A_36, %dma_wait3A_117] : memref<10112x128xf32, #tpu.memory_space<vmem_shared>> -> memref<104x128xf32, #tpu.memory_space<vmem_shared>>
      tpu.wait_dma2 semaphore(%run_scoped3A : memref<!tpu.dma_semaphore, #tpu.memory_space<semaphore_mem>>) src(%dma_wait3A_118 : memref<104x128xf32, #tpu.memory_space<vmem_shared>>) dst(%dma_wait3A_116 : memref<104x128xf32, #tpu.memory_space<vmem>>)
      tpu.yield
    }) : () -> ()
    %add3A_37 = arith.constant 208 : i32
    %add3A_38 = arith.addi %mul3A_2, %add3A_37 : i32
    "tpu.region"() ({
      %run_scoped3A = tpu.sem_alloc : memref<!tpu.dma_semaphore, #tpu.memory_space<semaphore_mem>>
      %dma_start3A = arith.constant 0 : i32
      %dma_start3A_101 = arith.constant 0 : i32
      %dma_start3A_102 = tpu.memref_slice %arg11[%dma_start3A, %dma_start3A_101] : memref<125x128xf32, #tpu.memory_space<vmem>> -> memref<104x128xf32, #tpu.memory_space<vmem>>
      %dma_start3A_103 = arith.constant 0 : i32
      %dma_start3A_104 = tpu.memref_slice %arg7[%arg0, %add3A_38, %dma_start3A_103] : memref<2x10112x128xf32, #tpu.memory_space<hbm>> -> memref<1x104x128xf32, #tpu.memory_space<hbm>>
      %dma_start3A_105 = tpu.memref_squeeze %dma_start3A_104 : memref<1x104x128xf32, #tpu.memory_space<hbm>> -> memref<104x128xf32, #tpu.memory_space<hbm>>
      %dma_start3A_106 = arith.constant 0 : i32
      %dma_start3A_107 = tpu.memref_slice %arg7[%arg0, %add3A_38, %dma_start3A_106] : memref<2x10112x128xf32, #tpu.memory_space<hbm>> -> memref<1x104x128xf32, #tpu.memory_space<hbm>>
      %dma_start3A_108 = tpu.memref_squeeze %dma_start3A_107 : memref<1x104x128xf32, #tpu.memory_space<hbm>> -> memref<104x128xf32, #tpu.memory_space<hbm>>
      %dma_start3A_109 = arith.constant 0 : i32
      %dma_start3A_110 = arith.constant 0 : i32
      %dma_start3A_111 = tpu.memref_slice %arg11[%dma_start3A_109, %dma_start3A_110] : memref<125x128xf32, #tpu.memory_space<vmem>> -> memref<104x128xf32, #tpu.memory_space<vmem>>
      tpu.enqueue_dma source(%dma_start3A_111 : memref<104x128xf32, #tpu.memory_space<vmem>>) target(%dma_start3A_108 : memref<104x128xf32, #tpu.memory_space<hbm>>) target_semaphore(%run_scoped3A : memref<!tpu.dma_semaphore, #tpu.memory_space<semaphore_mem>>)
      %dma_wait3A = arith.constant 0 : i32
      %dma_wait3A_112 = arith.constant 0 : i32
      %dma_wait3A_113 = tpu.memref_slice %arg11[%dma_wait3A, %dma_wait3A_112] : memref<125x128xf32, #tpu.memory_space<vmem>> -> memref<104x128xf32, #tpu.memory_space<vmem>>
      %dma_wait3A_114 = arith.constant 0 : i32
      %dma_wait3A_115 = tpu.memref_slice %arg7[%arg0, %add3A_38, %dma_wait3A_114] : memref<2x10112x128xf32, #tpu.memory_space<hbm>> -> memref<1x104x128xf32, #tpu.memory_space<hbm>>
      %dma_wait3A_116 = tpu.memref_squeeze %dma_wait3A_115 : memref<1x104x128xf32, #tpu.memory_space<hbm>> -> memref<104x128xf32, #tpu.memory_space<hbm>>
      %dma_wait3A_117 = arith.constant 0 : i32
      %dma_wait3A_118 = tpu.memref_slice %arg7[%arg0, %add3A_38, %dma_wait3A_117] : memref<2x10112x128xf32, #tpu.memory_space<hbm>> -> memref<1x104x128xf32, #tpu.memory_space<hbm>>
      %dma_wait3A_119 = tpu.memref_squeeze %dma_wait3A_118 : memref<1x104x128xf32, #tpu.memory_space<hbm>> -> memref<104x128xf32, #tpu.memory_space<hbm>>
      %dma_wait3A_120 = arith.constant 0 : i32
      %dma_wait3A_121 = arith.constant 0 : i32
      %dma_wait3A_122 = tpu.memref_slice %arg11[%dma_wait3A_120, %dma_wait3A_121] : memref<125x128xf32, #tpu.memory_space<vmem>> -> memref<104x128xf32, #tpu.memory_space<vmem>>
      tpu.wait_dma2 semaphore(%run_scoped3A : memref<!tpu.dma_semaphore, #tpu.memory_space<semaphore_mem>>) src(%dma_wait3A_122 : memref<104x128xf32, #tpu.memory_space<vmem>>) dst(%dma_wait3A_119 : memref<104x128xf32, #tpu.memory_space<hbm>>)
      tpu.yield
    }) : () -> ()
    %add3A_39 = arith.constant 208 : i32
    %add3A_40 = arith.addi %mul3A_2, %add3A_39 : i32
    "tpu.region"() ({
      %run_scoped3A = tpu.sem_alloc : memref<!tpu.dma_semaphore, #tpu.memory_space<semaphore_mem>>
      %dma_start3A = arith.constant 0 : i32
      %dma_start3A_101 = arith.constant 0 : i32
      %dma_start3A_102 = tpu.memref_slice %arg12[%dma_start3A, %dma_start3A_101] : memref<125x128xf32, #tpu.memory_space<vmem>> -> memref<104x128xf32, #tpu.memory_space<vmem>>
      %dma_start3A_103 = arith.constant 0 : i32
      %dma_start3A_104 = tpu.memref_slice %arg13[%add3A_40, %dma_start3A_103] : memref<10112x128xf32, #tpu.memory_space<vmem_shared>> -> memref<104x128xf32, #tpu.memory_space<vmem_shared>>
      %dma_start3A_105 = arith.constant 0 : i32
      %dma_start3A_106 = tpu.memref_slice %arg13[%add3A_40, %dma_start3A_105] : memref<10112x128xf32, #tpu.memory_space<vmem_shared>> -> memref<104x128xf32, #tpu.memory_space<vmem_shared>>
      %dma_start3A_107 = arith.constant 0 : i32
      %dma_start3A_108 = arith.constant 0 : i32
      %dma_start3A_109 = tpu.memref_slice %arg12[%dma_start3A_107, %dma_start3A_108] : memref<125x128xf32, #tpu.memory_space<vmem>> -> memref<104x128xf32, #tpu.memory_space<vmem>>
      tpu.enqueue_dma source(%dma_start3A_109 : memref<104x128xf32, #tpu.memory_space<vmem>>) target(%dma_start3A_106 : memref<104x128xf32, #tpu.memory_space<vmem_shared>>) target_semaphore(%run_scoped3A : memref<!tpu.dma_semaphore, #tpu.memory_space<semaphore_mem>>)
      %dma_wait3A = arith.constant 0 : i32
      %dma_wait3A_110 = arith.constant 0 : i32
      %dma_wait3A_111 = tpu.memref_slice %arg12[%dma_wait3A, %dma_wait3A_110] : memref<125x128xf32, #tpu.memory_space<vmem>> -> memref<104x128xf32, #tpu.memory_space<vmem>>
      %dma_wait3A_112 = arith.constant 0 : i32
      %dma_wait3A_113 = tpu.memref_slice %arg13[%add3A_40, %dma_wait3A_112] : memref<10112x128xf32, #tpu.memory_space<vmem_shared>> -> memref<104x128xf32, #tpu.memory_space<vmem_shared>>
      %dma_wait3A_114 = arith.constant 0 : i32
      %dma_wait3A_115 = tpu.memref_slice %arg13[%add3A_40, %dma_wait3A_114] : memref<10112x128xf32, #tpu.memory_space<vmem_shared>> -> memref<104x128xf32, #tpu.memory_space<vmem_shared>>
      %dma_wait3A_116 = arith.constant 0 : i32
      %dma_wait3A_117 = arith.constant 0 : i32
      %dma_wait3A_118 = tpu.memref_slice %arg12[%dma_wait3A_116, %dma_wait3A_117] : memref<125x128xf32, #tpu.memory_space<vmem>> -> memref<104x128xf32, #tpu.memory_space<vmem>>
      tpu.wait_dma2 semaphore(%run_scoped3A : memref<!tpu.dma_semaphore, #tpu.memory_space<semaphore_mem>>) src(%dma_wait3A_118 : memref<104x128xf32, #tpu.memory_space<vmem>>) dst(%dma_wait3A_115 : memref<104x128xf32, #tpu.memory_space<vmem_shared>>)
      tpu.yield
    }) : () -> ()
    %add3A_41 = arith.constant 312 : i32
    %add3A_42 = arith.addi %mul3A_2, %add3A_41 : i32
    "tpu.region"() ({
      %run_scoped3A = tpu.sem_alloc : memref<!tpu.dma_semaphore, #tpu.memory_space<semaphore_mem>>
      %dma_start3A = arith.constant 0 : i32
      %dma_start3A_101 = arith.constant 0 : i32
      %dma_start3A_102 = tpu.memref_slice %arg11[%dma_start3A, %dma_start3A_101] : memref<125x128xf32, #tpu.memory_space<vmem>> -> memref<104x128xf32, #tpu.memory_space<vmem>>
      %dma_start3A_103 = arith.constant 0 : i32
      %dma_start3A_104 = tpu.memref_slice %arg13[%add3A_42, %dma_start3A_103] : memref<10112x128xf32, #tpu.memory_space<vmem_shared>> -> memref<104x128xf32, #tpu.memory_space<vmem_shared>>
      %dma_start3A_105 = arith.constant 0 : i32
      %dma_start3A_106 = arith.constant 0 : i32
      %dma_start3A_107 = tpu.memref_slice %arg11[%dma_start3A_105, %dma_start3A_106] : memref<125x128xf32, #tpu.memory_space<vmem>> -> memref<104x128xf32, #tpu.memory_space<vmem>>
      %dma_start3A_108 = arith.constant 0 : i32
      %dma_start3A_109 = tpu.memref_slice %arg13[%add3A_42, %dma_start3A_108] : memref<10112x128xf32, #tpu.memory_space<vmem_shared>> -> memref<104x128xf32, #tpu.memory_space<vmem_shared>>
      tpu.enqueue_dma source(%dma_start3A_109 : memref<104x128xf32, #tpu.memory_space<vmem_shared>>) target(%dma_start3A_107 : memref<104x128xf32, #tpu.memory_space<vmem>>) target_semaphore(%run_scoped3A : memref<!tpu.dma_semaphore, #tpu.memory_space<semaphore_mem>>)
      %dma_wait3A = arith.constant 0 : i32
      %dma_wait3A_110 = arith.constant 0 : i32
      %dma_wait3A_111 = tpu.memref_slice %arg11[%dma_wait3A, %dma_wait3A_110] : memref<125x128xf32, #tpu.memory_space<vmem>> -> memref<104x128xf32, #tpu.memory_space<vmem>>
      %dma_wait3A_112 = arith.constant 0 : i32
      %dma_wait3A_113 = tpu.memref_slice %arg13[%add3A_42, %dma_wait3A_112] : memref<10112x128xf32, #tpu.memory_space<vmem_shared>> -> memref<104x128xf32, #tpu.memory_space<vmem_shared>>
      %dma_wait3A_114 = arith.constant 0 : i32
      %dma_wait3A_115 = arith.constant 0 : i32
      %dma_wait3A_116 = tpu.memref_slice %arg11[%dma_wait3A_114, %dma_wait3A_115] : memref<125x128xf32, #tpu.memory_space<vmem>> -> memref<104x128xf32, #tpu.memory_space<vmem>>
      %dma_wait3A_117 = arith.constant 0 : i32
      %dma_wait3A_118 = tpu.memref_slice %arg13[%add3A_42, %dma_wait3A_117] : memref<10112x128xf32, #tpu.memory_space<vmem_shared>> -> memref<104x128xf32, #tpu.memory_space<vmem_shared>>
      tpu.wait_dma2 semaphore(%run_scoped3A : memref<!tpu.dma_semaphore, #tpu.memory_space<semaphore_mem>>) src(%dma_wait3A_118 : memref<104x128xf32, #tpu.memory_space<vmem_shared>>) dst(%dma_wait3A_116 : memref<104x128xf32, #tpu.memory_space<vmem>>)
      tpu.yield
    }) : () -> ()
    %add3A_43 = arith.constant 312 : i32
    %add3A_44 = arith.addi %mul3A_2, %add3A_43 : i32
    "tpu.region"() ({
      %run_scoped3A = tpu.sem_alloc : memref<!tpu.dma_semaphore, #tpu.memory_space<semaphore_mem>>
      %dma_start3A = arith.constant 0 : i32
      %dma_start3A_101 = arith.constant 0 : i32
      %dma_start3A_102 = tpu.memref_slice %arg11[%dma_start3A, %dma_start3A_101] : memref<125x128xf32, #tpu.memory_space<vmem>> -> memref<104x128xf32, #tpu.memory_space<vmem>>
      %dma_start3A_103 = arith.constant 0 : i32
      %dma_start3A_104 = tpu.memref_slice %arg7[%arg0, %add3A_44, %dma_start3A_103] : memref<2x10112x128xf32, #tpu.memory_space<hbm>> -> memref<1x104x128xf32, #tpu.memory_space<hbm>>
      %dma_start3A_105 = tpu.memref_squeeze %dma_start3A_104 : memref<1x104x128xf32, #tpu.memory_space<hbm>> -> memref<104x128xf32, #tpu.memory_space<hbm>>
      %dma_start3A_106 = arith.constant 0 : i32
      %dma_start3A_107 = tpu.memref_slice %arg7[%arg0, %add3A_44, %dma_start3A_106] : memref<2x10112x128xf32, #tpu.memory_space<hbm>> -> memref<1x104x128xf32, #tpu.memory_space<hbm>>
      %dma_start3A_108 = tpu.memref_squeeze %dma_start3A_107 : memref<1x104x128xf32, #tpu.memory_space<hbm>> -> memref<104x128xf32, #tpu.memory_space<hbm>>
      %dma_start3A_109 = arith.constant 0 : i32
      %dma_start3A_110 = arith.constant 0 : i32
      %dma_start3A_111 = tpu.memref_slice %arg11[%dma_start3A_109, %dma_start3A_110] : memref<125x128xf32, #tpu.memory_space<vmem>> -> memref<104x128xf32, #tpu.memory_space<vmem>>
      tpu.enqueue_dma source(%dma_start3A_111 : memref<104x128xf32, #tpu.memory_space<vmem>>) target(%dma_start3A_108 : memref<104x128xf32, #tpu.memory_space<hbm>>) target_semaphore(%run_scoped3A : memref<!tpu.dma_semaphore, #tpu.memory_space<semaphore_mem>>)
      %dma_wait3A = arith.constant 0 : i32
      %dma_wait3A_112 = arith.constant 0 : i32
      %dma_wait3A_113 = tpu.memref_slice %arg11[%dma_wait3A, %dma_wait3A_112] : memref<125x128xf32, #tpu.memory_space<vmem>> -> memref<104x128xf32, #tpu.memory_space<vmem>>
      %dma_wait3A_114 = arith.constant 0 : i32
      %dma_wait3A_115 = tpu.memref_slice %arg7[%arg0, %add3A_44, %dma_wait3A_114] : memref<2x10112x128xf32, #tpu.memory_space<hbm>> -> memref<1x104x128xf32, #tpu.memory_space<hbm>>
      %dma_wait3A_116 = tpu.memref_squeeze %dma_wait3A_115 : memref<1x104x128xf32, #tpu.memory_space<hbm>> -> memref<104x128xf32, #tpu.memory_space<hbm>>
      %dma_wait3A_117 = arith.constant 0 : i32
      %dma_wait3A_118 = tpu.memref_slice %arg7[%arg0, %add3A_44, %dma_wait3A_117] : memref<2x10112x128xf32, #tpu.memory_space<hbm>> -> memref<1x104x128xf32, #tpu.memory_space<hbm>>
      %dma_wait3A_119 = tpu.memref_squeeze %dma_wait3A_118 : memref<1x104x128xf32, #tpu.memory_space<hbm>> -> memref<104x128xf32, #tpu.memory_space<hbm>>
      %dma_wait3A_120 = arith.constant 0 : i32
      %dma_wait3A_121 = arith.constant 0 : i32
      %dma_wait3A_122 = tpu.memref_slice %arg11[%dma_wait3A_120, %dma_wait3A_121] : memref<125x128xf32, #tpu.memory_space<vmem>> -> memref<104x128xf32, #tpu.memory_space<vmem>>
      tpu.wait_dma2 semaphore(%run_scoped3A : memref<!tpu.dma_semaphore, #tpu.memory_space<semaphore_mem>>) src(%dma_wait3A_122 : memref<104x128xf32, #tpu.memory_space<vmem>>) dst(%dma_wait3A_119 : memref<104x128xf32, #tpu.memory_space<hbm>>)
      tpu.yield
    }) : () -> ()
    %add3A_45 = arith.constant 312 : i32
    %add3A_46 = arith.addi %mul3A_2, %add3A_45 : i32
    "tpu.region"() ({
      %run_scoped3A = tpu.sem_alloc : memref<!tpu.dma_semaphore, #tpu.memory_space<semaphore_mem>>
      %dma_start3A = arith.constant 0 : i32
      %dma_start3A_101 = arith.constant 0 : i32
      %dma_start3A_102 = tpu.memref_slice %arg12[%dma_start3A, %dma_start3A_101] : memref<125x128xf32, #tpu.memory_space<vmem>> -> memref<104x128xf32, #tpu.memory_space<vmem>>
      %dma_start3A_103 = arith.constant 0 : i32
      %dma_start3A_104 = tpu.memref_slice %arg13[%add3A_46, %dma_start3A_103] : memref<10112x128xf32, #tpu.memory_space<vmem_shared>> -> memref<104x128xf32, #tpu.memory_space<vmem_shared>>
      %dma_start3A_105 = arith.constant 0 : i32
      %dma_start3A_106 = tpu.memref_slice %arg13[%add3A_46, %dma_start3A_105] : memref<10112x128xf32, #tpu.memory_space<vmem_shared>> -> memref<104x128xf32, #tpu.memory_space<vmem_shared>>
      %dma_start3A_107 = arith.constant 0 : i32
      %dma_start3A_108 = arith.constant 0 : i32
      %dma_start3A_109 = tpu.memref_slice %arg12[%dma_start3A_107, %dma_start3A_108] : memref<125x128xf32, #tpu.memory_space<vmem>> -> memref<104x128xf32, #tpu.memory_space<vmem>>
      tpu.enqueue_dma source(%dma_start3A_109 : memref<104x128xf32, #tpu.memory_space<vmem>>) target(%dma_start3A_106 : memref<104x128xf32, #tpu.memory_space<vmem_shared>>) target_semaphore(%run_scoped3A : memref<!tpu.dma_semaphore, #tpu.memory_space<semaphore_mem>>)
      %dma_wait3A = arith.constant 0 : i32
      %dma_wait3A_110 = arith.constant 0 : i32
      %dma_wait3A_111 = tpu.memref_slice %arg12[%dma_wait3A, %dma_wait3A_110] : memref<125x128xf32, #tpu.memory_space<vmem>> -> memref<104x128xf32, #tpu.memory_space<vmem>>
      %dma_wait3A_112 = arith.constant 0 : i32
      %dma_wait3A_113 = tpu.memref_slice %arg13[%add3A_46, %dma_wait3A_112] : memref<10112x128xf32, #tpu.memory_space<vmem_shared>> -> memref<104x128xf32, #tpu.memory_space<vmem_shared>>
      %dma_wait3A_114 = arith.constant 0 : i32
      %dma_wait3A_115 = tpu.memref_slice %arg13[%add3A_46, %dma_wait3A_114] : memref<10112x128xf32, #tpu.memory_space<vmem_shared>> -> memref<104x128xf32, #tpu.memory_space<vmem_shared>>
      %dma_wait3A_116 = arith.constant 0 : i32
      %dma_wait3A_117 = arith.constant 0 : i32
      %dma_wait3A_118 = tpu.memref_slice %arg12[%dma_wait3A_116, %dma_wait3A_117] : memref<125x128xf32, #tpu.memory_space<vmem>> -> memref<104x128xf32, #tpu.memory_space<vmem>>
      tpu.wait_dma2 semaphore(%run_scoped3A : memref<!tpu.dma_semaphore, #tpu.memory_space<semaphore_mem>>) src(%dma_wait3A_118 : memref<104x128xf32, #tpu.memory_space<vmem>>) dst(%dma_wait3A_115 : memref<104x128xf32, #tpu.memory_space<vmem_shared>>)
      tpu.yield
    }) : () -> ()
    %add3A_47 = arith.constant 416 : i32
    %add3A_48 = arith.addi %mul3A_2, %add3A_47 : i32
    "tpu.region"() ({
      %run_scoped3A = tpu.sem_alloc : memref<!tpu.dma_semaphore, #tpu.memory_space<semaphore_mem>>
      %dma_start3A = arith.constant 0 : i32
      %dma_start3A_101 = arith.constant 0 : i32
      %dma_start3A_102 = tpu.memref_slice %arg11[%dma_start3A, %dma_start3A_101] : memref<125x128xf32, #tpu.memory_space<vmem>> -> memref<104x128xf32, #tpu.memory_space<vmem>>
      %dma_start3A_103 = arith.constant 0 : i32
      %dma_start3A_104 = tpu.memref_slice %arg13[%add3A_48, %dma_start3A_103] : memref<10112x128xf32, #tpu.memory_space<vmem_shared>> -> memref<104x128xf32, #tpu.memory_space<vmem_shared>>
      %dma_start3A_105 = arith.constant 0 : i32
      %dma_start3A_106 = arith.constant 0 : i32
      %dma_start3A_107 = tpu.memref_slice %arg11[%dma_start3A_105, %dma_start3A_106] : memref<125x128xf32, #tpu.memory_space<vmem>> -> memref<104x128xf32, #tpu.memory_space<vmem>>
      %dma_start3A_108 = arith.constant 0 : i32
      %dma_start3A_109 = tpu.memref_slice %arg13[%add3A_48, %dma_start3A_108] : memref<10112x128xf32, #tpu.memory_space<vmem_shared>> -> memref<104x128xf32, #tpu.memory_space<vmem_shared>>
      tpu.enqueue_dma source(%dma_start3A_109 : memref<104x128xf32, #tpu.memory_space<vmem_shared>>) target(%dma_start3A_107 : memref<104x128xf32, #tpu.memory_space<vmem>>) target_semaphore(%run_scoped3A : memref<!tpu.dma_semaphore, #tpu.memory_space<semaphore_mem>>)
      %dma_wait3A = arith.constant 0 : i32
      %dma_wait3A_110 = arith.constant 0 : i32
      %dma_wait3A_111 = tpu.memref_slice %arg11[%dma_wait3A, %dma_wait3A_110] : memref<125x128xf32, #tpu.memory_space<vmem>> -> memref<104x128xf32, #tpu.memory_space<vmem>>
      %dma_wait3A_112 = arith.constant 0 : i32
      %dma_wait3A_113 = tpu.memref_slice %arg13[%add3A_48, %dma_wait3A_112] : memref<10112x128xf32, #tpu.memory_space<vmem_shared>> -> memref<104x128xf32, #tpu.memory_space<vmem_shared>>
      %dma_wait3A_114 = arith.constant 0 : i32
      %dma_wait3A_115 = arith.constant 0 : i32
      %dma_wait3A_116 = tpu.memref_slice %arg11[%dma_wait3A_114, %dma_wait3A_115] : memref<125x128xf32, #tpu.memory_space<vmem>> -> memref<104x128xf32, #tpu.memory_space<vmem>>
      %dma_wait3A_117 = arith.constant 0 : i32
      %dma_wait3A_118 = tpu.memref_slice %arg13[%add3A_48, %dma_wait3A_117] : memref<10112x128xf32, #tpu.memory_space<vmem_shared>> -> memref<104x128xf32, #tpu.memory_space<vmem_shared>>
      tpu.wait_dma2 semaphore(%run_scoped3A : memref<!tpu.dma_semaphore, #tpu.memory_space<semaphore_mem>>) src(%dma_wait3A_118 : memref<104x128xf32, #tpu.memory_space<vmem_shared>>) dst(%dma_wait3A_116 : memref<104x128xf32, #tpu.memory_space<vmem>>)
      tpu.yield
    }) : () -> ()
    %add3A_49 = arith.constant 416 : i32
    %add3A_50 = arith.addi %mul3A_2, %add3A_49 : i32
    "tpu.region"() ({
      %run_scoped3A = tpu.sem_alloc : memref<!tpu.dma_semaphore, #tpu.memory_space<semaphore_mem>>
      %dma_start3A = arith.constant 0 : i32
      %dma_start3A_101 = arith.constant 0 : i32
      %dma_start3A_102 = tpu.memref_slice %arg11[%dma_start3A, %dma_start3A_101] : memref<125x128xf32, #tpu.memory_space<vmem>> -> memref<104x128xf32, #tpu.memory_space<vmem>>
      %dma_start3A_103 = arith.constant 0 : i32
      %dma_start3A_104 = tpu.memref_slice %arg7[%arg0, %add3A_50, %dma_start3A_103] : memref<2x10112x128xf32, #tpu.memory_space<hbm>> -> memref<1x104x128xf32, #tpu.memory_space<hbm>>
      %dma_start3A_105 = tpu.memref_squeeze %dma_start3A_104 : memref<1x104x128xf32, #tpu.memory_space<hbm>> -> memref<104x128xf32, #tpu.memory_space<hbm>>
      %dma_start3A_106 = arith.constant 0 : i32
      %dma_start3A_107 = tpu.memref_slice %arg7[%arg0, %add3A_50, %dma_start3A_106] : memref<2x10112x128xf32, #tpu.memory_space<hbm>> -> memref<1x104x128xf32, #tpu.memory_space<hbm>>
      %dma_start3A_108 = tpu.memref_squeeze %dma_start3A_107 : memref<1x104x128xf32, #tpu.memory_space<hbm>> -> memref<104x128xf32, #tpu.memory_space<hbm>>
      %dma_start3A_109 = arith.constant 0 : i32
      %dma_start3A_110 = arith.constant 0 : i32
      %dma_start3A_111 = tpu.memref_slice %arg11[%dma_start3A_109, %dma_start3A_110] : memref<125x128xf32, #tpu.memory_space<vmem>> -> memref<104x128xf32, #tpu.memory_space<vmem>>
      tpu.enqueue_dma source(%dma_start3A_111 : memref<104x128xf32, #tpu.memory_space<vmem>>) target(%dma_start3A_108 : memref<104x128xf32, #tpu.memory_space<hbm>>) target_semaphore(%run_scoped3A : memref<!tpu.dma_semaphore, #tpu.memory_space<semaphore_mem>>)
      %dma_wait3A = arith.constant 0 : i32
      %dma_wait3A_112 = arith.constant 0 : i32
      %dma_wait3A_113 = tpu.memref_slice %arg11[%dma_wait3A, %dma_wait3A_112] : memref<125x128xf32, #tpu.memory_space<vmem>> -> memref<104x128xf32, #tpu.memory_space<vmem>>
      %dma_wait3A_114 = arith.constant 0 : i32
      %dma_wait3A_115 = tpu.memref_slice %arg7[%arg0, %add3A_50, %dma_wait3A_114] : memref<2x10112x128xf32, #tpu.memory_space<hbm>> -> memref<1x104x128xf32, #tpu.memory_space<hbm>>
      %dma_wait3A_116 = tpu.memref_squeeze %dma_wait3A_115 : memref<1x104x128xf32, #tpu.memory_space<hbm>> -> memref<104x128xf32, #tpu.memory_space<hbm>>
      %dma_wait3A_117 = arith.constant 0 : i32
      %dma_wait3A_118 = tpu.memref_slice %arg7[%arg0, %add3A_50, %dma_wait3A_117] : memref<2x10112x128xf32, #tpu.memory_space<hbm>> -> memref<1x104x128xf32, #tpu.memory_space<hbm>>
      %dma_wait3A_119 = tpu.memref_squeeze %dma_wait3A_118 : memref<1x104x128xf32, #tpu.memory_space<hbm>> -> memref<104x128xf32, #tpu.memory_space<hbm>>
      %dma_wait3A_120 = arith.constant 0 : i32
      %dma_wait3A_121 = arith.constant 0 : i32
      %dma_wait3A_122 = tpu.memref_slice %arg11[%dma_wait3A_120, %dma_wait3A_121] : memref<125x128xf32, #tpu.memory_space<vmem>> -> memref<104x128xf32, #tpu.memory_space<vmem>>
      tpu.wait_dma2 semaphore(%run_scoped3A : memref<!tpu.dma_semaphore, #tpu.memory_space<semaphore_mem>>) src(%dma_wait3A_122 : memref<104x128xf32, #tpu.memory_space<vmem>>) dst(%dma_wait3A_119 : memref<104x128xf32, #tpu.memory_space<hbm>>)
      tpu.yield
    }) : () -> ()
    %add3A_51 = arith.constant 416 : i32
    %add3A_52 = arith.addi %mul3A_2, %add3A_51 : i32
    "tpu.region"() ({
      %run_scoped3A = tpu.sem_alloc : memref<!tpu.dma_semaphore, #tpu.memory_space<semaphore_mem>>
      %dma_start3A = arith.constant 0 : i32
      %dma_start3A_101 = arith.constant 0 : i32
      %dma_start3A_102 = tpu.memref_slice %arg12[%dma_start3A, %dma_start3A_101] : memref<125x128xf32, #tpu.memory_space<vmem>> -> memref<104x128xf32, #tpu.memory_space<vmem>>
      %dma_start3A_103 = arith.constant 0 : i32
      %dma_start3A_104 = tpu.memref_slice %arg13[%add3A_52, %dma_start3A_103] : memref<10112x128xf32, #tpu.memory_space<vmem_shared>> -> memref<104x128xf32, #tpu.memory_space<vmem_shared>>
      %dma_start3A_105 = arith.constant 0 : i32
      %dma_start3A_106 = tpu.memref_slice %arg13[%add3A_52, %dma_start3A_105] : memref<10112x128xf32, #tpu.memory_space<vmem_shared>> -> memref<104x128xf32, #tpu.memory_space<vmem_shared>>
      %dma_start3A_107 = arith.constant 0 : i32
      %dma_start3A_108 = arith.constant 0 : i32
      %dma_start3A_109 = tpu.memref_slice %arg12[%dma_start3A_107, %dma_start3A_108] : memref<125x128xf32, #tpu.memory_space<vmem>> -> memref<104x128xf32, #tpu.memory_space<vmem>>
      tpu.enqueue_dma source(%dma_start3A_109 : memref<104x128xf32, #tpu.memory_space<vmem>>) target(%dma_start3A_106 : memref<104x128xf32, #tpu.memory_space<vmem_shared>>) target_semaphore(%run_scoped3A : memref<!tpu.dma_semaphore, #tpu.memory_space<semaphore_mem>>)
      %dma_wait3A = arith.constant 0 : i32
      %dma_wait3A_110 = arith.constant 0 : i32
      %dma_wait3A_111 = tpu.memref_slice %arg12[%dma_wait3A, %dma_wait3A_110] : memref<125x128xf32, #tpu.memory_space<vmem>> -> memref<104x128xf32, #tpu.memory_space<vmem>>
      %dma_wait3A_112 = arith.constant 0 : i32
      %dma_wait3A_113 = tpu.memref_slice %arg13[%add3A_52, %dma_wait3A_112] : memref<10112x128xf32, #tpu.memory_space<vmem_shared>> -> memref<104x128xf32, #tpu.memory_space<vmem_shared>>
      %dma_wait3A_114 = arith.constant 0 : i32
      %dma_wait3A_115 = tpu.memref_slice %arg13[%add3A_52, %dma_wait3A_114] : memref<10112x128xf32, #tpu.memory_space<vmem_shared>> -> memref<104x128xf32, #tpu.memory_space<vmem_shared>>
      %dma_wait3A_116 = arith.constant 0 : i32
      %dma_wait3A_117 = arith.constant 0 : i32
      %dma_wait3A_118 = tpu.memref_slice %arg12[%dma_wait3A_116, %dma_wait3A_117] : memref<125x128xf32, #tpu.memory_space<vmem>> -> memref<104x128xf32, #tpu.memory_space<vmem>>
      tpu.wait_dma2 semaphore(%run_scoped3A : memref<!tpu.dma_semaphore, #tpu.memory_space<semaphore_mem>>) src(%dma_wait3A_118 : memref<104x128xf32, #tpu.memory_space<vmem>>) dst(%dma_wait3A_115 : memref<104x128xf32, #tpu.memory_space<vmem_shared>>)
      tpu.yield
    }) : () -> ()
    %add3A_53 = arith.constant 520 : i32
    %add3A_54 = arith.addi %mul3A_2, %add3A_53 : i32
    "tpu.region"() ({
      %run_scoped3A = tpu.sem_alloc : memref<!tpu.dma_semaphore, #tpu.memory_space<semaphore_mem>>
      %dma_start3A = arith.constant 0 : i32
      %dma_start3A_101 = arith.constant 0 : i32
      %dma_start3A_102 = tpu.memref_slice %arg11[%dma_start3A, %dma_start3A_101] : memref<125x128xf32, #tpu.memory_space<vmem>> -> memref<104x128xf32, #tpu.memory_space<vmem>>
      %dma_start3A_103 = arith.constant 0 : i32
      %dma_start3A_104 = tpu.memref_slice %arg13[%add3A_54, %dma_start3A_103] : memref<10112x128xf32, #tpu.memory_space<vmem_shared>> -> memref<104x128xf32, #tpu.memory_space<vmem_shared>>
      %dma_start3A_105 = arith.constant 0 : i32
      %dma_start3A_106 = arith.constant 0 : i32
      %dma_start3A_107 = tpu.memref_slice %arg11[%dma_start3A_105, %dma_start3A_106] : memref<125x128xf32, #tpu.memory_space<vmem>> -> memref<104x128xf32, #tpu.memory_space<vmem>>
      %dma_start3A_108 = arith.constant 0 : i32
      %dma_start3A_109 = tpu.memref_slice %arg13[%add3A_54, %dma_start3A_108] : memref<10112x128xf32, #tpu.memory_space<vmem_shared>> -> memref<104x128xf32, #tpu.memory_space<vmem_shared>>
      tpu.enqueue_dma source(%dma_start3A_109 : memref<104x128xf32, #tpu.memory_space<vmem_shared>>) target(%dma_start3A_107 : memref<104x128xf32, #tpu.memory_space<vmem>>) target_semaphore(%run_scoped3A : memref<!tpu.dma_semaphore, #tpu.memory_space<semaphore_mem>>)
      %dma_wait3A = arith.constant 0 : i32
      %dma_wait3A_110 = arith.constant 0 : i32
      %dma_wait3A_111 = tpu.memref_slice %arg11[%dma_wait3A, %dma_wait3A_110] : memref<125x128xf32, #tpu.memory_space<vmem>> -> memref<104x128xf32, #tpu.memory_space<vmem>>
      %dma_wait3A_112 = arith.constant 0 : i32
      %dma_wait3A_113 = tpu.memref_slice %arg13[%add3A_54, %dma_wait3A_112] : memref<10112x128xf32, #tpu.memory_space<vmem_shared>> -> memref<104x128xf32, #tpu.memory_space<vmem_shared>>
      %dma_wait3A_114 = arith.constant 0 : i32
      %dma_wait3A_115 = arith.constant 0 : i32
      %dma_wait3A_116 = tpu.memref_slice %arg11[%dma_wait3A_114, %dma_wait3A_115] : memref<125x128xf32, #tpu.memory_space<vmem>> -> memref<104x128xf32, #tpu.memory_space<vmem>>
      %dma_wait3A_117 = arith.constant 0 : i32
      %dma_wait3A_118 = tpu.memref_slice %arg13[%add3A_54, %dma_wait3A_117] : memref<10112x128xf32, #tpu.memory_space<vmem_shared>> -> memref<104x128xf32, #tpu.memory_space<vmem_shared>>
      tpu.wait_dma2 semaphore(%run_scoped3A : memref<!tpu.dma_semaphore, #tpu.memory_space<semaphore_mem>>) src(%dma_wait3A_118 : memref<104x128xf32, #tpu.memory_space<vmem_shared>>) dst(%dma_wait3A_116 : memref<104x128xf32, #tpu.memory_space<vmem>>)
      tpu.yield
    }) : () -> ()
    %add3A_55 = arith.constant 520 : i32
    %add3A_56 = arith.addi %mul3A_2, %add3A_55 : i32
    "tpu.region"() ({
      %run_scoped3A = tpu.sem_alloc : memref<!tpu.dma_semaphore, #tpu.memory_space<semaphore_mem>>
      %dma_start3A = arith.constant 0 : i32
      %dma_start3A_101 = arith.constant 0 : i32
      %dma_start3A_102 = tpu.memref_slice %arg11[%dma_start3A, %dma_start3A_101] : memref<125x128xf32, #tpu.memory_space<vmem>> -> memref<104x128xf32, #tpu.memory_space<vmem>>
      %dma_start3A_103 = arith.constant 0 : i32
      %dma_start3A_104 = tpu.memref_slice %arg7[%arg0, %add3A_56, %dma_start3A_103] : memref<2x10112x128xf32, #tpu.memory_space<hbm>> -> memref<1x104x128xf32, #tpu.memory_space<hbm>>
      %dma_start3A_105 = tpu.memref_squeeze %dma_start3A_104 : memref<1x104x128xf32, #tpu.memory_space<hbm>> -> memref<104x128xf32, #tpu.memory_space<hbm>>
      %dma_start3A_106 = arith.constant 0 : i32
      %dma_start3A_107 = tpu.memref_slice %arg7[%arg0, %add3A_56, %dma_start3A_106] : memref<2x10112x128xf32, #tpu.memory_space<hbm>> -> memref<1x104x128xf32, #tpu.memory_space<hbm>>
      %dma_start3A_108 = tpu.memref_squeeze %dma_start3A_107 : memref<1x104x128xf32, #tpu.memory_space<hbm>> -> memref<104x128xf32, #tpu.memory_space<hbm>>
      %dma_start3A_109 = arith.constant 0 : i32
      %dma_start3A_110 = arith.constant 0 : i32
      %dma_start3A_111 = tpu.memref_slice %arg11[%dma_start3A_109, %dma_start3A_110] : memref<125x128xf32, #tpu.memory_space<vmem>> -> memref<104x128xf32, #tpu.memory_space<vmem>>
      tpu.enqueue_dma source(%dma_start3A_111 : memref<104x128xf32, #tpu.memory_space<vmem>>) target(%dma_start3A_108 : memref<104x128xf32, #tpu.memory_space<hbm>>) target_semaphore(%run_scoped3A : memref<!tpu.dma_semaphore, #tpu.memory_space<semaphore_mem>>)
      %dma_wait3A = arith.constant 0 : i32
      %dma_wait3A_112 = arith.constant 0 : i32
      %dma_wait3A_113 = tpu.memref_slice %arg11[%dma_wait3A, %dma_wait3A_112] : memref<125x128xf32, #tpu.memory_space<vmem>> -> memref<104x128xf32, #tpu.memory_space<vmem>>
      %dma_wait3A_114 = arith.constant 0 : i32
      %dma_wait3A_115 = tpu.memref_slice %arg7[%arg0, %add3A_56, %dma_wait3A_114] : memref<2x10112x128xf32, #tpu.memory_space<hbm>> -> memref<1x104x128xf32, #tpu.memory_space<hbm>>
      %dma_wait3A_116 = tpu.memref_squeeze %dma_wait3A_115 : memref<1x104x128xf32, #tpu.memory_space<hbm>> -> memref<104x128xf32, #tpu.memory_space<hbm>>
      %dma_wait3A_117 = arith.constant 0 : i32
      %dma_wait3A_118 = tpu.memref_slice %arg7[%arg0, %add3A_56, %dma_wait3A_117] : memref<2x10112x128xf32, #tpu.memory_space<hbm>> -> memref<1x104x128xf32, #tpu.memory_space<hbm>>
      %dma_wait3A_119 = tpu.memref_squeeze %dma_wait3A_118 : memref<1x104x128xf32, #tpu.memory_space<hbm>> -> memref<104x128xf32, #tpu.memory_space<hbm>>
      %dma_wait3A_120 = arith.constant 0 : i32
      %dma_wait3A_121 = arith.constant 0 : i32
      %dma_wait3A_122 = tpu.memref_slice %arg11[%dma_wait3A_120, %dma_wait3A_121] : memref<125x128xf32, #tpu.memory_space<vmem>> -> memref<104x128xf32, #tpu.memory_space<vmem>>
      tpu.wait_dma2 semaphore(%run_scoped3A : memref<!tpu.dma_semaphore, #tpu.memory_space<semaphore_mem>>) src(%dma_wait3A_122 : memref<104x128xf32, #tpu.memory_space<vmem>>) dst(%dma_wait3A_119 : memref<104x128xf32, #tpu.memory_space<hbm>>)
      tpu.yield
    }) : () -> ()
    %add3A_57 = arith.constant 520 : i32
    %add3A_58 = arith.addi %mul3A_2, %add3A_57 : i32
    "tpu.region"() ({
      %run_scoped3A = tpu.sem_alloc : memref<!tpu.dma_semaphore, #tpu.memory_space<semaphore_mem>>
      %dma_start3A = arith.constant 0 : i32
      %dma_start3A_101 = arith.constant 0 : i32
      %dma_start3A_102 = tpu.memref_slice %arg12[%dma_start3A, %dma_start3A_101] : memref<125x128xf32, #tpu.memory_space<vmem>> -> memref<104x128xf32, #tpu.memory_space<vmem>>
      %dma_start3A_103 = arith.constant 0 : i32
      %dma_start3A_104 = tpu.memref_slice %arg13[%add3A_58, %dma_start3A_103] : memref<10112x128xf32, #tpu.memory_space<vmem_shared>> -> memref<104x128xf32, #tpu.memory_space<vmem_shared>>
      %dma_start3A_105 = arith.constant 0 : i32
      %dma_start3A_106 = tpu.memref_slice %arg13[%add3A_58, %dma_start3A_105] : memref<10112x128xf32, #tpu.memory_space<vmem_shared>> -> memref<104x128xf32, #tpu.memory_space<vmem_shared>>
      %dma_start3A_107 = arith.constant 0 : i32
      %dma_start3A_108 = arith.constant 0 : i32
      %dma_start3A_109 = tpu.memref_slice %arg12[%dma_start3A_107, %dma_start3A_108] : memref<125x128xf32, #tpu.memory_space<vmem>> -> memref<104x128xf32, #tpu.memory_space<vmem>>
      tpu.enqueue_dma source(%dma_start3A_109 : memref<104x128xf32, #tpu.memory_space<vmem>>) target(%dma_start3A_106 : memref<104x128xf32, #tpu.memory_space<vmem_shared>>) target_semaphore(%run_scoped3A : memref<!tpu.dma_semaphore, #tpu.memory_space<semaphore_mem>>)
      %dma_wait3A = arith.constant 0 : i32
      %dma_wait3A_110 = arith.constant 0 : i32
      %dma_wait3A_111 = tpu.memref_slice %arg12[%dma_wait3A, %dma_wait3A_110] : memref<125x128xf32, #tpu.memory_space<vmem>> -> memref<104x128xf32, #tpu.memory_space<vmem>>
      %dma_wait3A_112 = arith.constant 0 : i32
      %dma_wait3A_113 = tpu.memref_slice %arg13[%add3A_58, %dma_wait3A_112] : memref<10112x128xf32, #tpu.memory_space<vmem_shared>> -> memref<104x128xf32, #tpu.memory_space<vmem_shared>>
      %dma_wait3A_114 = arith.constant 0 : i32
      %dma_wait3A_115 = tpu.memref_slice %arg13[%add3A_58, %dma_wait3A_114] : memref<10112x128xf32, #tpu.memory_space<vmem_shared>> -> memref<104x128xf32, #tpu.memory_space<vmem_shared>>
      %dma_wait3A_116 = arith.constant 0 : i32
      %dma_wait3A_117 = arith.constant 0 : i32
      %dma_wait3A_118 = tpu.memref_slice %arg12[%dma_wait3A_116, %dma_wait3A_117] : memref<125x128xf32, #tpu.memory_space<vmem>> -> memref<104x128xf32, #tpu.memory_space<vmem>>
      tpu.wait_dma2 semaphore(%run_scoped3A : memref<!tpu.dma_semaphore, #tpu.memory_space<semaphore_mem>>) src(%dma_wait3A_118 : memref<104x128xf32, #tpu.memory_space<vmem>>) dst(%dma_wait3A_115 : memref<104x128xf32, #tpu.memory_space<vmem_shared>>)
      tpu.yield
    }) : () -> ()
    %add3A_59 = arith.constant 624 : i32
    %add3A_60 = arith.addi %mul3A_2, %add3A_59 : i32
    "tpu.region"() ({
      %run_scoped3A = tpu.sem_alloc : memref<!tpu.dma_semaphore, #tpu.memory_space<semaphore_mem>>
      %dma_start3A = arith.constant 0 : i32
      %dma_start3A_101 = arith.constant 0 : i32
      %dma_start3A_102 = tpu.memref_slice %arg11[%dma_start3A, %dma_start3A_101] : memref<125x128xf32, #tpu.memory_space<vmem>> -> memref<8x128xf32, #tpu.memory_space<vmem>>
      %dma_start3A_103 = arith.constant 0 : i32
      %dma_start3A_104 = tpu.memref_slice %arg13[%add3A_60, %dma_start3A_103] : memref<10112x128xf32, #tpu.memory_space<vmem_shared>> -> memref<8x128xf32, #tpu.memory_space<vmem_shared>>
      %dma_start3A_105 = arith.constant 0 : i32
      %dma_start3A_106 = arith.constant 0 : i32
      %dma_start3A_107 = tpu.memref_slice %arg11[%dma_start3A_105, %dma_start3A_106] : memref<125x128xf32, #tpu.memory_space<vmem>> -> memref<8x128xf32, #tpu.memory_space<vmem>>
      %dma_start3A_108 = arith.constant 0 : i32
      %dma_start3A_109 = tpu.memref_slice %arg13[%add3A_60, %dma_start3A_108] : memref<10112x128xf32, #tpu.memory_space<vmem_shared>> -> memref<8x128xf32, #tpu.memory_space<vmem_shared>>
      tpu.enqueue_dma source(%dma_start3A_109 : memref<8x128xf32, #tpu.memory_space<vmem_shared>>) target(%dma_start3A_107 : memref<8x128xf32, #tpu.memory_space<vmem>>) target_semaphore(%run_scoped3A : memref<!tpu.dma_semaphore, #tpu.memory_space<semaphore_mem>>)
      %dma_wait3A = arith.constant 0 : i32
      %dma_wait3A_110 = arith.constant 0 : i32
      %dma_wait3A_111 = tpu.memref_slice %arg11[%dma_wait3A, %dma_wait3A_110] : memref<125x128xf32, #tpu.memory_space<vmem>> -> memref<8x128xf32, #tpu.memory_space<vmem>>
      %dma_wait3A_112 = arith.constant 0 : i32
      %dma_wait3A_113 = tpu.memref_slice %arg13[%add3A_60, %dma_wait3A_112] : memref<10112x128xf32, #tpu.memory_space<vmem_shared>> -> memref<8x128xf32, #tpu.memory_space<vmem_shared>>
      %dma_wait3A_114 = arith.constant 0 : i32
      %dma_wait3A_115 = arith.constant 0 : i32
      %dma_wait3A_116 = tpu.memref_slice %arg11[%dma_wait3A_114, %dma_wait3A_115] : memref<125x128xf32, #tpu.memory_space<vmem>> -> memref<8x128xf32, #tpu.memory_space<vmem>>
      %dma_wait3A_117 = arith.constant 0 : i32
      %dma_wait3A_118 = tpu.memref_slice %arg13[%add3A_60, %dma_wait3A_117] : memref<10112x128xf32, #tpu.memory_space<vmem_shared>> -> memref<8x128xf32, #tpu.memory_space<vmem_shared>>
      tpu.wait_dma2 semaphore(%run_scoped3A : memref<!tpu.dma_semaphore, #tpu.memory_space<semaphore_mem>>) src(%dma_wait3A_118 : memref<8x128xf32, #tpu.memory_space<vmem_shared>>) dst(%dma_wait3A_116 : memref<8x128xf32, #tpu.memory_space<vmem>>)
      tpu.yield
    }) : () -> ()
    %add3A_61 = arith.constant 624 : i32
    %add3A_62 = arith.addi %mul3A_2, %add3A_61 : i32
    "tpu.region"() ({
      %run_scoped3A = tpu.sem_alloc : memref<!tpu.dma_semaphore, #tpu.memory_space<semaphore_mem>>
      %dma_start3A = arith.constant 0 : i32
      %dma_start3A_101 = arith.constant 0 : i32
      %dma_start3A_102 = tpu.memref_slice %arg11[%dma_start3A, %dma_start3A_101] : memref<125x128xf32, #tpu.memory_space<vmem>> -> memref<8x128xf32, #tpu.memory_space<vmem>>
      %dma_start3A_103 = arith.constant 0 : i32
      %dma_start3A_104 = tpu.memref_slice %arg7[%arg0, %add3A_62, %dma_start3A_103] : memref<2x10112x128xf32, #tpu.memory_space<hbm>> -> memref<1x8x128xf32, #tpu.memory_space<hbm>>
      %dma_start3A_105 = tpu.memref_squeeze %dma_start3A_104 : memref<1x8x128xf32, #tpu.memory_space<hbm>> -> memref<8x128xf32, #tpu.memory_space<hbm>>
      %dma_start3A_106 = arith.constant 0 : i32
      %dma_start3A_107 = tpu.memref_slice %arg7[%arg0, %add3A_62, %dma_start3A_106] : memref<2x10112x128xf32, #tpu.memory_space<hbm>> -> memref<1x8x128xf32, #tpu.memory_space<hbm>>
      %dma_start3A_108 = tpu.memref_squeeze %dma_start3A_107 : memref<1x8x128xf32, #tpu.memory_space<hbm>> -> memref<8x128xf32, #tpu.memory_space<hbm>>
      %dma_start3A_109 = arith.constant 0 : i32
      %dma_start3A_110 = arith.constant 0 : i32
      %dma_start3A_111 = tpu.memref_slice %arg11[%dma_start3A_109, %dma_start3A_110] : memref<125x128xf32, #tpu.memory_space<vmem>> -> memref<8x128xf32, #tpu.memory_space<vmem>>
      tpu.enqueue_dma source(%dma_start3A_111 : memref<8x128xf32, #tpu.memory_space<vmem>>) target(%dma_start3A_108 : memref<8x128xf32, #tpu.memory_space<hbm>>) target_semaphore(%run_scoped3A : memref<!tpu.dma_semaphore, #tpu.memory_space<semaphore_mem>>)
      %dma_wait3A = arith.constant 0 : i32
      %dma_wait3A_112 = arith.constant 0 : i32
      %dma_wait3A_113 = tpu.memref_slice %arg11[%dma_wait3A, %dma_wait3A_112] : memref<125x128xf32, #tpu.memory_space<vmem>> -> memref<8x128xf32, #tpu.memory_space<vmem>>
      %dma_wait3A_114 = arith.constant 0 : i32
      %dma_wait3A_115 = tpu.memref_slice %arg7[%arg0, %add3A_62, %dma_wait3A_114] : memref<2x10112x128xf32, #tpu.memory_space<hbm>> -> memref<1x8x128xf32, #tpu.memory_space<hbm>>
      %dma_wait3A_116 = tpu.memref_squeeze %dma_wait3A_115 : memref<1x8x128xf32, #tpu.memory_space<hbm>> -> memref<8x128xf32, #tpu.memory_space<hbm>>
      %dma_wait3A_117 = arith.constant 0 : i32
      %dma_wait3A_118 = tpu.memref_slice %arg7[%arg0, %add3A_62, %dma_wait3A_117] : memref<2x10112x128xf32, #tpu.memory_space<hbm>> -> memref<1x8x128xf32, #tpu.memory_space<hbm>>
      %dma_wait3A_119 = tpu.memref_squeeze %dma_wait3A_118 : memref<1x8x128xf32, #tpu.memory_space<hbm>> -> memref<8x128xf32, #tpu.memory_space<hbm>>
      %dma_wait3A_120 = arith.constant 0 : i32
      %dma_wait3A_121 = arith.constant 0 : i32
      %dma_wait3A_122 = tpu.memref_slice %arg11[%dma_wait3A_120, %dma_wait3A_121] : memref<125x128xf32, #tpu.memory_space<vmem>> -> memref<8x128xf32, #tpu.memory_space<vmem>>
      tpu.wait_dma2 semaphore(%run_scoped3A : memref<!tpu.dma_semaphore, #tpu.memory_space<semaphore_mem>>) src(%dma_wait3A_122 : memref<8x128xf32, #tpu.memory_space<vmem>>) dst(%dma_wait3A_119 : memref<8x128xf32, #tpu.memory_space<hbm>>)
      tpu.yield
    }) : () -> ()
    %add3A_63 = arith.constant 624 : i32
    %add3A_64 = arith.addi %mul3A_2, %add3A_63 : i32
    "tpu.region"() ({
      %run_scoped3A = tpu.sem_alloc : memref<!tpu.dma_semaphore, #tpu.memory_space<semaphore_mem>>
      %dma_start3A = arith.constant 0 : i32
      %dma_start3A_101 = arith.constant 0 : i32
      %dma_start3A_102 = tpu.memref_slice %arg12[%dma_start3A, %dma_start3A_101] : memref<125x128xf32, #tpu.memory_space<vmem>> -> memref<8x128xf32, #tpu.memory_space<vmem>>
      %dma_start3A_103 = arith.constant 0 : i32
      %dma_start3A_104 = tpu.memref_slice %arg13[%add3A_64, %dma_start3A_103] : memref<10112x128xf32, #tpu.memory_space<vmem_shared>> -> memref<8x128xf32, #tpu.memory_space<vmem_shared>>
      %dma_start3A_105 = arith.constant 0 : i32
      %dma_start3A_106 = tpu.memref_slice %arg13[%add3A_64, %dma_start3A_105] : memref<10112x128xf32, #tpu.memory_space<vmem_shared>> -> memref<8x128xf32, #tpu.memory_space<vmem_shared>>
      %dma_start3A_107 = arith.constant 0 : i32
      %dma_start3A_108 = arith.constant 0 : i32
      %dma_start3A_109 = tpu.memref_slice %arg12[%dma_start3A_107, %dma_start3A_108] : memref<125x128xf32, #tpu.memory_space<vmem>> -> memref<8x128xf32, #tpu.memory_space<vmem>>
      tpu.enqueue_dma source(%dma_start3A_109 : memref<8x128xf32, #tpu.memory_space<vmem>>) target(%dma_start3A_106 : memref<8x128xf32, #tpu.memory_space<vmem_shared>>) target_semaphore(%run_scoped3A : memref<!tpu.dma_semaphore, #tpu.memory_space<semaphore_mem>>)
      %dma_wait3A = arith.constant 0 : i32
      %dma_wait3A_110 = arith.constant 0 : i32
      %dma_wait3A_111 = tpu.memref_slice %arg12[%dma_wait3A, %dma_wait3A_110] : memref<125x128xf32, #tpu.memory_space<vmem>> -> memref<8x128xf32, #tpu.memory_space<vmem>>
      %dma_wait3A_112 = arith.constant 0 : i32
      %dma_wait3A_113 = tpu.memref_slice %arg13[%add3A_64, %dma_wait3A_112] : memref<10112x128xf32, #tpu.memory_space<vmem_shared>> -> memref<8x128xf32, #tpu.memory_space<vmem_shared>>
      %dma_wait3A_114 = arith.constant 0 : i32
      %dma_wait3A_115 = tpu.memref_slice %arg13[%add3A_64, %dma_wait3A_114] : memref<10112x128xf32, #tpu.memory_space<vmem_shared>> -> memref<8x128xf32, #tpu.memory_space<vmem_shared>>
      %dma_wait3A_116 = arith.constant 0 : i32
      %dma_wait3A_117 = arith.constant 0 : i32
      %dma_wait3A_118 = tpu.memref_slice %arg12[%dma_wait3A_116, %dma_wait3A_117] : memref<125x128xf32, #tpu.memory_space<vmem>> -> memref<8x128xf32, #tpu.memory_space<vmem>>
      tpu.wait_dma2 semaphore(%run_scoped3A : memref<!tpu.dma_semaphore, #tpu.memory_space<semaphore_mem>>) src(%dma_wait3A_118 : memref<8x128xf32, #tpu.memory_space<vmem>>) dst(%dma_wait3A_115 : memref<8x128xf32, #tpu.memory_space<vmem_shared>>)
      tpu.yield
    }) : () -> ()
    "tpu.region"() ({
      %run_scoped3A = tpu.sem_alloc : memref<!tpu.dma_semaphore, #tpu.memory_space<semaphore_mem>>
      tpu.enqueue_dma source(%arg6 : memref<125x128xf32, #tpu.memory_space<hbm>>) target(%arg12 : memref<125x128xf32, #tpu.memory_space<vmem>>) target_semaphore(%run_scoped3A : memref<!tpu.dma_semaphore, #tpu.memory_space<semaphore_mem>>)
      tpu.wait_dma2 semaphore(%run_scoped3A : memref<!tpu.dma_semaphore, #tpu.memory_space<semaphore_mem>>) src(%arg6 : memref<125x128xf32, #tpu.memory_space<hbm>>) dst(%arg12 : memref<125x128xf32, #tpu.memory_space<vmem>>)
      tpu.yield
    }) : () -> ()
    %barrier3A_65 = arith.constant 0 : index
    tpu.barrier barrier_id(%barrier3A_65)
    %scan3A_66 = arith.constant 0 : i32
    %scan3A_67 = arith.constant 0 : i32
    %scan3A_68 = arith.constant 4 : i32
    %scan3A_69 = arith.addi %scan3A_67, %scan3A_68 : i32
    %scan3A_70 = arith.constant 1 : i32
    scf.for %scan3A_101 = %scan3A_67 to %scan3A_69 step %scan3A_70  : i32 {
      "tpu.region"() ({
        %run_scoped3A = tpu.sem_alloc : memref<!tpu.dma_semaphore, #tpu.memory_space<semaphore_mem>>
        %dma_start3A_176 = arith.constant 0 : i32
        %dma_start3A_177 = arith.constant 0 : i32
        %dma_start3A_178 = tpu.memref_slice %arg3[%add3A, %scan3A_101, %dma_start3A_176, %dma_start3A_177] : memref<32x4x20x125xi32, #tpu.memory_space<hbm>> -> memref<1x1x20x125xi32, #tpu.memory_space<hbm>>
        %dma_start3A_179 = tpu.memref_squeeze %dma_start3A_178 : memref<1x1x20x125xi32, #tpu.memory_space<hbm>> -> memref<20x125xi32, #tpu.memory_space<hbm>>
        %dma_start3A_180 = arith.constant 0 : i32
        %dma_start3A_181 = arith.constant 0 : i32
        %dma_start3A_182 = tpu.memref_slice %arg3[%add3A, %scan3A_101, %dma_start3A_180, %dma_start3A_181] : memref<32x4x20x125xi32, #tpu.memory_space<hbm>> -> memref<1x1x20x125xi32, #tpu.memory_space<hbm>>
        %dma_start3A_183 = tpu.memref_squeeze %dma_start3A_182 : memref<1x1x20x125xi32, #tpu.memory_space<hbm>> -> memref<20x125xi32, #tpu.memory_space<hbm>>
        tpu.enqueue_dma source(%dma_start3A_183 : memref<20x125xi32, #tpu.memory_space<hbm>>) target(%arg9 : memref<20x125xi32, #tpu.memory_space<vmem>>) target_semaphore(%run_scoped3A : memref<!tpu.dma_semaphore, #tpu.memory_space<semaphore_mem>>)
        %dma_wait3A_184 = arith.constant 0 : i32
        %dma_wait3A_185 = arith.constant 0 : i32
        %dma_wait3A_186 = tpu.memref_slice %arg3[%add3A, %scan3A_101, %dma_wait3A_184, %dma_wait3A_185] : memref<32x4x20x125xi32, #tpu.memory_space<hbm>> -> memref<1x1x20x125xi32, #tpu.memory_space<hbm>>
        %dma_wait3A_187 = tpu.memref_squeeze %dma_wait3A_186 : memref<1x1x20x125xi32, #tpu.memory_space<hbm>> -> memref<20x125xi32, #tpu.memory_space<hbm>>
        %dma_wait3A_188 = arith.constant 0 : i32
        %dma_wait3A_189 = arith.constant 0 : i32
        %dma_wait3A_190 = tpu.memref_slice %arg3[%add3A, %scan3A_101, %dma_wait3A_188, %dma_wait3A_189] : memref<32x4x20x125xi32, #tpu.memory_space<hbm>> -> memref<1x1x20x125xi32, #tpu.memory_space<hbm>>
        %dma_wait3A_191 = tpu.memref_squeeze %dma_wait3A_190 : memref<1x1x20x125xi32, #tpu.memory_space<hbm>> -> memref<20x125xi32, #tpu.memory_space<hbm>>
        tpu.wait_dma2 semaphore(%run_scoped3A : memref<!tpu.dma_semaphore, #tpu.memory_space<semaphore_mem>>) src(%dma_wait3A_191 : memref<20x125xi32, #tpu.memory_space<hbm>>) dst(%arg9 : memref<20x125xi32, #tpu.memory_space<vmem>>)
        tpu.yield
      }) : () -> ()
      %dma_start3A = arith.constant 0 : i32
      %dma_start3A_102 = arith.constant 0 : i32
      %dma_start3A_103 = tpu.memref_slice %arg9[%dma_start3A, %dma_start3A_102] : memref<20x125xi32, #tpu.memory_space<vmem>> -> memref<1x125xi32, #tpu.memory_space<vmem>>
      %dma_start3A_104 = tpu.memref_squeeze %dma_start3A_103 : memref<1x125xi32, #tpu.memory_space<vmem>> -> memref<125xi32, #tpu.memory_space<vmem>>
      %dma_start3A_105 = arith.constant 0 : i32
      %dma_start3A_106 = arith.constant 0 : i32
      %dma_start3A_107 = tpu.memref_slice %arg13[%dma_start3A_105, %dma_start3A_106] : memref<10112x128xf32, #tpu.memory_space<vmem_shared>> -> memref<10112x128xf32, #tpu.memory_space<vmem_shared>>
      tpu.enqueue_indirect_dma source(%arg12 : memref<125x128xf32, #tpu.memory_space<vmem>>) target(%dma_start3A_107 : memref<10112x128xf32, #tpu.memory_space<vmem_shared>>) offsets(%dma_start3A_104 : memref<125xi32, #tpu.memory_space<vmem>>) semaphore(%arg16 : memref<!tpu.dma_semaphore, #tpu.memory_space<semaphore_mem>>) {add = true}
      %dma_start3A_108 = arith.constant 1 : i32
      %dma_start3A_109 = arith.constant 0 : i32
      %dma_start3A_110 = tpu.memref_slice %arg9[%dma_start3A_108, %dma_start3A_109] : memref<20x125xi32, #tpu.memory_space<vmem>> -> memref<1x125xi32, #tpu.memory_space<vmem>>
      %dma_start3A_111 = tpu.memref_squeeze %dma_start3A_110 : memref<1x125xi32, #tpu.memory_space<vmem>> -> memref<125xi32, #tpu.memory_space<vmem>>
      %dma_start3A_112 = arith.constant 0 : i32
      %dma_start3A_113 = arith.constant 0 : i32
      %dma_start3A_114 = tpu.memref_slice %arg13[%dma_start3A_112, %dma_start3A_113] : memref<10112x128xf32, #tpu.memory_space<vmem_shared>> -> memref<10112x128xf32, #tpu.memory_space<vmem_shared>>
      tpu.enqueue_indirect_dma source(%arg12 : memref<125x128xf32, #tpu.memory_space<vmem>>) target(%dma_start3A_114 : memref<10112x128xf32, #tpu.memory_space<vmem_shared>>) offsets(%dma_start3A_111 : memref<125xi32, #tpu.memory_space<vmem>>) semaphore(%arg16 : memref<!tpu.dma_semaphore, #tpu.memory_space<semaphore_mem>>) {add = true}
      %dma_start3A_115 = arith.constant 2 : i32
      %dma_start3A_116 = arith.constant 0 : i32
      %dma_start3A_117 = tpu.memref_slice %arg9[%dma_start3A_115, %dma_start3A_116] : memref<20x125xi32, #tpu.memory_space<vmem>> -> memref<1x125xi32, #tpu.memory_space<vmem>>
      %dma_start3A_118 = tpu.memref_squeeze %dma_start3A_117 : memref<1x125xi32, #tpu.memory_space<vmem>> -> memref<125xi32, #tpu.memory_space<vmem>>
      %dma_start3A_119 = arith.constant 0 : i32
      %dma_start3A_120 = arith.constant 0 : i32
      %dma_start3A_121 = tpu.memref_slice %arg13[%dma_start3A_119, %dma_start3A_120] : memref<10112x128xf32, #tpu.memory_space<vmem_shared>> -> memref<10112x128xf32, #tpu.memory_space<vmem_shared>>
      tpu.enqueue_indirect_dma source(%arg12 : memref<125x128xf32, #tpu.memory_space<vmem>>) target(%dma_start3A_121 : memref<10112x128xf32, #tpu.memory_space<vmem_shared>>) offsets(%dma_start3A_118 : memref<125xi32, #tpu.memory_space<vmem>>) semaphore(%arg16 : memref<!tpu.dma_semaphore, #tpu.memory_space<semaphore_mem>>) {add = true}
      %dma_start3A_122 = arith.constant 3 : i32
      %dma_start3A_123 = arith.constant 0 : i32
      %dma_start3A_124 = tpu.memref_slice %arg9[%dma_start3A_122, %dma_start3A_123] : memref<20x125xi32, #tpu.memory_space<vmem>> -> memref<1x125xi32, #tpu.memory_space<vmem>>
      %dma_start3A_125 = tpu.memref_squeeze %dma_start3A_124 : memref<1x125xi32, #tpu.memory_space<vmem>> -> memref<125xi32, #tpu.memory_space<vmem>>
      %dma_start3A_126 = arith.constant 0 : i32
      %dma_start3A_127 = arith.constant 0 : i32
      %dma_start3A_128 = tpu.memref_slice %arg13[%dma_start3A_126, %dma_start3A_127] : memref<10112x128xf32, #tpu.memory_space<vmem_shared>> -> memref<10112x128xf32, #tpu.memory_space<vmem_shared>>
      tpu.enqueue_indirect_dma source(%arg12 : memref<125x128xf32, #tpu.memory_space<vmem>>) target(%dma_start3A_128 : memref<10112x128xf32, #tpu.memory_space<vmem_shared>>) offsets(%dma_start3A_125 : memref<125xi32, #tpu.memory_space<vmem>>) semaphore(%arg16 : memref<!tpu.dma_semaphore, #tpu.memory_space<semaphore_mem>>) {add = true}
      %dma_start3A_129 = arith.constant 4 : i32
      %dma_start3A_130 = arith.constant 0 : i32
      %dma_start3A_131 = tpu.memref_slice %arg9[%dma_start3A_129, %dma_start3A_130] : memref<20x125xi32, #tpu.memory_space<vmem>> -> memref<1x125xi32, #tpu.memory_space<vmem>>
      %dma_start3A_132 = tpu.memref_squeeze %dma_start3A_131 : memref<1x125xi32, #tpu.memory_space<vmem>> -> memref<125xi32, #tpu.memory_space<vmem>>
      %dma_start3A_133 = arith.constant 0 : i32
      %dma_start3A_134 = arith.constant 0 : i32
      %dma_start3A_135 = tpu.memref_slice %arg13[%dma_start3A_133, %dma_start3A_134] : memref<10112x128xf32, #tpu.memory_space<vmem_shared>> -> memref<10112x128xf32, #tpu.memory_space<vmem_shared>>
      tpu.enqueue_indirect_dma source(%arg12 : memref<125x128xf32, #tpu.memory_space<vmem>>) target(%dma_start3A_135 : memref<10112x128xf32, #tpu.memory_space<vmem_shared>>) offsets(%dma_start3A_132 : memref<125xi32, #tpu.memory_space<vmem>>) semaphore(%arg16 : memref<!tpu.dma_semaphore, #tpu.memory_space<semaphore_mem>>) {add = true}
      %scan3A_136 = arith.constant 0 : i32
      %scan3A_137 = arith.constant 0 : i32
      %scan3A_138 = arith.constant 15 : i32
      %scan3A_139 = arith.addi %scan3A_137, %scan3A_138 : i32
      %scan3A_140 = arith.constant 1 : i32
      scf.for %scan3A_176 = %scan3A_137 to %scan3A_139 step %scan3A_140  : i32 {
        %add3A_177 = arith.constant 5 : i32
        %add3A_178 = arith.addi %scan3A_176, %add3A_177 : i32
        %dma_start3A_179 = arith.constant 0 : i32
        %dma_start3A_180 = tpu.memref_slice %arg9[%add3A_178, %dma_start3A_179] : memref<20x125xi32, #tpu.memory_space<vmem>> -> memref<1x125xi32, #tpu.memory_space<vmem>>
        %dma_start3A_181 = tpu.memref_squeeze %dma_start3A_180 : memref<1x125xi32, #tpu.memory_space<vmem>> -> memref<125xi32, #tpu.memory_space<vmem>>
        %dma_start3A_182 = arith.constant 0 : i32
        %dma_start3A_183 = arith.constant 0 : i32
        %dma_start3A_184 = tpu.memref_slice %arg13[%dma_start3A_182, %dma_start3A_183] : memref<10112x128xf32, #tpu.memory_space<vmem_shared>> -> memref<10112x128xf32, #tpu.memory_space<vmem_shared>>
        tpu.enqueue_indirect_dma source(%arg12 : memref<125x128xf32, #tpu.memory_space<vmem>>) target(%dma_start3A_184 : memref<10112x128xf32, #tpu.memory_space<vmem_shared>>) offsets(%dma_start3A_181 : memref<125xi32, #tpu.memory_space<vmem>>) semaphore(%arg16 : memref<!tpu.dma_semaphore, #tpu.memory_space<semaphore_mem>>) {add = true}
        %dma_wait3A_185 = arith.constant 0 : i32
        %dma_wait3A_186 = tpu.memref_slice %arg9[%scan3A_176, %dma_wait3A_185] : memref<20x125xi32, #tpu.memory_space<vmem>> -> memref<1x125xi32, #tpu.memory_space<vmem>>
        %dma_wait3A_187 = tpu.memref_squeeze %dma_wait3A_186 : memref<1x125xi32, #tpu.memory_space<vmem>> -> memref<125xi32, #tpu.memory_space<vmem>>
        %dma_wait3A_188 = arith.constant 0 : i32
        %dma_wait3A_189 = arith.constant 0 : i32
        %dma_wait3A_190 = tpu.memref_slice %arg13[%dma_wait3A_188, %dma_wait3A_189] : memref<10112x128xf32, #tpu.memory_space<vmem_shared>> -> memref<10112x128xf32, #tpu.memory_space<vmem_shared>>
        tpu.wait_indirect_dma semaphore(%arg16 : memref<!tpu.dma_semaphore, #tpu.memory_space<semaphore_mem>>) src(%arg12 : memref<125x128xf32, #tpu.memory_space<vmem>>) dst(%dma_wait3A_190 : memref<10112x128xf32, #tpu.memory_space<vmem_shared>>)
      }
      %scan3A_141 = arith.constant 15 : i32
      %dma_wait3A = arith.constant 15 : i32
      %dma_wait3A_142 = arith.constant 0 : i32
      %dma_wait3A_143 = tpu.memref_slice %arg9[%dma_wait3A, %dma_wait3A_142] : memref<20x125xi32, #tpu.memory_space<vmem>> -> memref<1x125xi32, #tpu.memory_space<vmem>>
      %dma_wait3A_144 = tpu.memref_squeeze %dma_wait3A_143 : memref<1x125xi32, #tpu.memory_space<vmem>> -> memref<125xi32, #tpu.memory_space<vmem>>
      %dma_wait3A_145 = arith.constant 0 : i32
      %dma_wait3A_146 = arith.constant 0 : i32
      %dma_wait3A_147 = tpu.memref_slice %arg13[%dma_wait3A_145, %dma_wait3A_146] : memref<10112x128xf32, #tpu.memory_space<vmem_shared>> -> memref<10112x128xf32, #tpu.memory_space<vmem_shared>>
      tpu.wait_indirect_dma semaphore(%arg16 : memref<!tpu.dma_semaphore, #tpu.memory_space<semaphore_mem>>) src(%arg12 : memref<125x128xf32, #tpu.memory_space<vmem>>) dst(%dma_wait3A_147 : memref<10112x128xf32, #tpu.memory_space<vmem_shared>>)
      %dma_wait3A_148 = arith.constant 16 : i32
      %dma_wait3A_149 = arith.constant 0 : i32
      %dma_wait3A_150 = tpu.memref_slice %arg9[%dma_wait3A_148, %dma_wait3A_149] : memref<20x125xi32, #tpu.memory_space<vmem>> -> memref<1x125xi32, #tpu.memory_space<vmem>>
      %dma_wait3A_151 = tpu.memref_squeeze %dma_wait3A_150 : memref<1x125xi32, #tpu.memory_space<vmem>> -> memref<125xi32, #tpu.memory_space<vmem>>
      %dma_wait3A_152 = arith.constant 0 : i32
      %dma_wait3A_153 = arith.constant 0 : i32
      %dma_wait3A_154 = tpu.memref_slice %arg13[%dma_wait3A_152, %dma_wait3A_153] : memref<10112x128xf32, #tpu.memory_space<vmem_shared>> -> memref<10112x128xf32, #tpu.memory_space<vmem_shared>>
      tpu.wait_indirect_dma semaphore(%arg16 : memref<!tpu.dma_semaphore, #tpu.memory_space<semaphore_mem>>) src(%arg12 : memref<125x128xf32, #tpu.memory_space<vmem>>) dst(%dma_wait3A_154 : memref<10112x128xf32, #tpu.memory_space<vmem_shared>>)
      %dma_wait3A_155 = arith.constant 17 : i32
      %dma_wait3A_156 = arith.constant 0 : i32
      %dma_wait3A_157 = tpu.memref_slice %arg9[%dma_wait3A_155, %dma_wait3A_156] : memref<20x125xi32, #tpu.memory_space<vmem>> -> memref<1x125xi32, #tpu.memory_space<vmem>>
      %dma_wait3A_158 = tpu.memref_squeeze %dma_wait3A_157 : memref<1x125xi32, #tpu.memory_space<vmem>> -> memref<125xi32, #tpu.memory_space<vmem>>
      %dma_wait3A_159 = arith.constant 0 : i32
      %dma_wait3A_160 = arith.constant 0 : i32
      %dma_wait3A_161 = tpu.memref_slice %arg13[%dma_wait3A_159, %dma_wait3A_160] : memref<10112x128xf32, #tpu.memory_space<vmem_shared>> -> memref<10112x128xf32, #tpu.memory_space<vmem_shared>>
      tpu.wait_indirect_dma semaphore(%arg16 : memref<!tpu.dma_semaphore, #tpu.memory_space<semaphore_mem>>) src(%arg12 : memref<125x128xf32, #tpu.memory_space<vmem>>) dst(%dma_wait3A_161 : memref<10112x128xf32, #tpu.memory_space<vmem_shared>>)
      %dma_wait3A_162 = arith.constant 18 : i32
      %dma_wait3A_163 = arith.constant 0 : i32
      %dma_wait3A_164 = tpu.memref_slice %arg9[%dma_wait3A_162, %dma_wait3A_163] : memref<20x125xi32, #tpu.memory_space<vmem>> -> memref<1x125xi32, #tpu.memory_space<vmem>>
      %dma_wait3A_165 = tpu.memref_squeeze %dma_wait3A_164 : memref<1x125xi32, #tpu.memory_space<vmem>> -> memref<125xi32, #tpu.memory_space<vmem>>
      %dma_wait3A_166 = arith.constant 0 : i32
      %dma_wait3A_167 = arith.constant 0 : i32
      %dma_wait3A_168 = tpu.memref_slice %arg13[%dma_wait3A_166, %dma_wait3A_167] : memref<10112x128xf32, #tpu.memory_space<vmem_shared>> -> memref<10112x128xf32, #tpu.memory_space<vmem_shared>>
      tpu.wait_indirect_dma semaphore(%arg16 : memref<!tpu.dma_semaphore, #tpu.memory_space<semaphore_mem>>) src(%arg12 : memref<125x128xf32, #tpu.memory_space<vmem>>) dst(%dma_wait3A_168 : memref<10112x128xf32, #tpu.memory_space<vmem_shared>>)
      %dma_wait3A_169 = arith.constant 19 : i32
      %dma_wait3A_170 = arith.constant 0 : i32
      %dma_wait3A_171 = tpu.memref_slice %arg9[%dma_wait3A_169, %dma_wait3A_170] : memref<20x125xi32, #tpu.memory_space<vmem>> -> memref<1x125xi32, #tpu.memory_space<vmem>>
      %dma_wait3A_172 = tpu.memref_squeeze %dma_wait3A_171 : memref<1x125xi32, #tpu.memory_space<vmem>> -> memref<125xi32, #tpu.memory_space<vmem>>
      %dma_wait3A_173 = arith.constant 0 : i32
      %dma_wait3A_174 = arith.constant 0 : i32
      %dma_wait3A_175 = tpu.memref_slice %arg13[%dma_wait3A_173, %dma_wait3A_174] : memref<10112x128xf32, #tpu.memory_space<vmem_shared>> -> memref<10112x128xf32, #tpu.memory_space<vmem_shared>>
      tpu.wait_indirect_dma semaphore(%arg16 : memref<!tpu.dma_semaphore, #tpu.memory_space<semaphore_mem>>) src(%arg12 : memref<125x128xf32, #tpu.memory_space<vmem>>) dst(%dma_wait3A_175 : memref<10112x128xf32, #tpu.memory_space<vmem_shared>>)
    }
    %scan3A_71 = arith.constant 4 : i32
    %barrier3A_72 = arith.constant 0 : index
    tpu.barrier barrier_id(%barrier3A_72)
    %add3A_73 = arith.constant 0 : i32
    %add3A_74 = arith.addi %mul3A_2, %add3A_73 : i32
    "tpu.region"() ({
      %run_scoped3A = tpu.sem_alloc : memref<!tpu.dma_semaphore, #tpu.memory_space<semaphore_mem>>
      %dma_start3A = arith.constant 0 : i32
      %dma_start3A_101 = arith.constant 0 : i32
      %dma_start3A_102 = tpu.memref_slice %arg11[%dma_start3A, %dma_start3A_101] : memref<125x128xf32, #tpu.memory_space<vmem>> -> memref<104x128xf32, #tpu.memory_space<vmem>>
      %dma_start3A_103 = arith.constant 0 : i32
      %dma_start3A_104 = tpu.memref_slice %arg13[%add3A_74, %dma_start3A_103] : memref<10112x128xf32, #tpu.memory_space<vmem_shared>> -> memref<104x128xf32, #tpu.memory_space<vmem_shared>>
      %dma_start3A_105 = arith.constant 0 : i32
      %dma_start3A_106 = arith.constant 0 : i32
      %dma_start3A_107 = tpu.memref_slice %arg11[%dma_start3A_105, %dma_start3A_106] : memref<125x128xf32, #tpu.memory_space<vmem>> -> memref<104x128xf32, #tpu.memory_space<vmem>>
      %dma_start3A_108 = arith.constant 0 : i32
      %dma_start3A_109 = tpu.memref_slice %arg13[%add3A_74, %dma_start3A_108] : memref<10112x128xf32, #tpu.memory_space<vmem_shared>> -> memref<104x128xf32, #tpu.memory_space<vmem_shared>>
      tpu.enqueue_dma source(%dma_start3A_109 : memref<104x128xf32, #tpu.memory_space<vmem_shared>>) target(%dma_start3A_107 : memref<104x128xf32, #tpu.memory_space<vmem>>) target_semaphore(%run_scoped3A : memref<!tpu.dma_semaphore, #tpu.memory_space<semaphore_mem>>)
      %dma_wait3A = arith.constant 0 : i32
      %dma_wait3A_110 = arith.constant 0 : i32
      %dma_wait3A_111 = tpu.memref_slice %arg11[%dma_wait3A, %dma_wait3A_110] : memref<125x128xf32, #tpu.memory_space<vmem>> -> memref<104x128xf32, #tpu.memory_space<vmem>>
      %dma_wait3A_112 = arith.constant 0 : i32
      %dma_wait3A_113 = tpu.memref_slice %arg13[%add3A_74, %dma_wait3A_112] : memref<10112x128xf32, #tpu.memory_space<vmem_shared>> -> memref<104x128xf32, #tpu.memory_space<vmem_shared>>
      %dma_wait3A_114 = arith.constant 0 : i32
      %dma_wait3A_115 = arith.constant 0 : i32
      %dma_wait3A_116 = tpu.memref_slice %arg11[%dma_wait3A_114, %dma_wait3A_115] : memref<125x128xf32, #tpu.memory_space<vmem>> -> memref<104x128xf32, #tpu.memory_space<vmem>>
      %dma_wait3A_117 = arith.constant 0 : i32
      %dma_wait3A_118 = tpu.memref_slice %arg13[%add3A_74, %dma_wait3A_117] : memref<10112x128xf32, #tpu.memory_space<vmem_shared>> -> memref<104x128xf32, #tpu.memory_space<vmem_shared>>
      tpu.wait_dma2 semaphore(%run_scoped3A : memref<!tpu.dma_semaphore, #tpu.memory_space<semaphore_mem>>) src(%dma_wait3A_118 : memref<104x128xf32, #tpu.memory_space<vmem_shared>>) dst(%dma_wait3A_116 : memref<104x128xf32, #tpu.memory_space<vmem>>)
      tpu.yield
    }) : () -> ()
    %add3A_75 = arith.constant 0 : i32
    %add3A_76 = arith.addi %mul3A_2, %add3A_75 : i32
    "tpu.region"() ({
      %run_scoped3A = tpu.sem_alloc : memref<!tpu.dma_semaphore, #tpu.memory_space<semaphore_mem>>
      %dma_start3A = arith.constant 0 : i32
      %dma_start3A_101 = arith.constant 0 : i32
      %dma_start3A_102 = tpu.memref_slice %arg11[%dma_start3A, %dma_start3A_101] : memref<125x128xf32, #tpu.memory_space<vmem>> -> memref<104x128xf32, #tpu.memory_space<vmem>>
      %dma_start3A_103 = arith.constant 0 : i32
      %dma_start3A_104 = tpu.memref_slice %arg8[%arg0, %add3A_76, %dma_start3A_103] : memref<2x10112x128xf32, #tpu.memory_space<hbm>> -> memref<1x104x128xf32, #tpu.memory_space<hbm>>
      %dma_start3A_105 = tpu.memref_squeeze %dma_start3A_104 : memref<1x104x128xf32, #tpu.memory_space<hbm>> -> memref<104x128xf32, #tpu.memory_space<hbm>>
      %dma_start3A_106 = arith.constant 0 : i32
      %dma_start3A_107 = tpu.memref_slice %arg8[%arg0, %add3A_76, %dma_start3A_106] : memref<2x10112x128xf32, #tpu.memory_space<hbm>> -> memref<1x104x128xf32, #tpu.memory_space<hbm>>
      %dma_start3A_108 = tpu.memref_squeeze %dma_start3A_107 : memref<1x104x128xf32, #tpu.memory_space<hbm>> -> memref<104x128xf32, #tpu.memory_space<hbm>>
      %dma_start3A_109 = arith.constant 0 : i32
      %dma_start3A_110 = arith.constant 0 : i32
      %dma_start3A_111 = tpu.memref_slice %arg11[%dma_start3A_109, %dma_start3A_110] : memref<125x128xf32, #tpu.memory_space<vmem>> -> memref<104x128xf32, #tpu.memory_space<vmem>>
      tpu.enqueue_dma source(%dma_start3A_111 : memref<104x128xf32, #tpu.memory_space<vmem>>) target(%dma_start3A_108 : memref<104x128xf32, #tpu.memory_space<hbm>>) target_semaphore(%run_scoped3A : memref<!tpu.dma_semaphore, #tpu.memory_space<semaphore_mem>>)
      %dma_wait3A = arith.constant 0 : i32
      %dma_wait3A_112 = arith.constant 0 : i32
      %dma_wait3A_113 = tpu.memref_slice %arg11[%dma_wait3A, %dma_wait3A_112] : memref<125x128xf32, #tpu.memory_space<vmem>> -> memref<104x128xf32, #tpu.memory_space<vmem>>
      %dma_wait3A_114 = arith.constant 0 : i32
      %dma_wait3A_115 = tpu.memref_slice %arg8[%arg0, %add3A_76, %dma_wait3A_114] : memref<2x10112x128xf32, #tpu.memory_space<hbm>> -> memref<1x104x128xf32, #tpu.memory_space<hbm>>
      %dma_wait3A_116 = tpu.memref_squeeze %dma_wait3A_115 : memref<1x104x128xf32, #tpu.memory_space<hbm>> -> memref<104x128xf32, #tpu.memory_space<hbm>>
      %dma_wait3A_117 = arith.constant 0 : i32
      %dma_wait3A_118 = tpu.memref_slice %arg8[%arg0, %add3A_76, %dma_wait3A_117] : memref<2x10112x128xf32, #tpu.memory_space<hbm>> -> memref<1x104x128xf32, #tpu.memory_space<hbm>>
      %dma_wait3A_119 = tpu.memref_squeeze %dma_wait3A_118 : memref<1x104x128xf32, #tpu.memory_space<hbm>> -> memref<104x128xf32, #tpu.memory_space<hbm>>
      %dma_wait3A_120 = arith.constant 0 : i32
      %dma_wait3A_121 = arith.constant 0 : i32
      %dma_wait3A_122 = tpu.memref_slice %arg11[%dma_wait3A_120, %dma_wait3A_121] : memref<125x128xf32, #tpu.memory_space<vmem>> -> memref<104x128xf32, #tpu.memory_space<vmem>>
      tpu.wait_dma2 semaphore(%run_scoped3A : memref<!tpu.dma_semaphore, #tpu.memory_space<semaphore_mem>>) src(%dma_wait3A_122 : memref<104x128xf32, #tpu.memory_space<vmem>>) dst(%dma_wait3A_119 : memref<104x128xf32, #tpu.memory_space<hbm>>)
      tpu.yield
    }) : () -> ()
    %add3A_77 = arith.constant 104 : i32
    %add3A_78 = arith.addi %mul3A_2, %add3A_77 : i32
    "tpu.region"() ({
      %run_scoped3A = tpu.sem_alloc : memref<!tpu.dma_semaphore, #tpu.memory_space<semaphore_mem>>
      %dma_start3A = arith.constant 0 : i32
      %dma_start3A_101 = arith.constant 0 : i32
      %dma_start3A_102 = tpu.memref_slice %arg11[%dma_start3A, %dma_start3A_101] : memref<125x128xf32, #tpu.memory_space<vmem>> -> memref<104x128xf32, #tpu.memory_space<vmem>>
      %dma_start3A_103 = arith.constant 0 : i32
      %dma_start3A_104 = tpu.memref_slice %arg13[%add3A_78, %dma_start3A_103] : memref<10112x128xf32, #tpu.memory_space<vmem_shared>> -> memref<104x128xf32, #tpu.memory_space<vmem_shared>>
      %dma_start3A_105 = arith.constant 0 : i32
      %dma_start3A_106 = arith.constant 0 : i32
      %dma_start3A_107 = tpu.memref_slice %arg11[%dma_start3A_105, %dma_start3A_106] : memref<125x128xf32, #tpu.memory_space<vmem>> -> memref<104x128xf32, #tpu.memory_space<vmem>>
      %dma_start3A_108 = arith.constant 0 : i32
      %dma_start3A_109 = tpu.memref_slice %arg13[%add3A_78, %dma_start3A_108] : memref<10112x128xf32, #tpu.memory_space<vmem_shared>> -> memref<104x128xf32, #tpu.memory_space<vmem_shared>>
      tpu.enqueue_dma source(%dma_start3A_109 : memref<104x128xf32, #tpu.memory_space<vmem_shared>>) target(%dma_start3A_107 : memref<104x128xf32, #tpu.memory_space<vmem>>) target_semaphore(%run_scoped3A : memref<!tpu.dma_semaphore, #tpu.memory_space<semaphore_mem>>)
      %dma_wait3A = arith.constant 0 : i32
      %dma_wait3A_110 = arith.constant 0 : i32
      %dma_wait3A_111 = tpu.memref_slice %arg11[%dma_wait3A, %dma_wait3A_110] : memref<125x128xf32, #tpu.memory_space<vmem>> -> memref<104x128xf32, #tpu.memory_space<vmem>>
      %dma_wait3A_112 = arith.constant 0 : i32
      %dma_wait3A_113 = tpu.memref_slice %arg13[%add3A_78, %dma_wait3A_112] : memref<10112x128xf32, #tpu.memory_space<vmem_shared>> -> memref<104x128xf32, #tpu.memory_space<vmem_shared>>
      %dma_wait3A_114 = arith.constant 0 : i32
      %dma_wait3A_115 = arith.constant 0 : i32
      %dma_wait3A_116 = tpu.memref_slice %arg11[%dma_wait3A_114, %dma_wait3A_115] : memref<125x128xf32, #tpu.memory_space<vmem>> -> memref<104x128xf32, #tpu.memory_space<vmem>>
      %dma_wait3A_117 = arith.constant 0 : i32
      %dma_wait3A_118 = tpu.memref_slice %arg13[%add3A_78, %dma_wait3A_117] : memref<10112x128xf32, #tpu.memory_space<vmem_shared>> -> memref<104x128xf32, #tpu.memory_space<vmem_shared>>
      tpu.wait_dma2 semaphore(%run_scoped3A : memref<!tpu.dma_semaphore, #tpu.memory_space<semaphore_mem>>) src(%dma_wait3A_118 : memref<104x128xf32, #tpu.memory_space<vmem_shared>>) dst(%dma_wait3A_116 : memref<104x128xf32, #tpu.memory_space<vmem>>)
      tpu.yield
    }) : () -> ()
    %add3A_79 = arith.constant 104 : i32
    %add3A_80 = arith.addi %mul3A_2, %add3A_79 : i32
    "tpu.region"() ({
      %run_scoped3A = tpu.sem_alloc : memref<!tpu.dma_semaphore, #tpu.memory_space<semaphore_mem>>
      %dma_start3A = arith.constant 0 : i32
      %dma_start3A_101 = arith.constant 0 : i32
      %dma_start3A_102 = tpu.memref_slice %arg11[%dma_start3A, %dma_start3A_101] : memref<125x128xf32, #tpu.memory_space<vmem>> -> memref<104x128xf32, #tpu.memory_space<vmem>>
      %dma_start3A_103 = arith.constant 0 : i32
      %dma_start3A_104 = tpu.memref_slice %arg8[%arg0, %add3A_80, %dma_start3A_103] : memref<2x10112x128xf32, #tpu.memory_space<hbm>> -> memref<1x104x128xf32, #tpu.memory_space<hbm>>
      %dma_start3A_105 = tpu.memref_squeeze %dma_start3A_104 : memref<1x104x128xf32, #tpu.memory_space<hbm>> -> memref<104x128xf32, #tpu.memory_space<hbm>>
      %dma_start3A_106 = arith.constant 0 : i32
      %dma_start3A_107 = tpu.memref_slice %arg8[%arg0, %add3A_80, %dma_start3A_106] : memref<2x10112x128xf32, #tpu.memory_space<hbm>> -> memref<1x104x128xf32, #tpu.memory_space<hbm>>
      %dma_start3A_108 = tpu.memref_squeeze %dma_start3A_107 : memref<1x104x128xf32, #tpu.memory_space<hbm>> -> memref<104x128xf32, #tpu.memory_space<hbm>>
      %dma_start3A_109 = arith.constant 0 : i32
      %dma_start3A_110 = arith.constant 0 : i32
      %dma_start3A_111 = tpu.memref_slice %arg11[%dma_start3A_109, %dma_start3A_110] : memref<125x128xf32, #tpu.memory_space<vmem>> -> memref<104x128xf32, #tpu.memory_space<vmem>>
      tpu.enqueue_dma source(%dma_start3A_111 : memref<104x128xf32, #tpu.memory_space<vmem>>) target(%dma_start3A_108 : memref<104x128xf32, #tpu.memory_space<hbm>>) target_semaphore(%run_scoped3A : memref<!tpu.dma_semaphore, #tpu.memory_space<semaphore_mem>>)
      %dma_wait3A = arith.constant 0 : i32
      %dma_wait3A_112 = arith.constant 0 : i32
      %dma_wait3A_113 = tpu.memref_slice %arg11[%dma_wait3A, %dma_wait3A_112] : memref<125x128xf32, #tpu.memory_space<vmem>> -> memref<104x128xf32, #tpu.memory_space<vmem>>
      %dma_wait3A_114 = arith.constant 0 : i32
      %dma_wait3A_115 = tpu.memref_slice %arg8[%arg0, %add3A_80, %dma_wait3A_114] : memref<2x10112x128xf32, #tpu.memory_space<hbm>> -> memref<1x104x128xf32, #tpu.memory_space<hbm>>
      %dma_wait3A_116 = tpu.memref_squeeze %dma_wait3A_115 : memref<1x104x128xf32, #tpu.memory_space<hbm>> -> memref<104x128xf32, #tpu.memory_space<hbm>>
      %dma_wait3A_117 = arith.constant 0 : i32
      %dma_wait3A_118 = tpu.memref_slice %arg8[%arg0, %add3A_80, %dma_wait3A_117] : memref<2x10112x128xf32, #tpu.memory_space<hbm>> -> memref<1x104x128xf32, #tpu.memory_space<hbm>>
      %dma_wait3A_119 = tpu.memref_squeeze %dma_wait3A_118 : memref<1x104x128xf32, #tpu.memory_space<hbm>> -> memref<104x128xf32, #tpu.memory_space<hbm>>
      %dma_wait3A_120 = arith.constant 0 : i32
      %dma_wait3A_121 = arith.constant 0 : i32
      %dma_wait3A_122 = tpu.memref_slice %arg11[%dma_wait3A_120, %dma_wait3A_121] : memref<125x128xf32, #tpu.memory_space<vmem>> -> memref<104x128xf32, #tpu.memory_space<vmem>>
      tpu.wait_dma2 semaphore(%run_scoped3A : memref<!tpu.dma_semaphore, #tpu.memory_space<semaphore_mem>>) src(%dma_wait3A_122 : memref<104x128xf32, #tpu.memory_space<vmem>>) dst(%dma_wait3A_119 : memref<104x128xf32, #tpu.memory_space<hbm>>)
      tpu.yield
    }) : () -> ()
    %add3A_81 = arith.constant 208 : i32
    %add3A_82 = arith.addi %mul3A_2, %add3A_81 : i32
    "tpu.region"() ({
      %run_scoped3A = tpu.sem_alloc : memref<!tpu.dma_semaphore, #tpu.memory_space<semaphore_mem>>
      %dma_start3A = arith.constant 0 : i32
      %dma_start3A_101 = arith.constant 0 : i32
      %dma_start3A_102 = tpu.memref_slice %arg11[%dma_start3A, %dma_start3A_101] : memref<125x128xf32, #tpu.memory_space<vmem>> -> memref<104x128xf32, #tpu.memory_space<vmem>>
      %dma_start3A_103 = arith.constant 0 : i32
      %dma_start3A_104 = tpu.memref_slice %arg13[%add3A_82, %dma_start3A_103] : memref<10112x128xf32, #tpu.memory_space<vmem_shared>> -> memref<104x128xf32, #tpu.memory_space<vmem_shared>>
      %dma_start3A_105 = arith.constant 0 : i32
      %dma_start3A_106 = arith.constant 0 : i32
      %dma_start3A_107 = tpu.memref_slice %arg11[%dma_start3A_105, %dma_start3A_106] : memref<125x128xf32, #tpu.memory_space<vmem>> -> memref<104x128xf32, #tpu.memory_space<vmem>>
      %dma_start3A_108 = arith.constant 0 : i32
      %dma_start3A_109 = tpu.memref_slice %arg13[%add3A_82, %dma_start3A_108] : memref<10112x128xf32, #tpu.memory_space<vmem_shared>> -> memref<104x128xf32, #tpu.memory_space<vmem_shared>>
      tpu.enqueue_dma source(%dma_start3A_109 : memref<104x128xf32, #tpu.memory_space<vmem_shared>>) target(%dma_start3A_107 : memref<104x128xf32, #tpu.memory_space<vmem>>) target_semaphore(%run_scoped3A : memref<!tpu.dma_semaphore, #tpu.memory_space<semaphore_mem>>)
      %dma_wait3A = arith.constant 0 : i32
      %dma_wait3A_110 = arith.constant 0 : i32
      %dma_wait3A_111 = tpu.memref_slice %arg11[%dma_wait3A, %dma_wait3A_110] : memref<125x128xf32, #tpu.memory_space<vmem>> -> memref<104x128xf32, #tpu.memory_space<vmem>>
      %dma_wait3A_112 = arith.constant 0 : i32
      %dma_wait3A_113 = tpu.memref_slice %arg13[%add3A_82, %dma_wait3A_112] : memref<10112x128xf32, #tpu.memory_space<vmem_shared>> -> memref<104x128xf32, #tpu.memory_space<vmem_shared>>
      %dma_wait3A_114 = arith.constant 0 : i32
      %dma_wait3A_115 = arith.constant 0 : i32
      %dma_wait3A_116 = tpu.memref_slice %arg11[%dma_wait3A_114, %dma_wait3A_115] : memref<125x128xf32, #tpu.memory_space<vmem>> -> memref<104x128xf32, #tpu.memory_space<vmem>>
      %dma_wait3A_117 = arith.constant 0 : i32
      %dma_wait3A_118 = tpu.memref_slice %arg13[%add3A_82, %dma_wait3A_117] : memref<10112x128xf32, #tpu.memory_space<vmem_shared>> -> memref<104x128xf32, #tpu.memory_space<vmem_shared>>
      tpu.wait_dma2 semaphore(%run_scoped3A : memref<!tpu.dma_semaphore, #tpu.memory_space<semaphore_mem>>) src(%dma_wait3A_118 : memref<104x128xf32, #tpu.memory_space<vmem_shared>>) dst(%dma_wait3A_116 : memref<104x128xf32, #tpu.memory_space<vmem>>)
      tpu.yield
    }) : () -> ()
    %add3A_83 = arith.constant 208 : i32
    %add3A_84 = arith.addi %mul3A_2, %add3A_83 : i32
    "tpu.region"() ({
      %run_scoped3A = tpu.sem_alloc : memref<!tpu.dma_semaphore, #tpu.memory_space<semaphore_mem>>
      %dma_start3A = arith.constant 0 : i32
      %dma_start3A_101 = arith.constant 0 : i32
      %dma_start3A_102 = tpu.memref_slice %arg11[%dma_start3A, %dma_start3A_101] : memref<125x128xf32, #tpu.memory_space<vmem>> -> memref<104x128xf32, #tpu.memory_space<vmem>>
      %dma_start3A_103 = arith.constant 0 : i32
      %dma_start3A_104 = tpu.memref_slice %arg8[%arg0, %add3A_84, %dma_start3A_103] : memref<2x10112x128xf32, #tpu.memory_space<hbm>> -> memref<1x104x128xf32, #tpu.memory_space<hbm>>
      %dma_start3A_105 = tpu.memref_squeeze %dma_start3A_104 : memref<1x104x128xf32, #tpu.memory_space<hbm>> -> memref<104x128xf32, #tpu.memory_space<hbm>>
      %dma_start3A_106 = arith.constant 0 : i32
      %dma_start3A_107 = tpu.memref_slice %arg8[%arg0, %add3A_84, %dma_start3A_106] : memref<2x10112x128xf32, #tpu.memory_space<hbm>> -> memref<1x104x128xf32, #tpu.memory_space<hbm>>
      %dma_start3A_108 = tpu.memref_squeeze %dma_start3A_107 : memref<1x104x128xf32, #tpu.memory_space<hbm>> -> memref<104x128xf32, #tpu.memory_space<hbm>>
      %dma_start3A_109 = arith.constant 0 : i32
      %dma_start3A_110 = arith.constant 0 : i32
      %dma_start3A_111 = tpu.memref_slice %arg11[%dma_start3A_109, %dma_start3A_110] : memref<125x128xf32, #tpu.memory_space<vmem>> -> memref<104x128xf32, #tpu.memory_space<vmem>>
      tpu.enqueue_dma source(%dma_start3A_111 : memref<104x128xf32, #tpu.memory_space<vmem>>) target(%dma_start3A_108 : memref<104x128xf32, #tpu.memory_space<hbm>>) target_semaphore(%run_scoped3A : memref<!tpu.dma_semaphore, #tpu.memory_space<semaphore_mem>>)
      %dma_wait3A = arith.constant 0 : i32
      %dma_wait3A_112 = arith.constant 0 : i32
      %dma_wait3A_113 = tpu.memref_slice %arg11[%dma_wait3A, %dma_wait3A_112] : memref<125x128xf32, #tpu.memory_space<vmem>> -> memref<104x128xf32, #tpu.memory_space<vmem>>
      %dma_wait3A_114 = arith.constant 0 : i32
      %dma_wait3A_115 = tpu.memref_slice %arg8[%arg0, %add3A_84, %dma_wait3A_114] : memref<2x10112x128xf32, #tpu.memory_space<hbm>> -> memref<1x104x128xf32, #tpu.memory_space<hbm>>
      %dma_wait3A_116 = tpu.memref_squeeze %dma_wait3A_115 : memref<1x104x128xf32, #tpu.memory_space<hbm>> -> memref<104x128xf32, #tpu.memory_space<hbm>>
      %dma_wait3A_117 = arith.constant 0 : i32
      %dma_wait3A_118 = tpu.memref_slice %arg8[%arg0, %add3A_84, %dma_wait3A_117] : memref<2x10112x128xf32, #tpu.memory_space<hbm>> -> memref<1x104x128xf32, #tpu.memory_space<hbm>>
      %dma_wait3A_119 = tpu.memref_squeeze %dma_wait3A_118 : memref<1x104x128xf32, #tpu.memory_space<hbm>> -> memref<104x128xf32, #tpu.memory_space<hbm>>
      %dma_wait3A_120 = arith.constant 0 : i32
      %dma_wait3A_121 = arith.constant 0 : i32
      %dma_wait3A_122 = tpu.memref_slice %arg11[%dma_wait3A_120, %dma_wait3A_121] : memref<125x128xf32, #tpu.memory_space<vmem>> -> memref<104x128xf32, #tpu.memory_space<vmem>>
      tpu.wait_dma2 semaphore(%run_scoped3A : memref<!tpu.dma_semaphore, #tpu.memory_space<semaphore_mem>>) src(%dma_wait3A_122 : memref<104x128xf32, #tpu.memory_space<vmem>>) dst(%dma_wait3A_119 : memref<104x128xf32, #tpu.memory_space<hbm>>)
      tpu.yield
    }) : () -> ()
    %add3A_85 = arith.constant 312 : i32
    %add3A_86 = arith.addi %mul3A_2, %add3A_85 : i32
    "tpu.region"() ({
      %run_scoped3A = tpu.sem_alloc : memref<!tpu.dma_semaphore, #tpu.memory_space<semaphore_mem>>
      %dma_start3A = arith.constant 0 : i32
      %dma_start3A_101 = arith.constant 0 : i32
      %dma_start3A_102 = tpu.memref_slice %arg11[%dma_start3A, %dma_start3A_101] : memref<125x128xf32, #tpu.memory_space<vmem>> -> memref<104x128xf32, #tpu.memory_space<vmem>>
      %dma_start3A_103 = arith.constant 0 : i32
      %dma_start3A_104 = tpu.memref_slice %arg13[%add3A_86, %dma_start3A_103] : memref<10112x128xf32, #tpu.memory_space<vmem_shared>> -> memref<104x128xf32, #tpu.memory_space<vmem_shared>>
      %dma_start3A_105 = arith.constant 0 : i32
      %dma_start3A_106 = arith.constant 0 : i32
      %dma_start3A_107 = tpu.memref_slice %arg11[%dma_start3A_105, %dma_start3A_106] : memref<125x128xf32, #tpu.memory_space<vmem>> -> memref<104x128xf32, #tpu.memory_space<vmem>>
      %dma_start3A_108 = arith.constant 0 : i32
      %dma_start3A_109 = tpu.memref_slice %arg13[%add3A_86, %dma_start3A_108] : memref<10112x128xf32, #tpu.memory_space<vmem_shared>> -> memref<104x128xf32, #tpu.memory_space<vmem_shared>>
      tpu.enqueue_dma source(%dma_start3A_109 : memref<104x128xf32, #tpu.memory_space<vmem_shared>>) target(%dma_start3A_107 : memref<104x128xf32, #tpu.memory_space<vmem>>) target_semaphore(%run_scoped3A : memref<!tpu.dma_semaphore, #tpu.memory_space<semaphore_mem>>)
      %dma_wait3A = arith.constant 0 : i32
      %dma_wait3A_110 = arith.constant 0 : i32
      %dma_wait3A_111 = tpu.memref_slice %arg11[%dma_wait3A, %dma_wait3A_110] : memref<125x128xf32, #tpu.memory_space<vmem>> -> memref<104x128xf32, #tpu.memory_space<vmem>>
      %dma_wait3A_112 = arith.constant 0 : i32
      %dma_wait3A_113 = tpu.memref_slice %arg13[%add3A_86, %dma_wait3A_112] : memref<10112x128xf32, #tpu.memory_space<vmem_shared>> -> memref<104x128xf32, #tpu.memory_space<vmem_shared>>
      %dma_wait3A_114 = arith.constant 0 : i32
      %dma_wait3A_115 = arith.constant 0 : i32
      %dma_wait3A_116 = tpu.memref_slice %arg11[%dma_wait3A_114, %dma_wait3A_115] : memref<125x128xf32, #tpu.memory_space<vmem>> -> memref<104x128xf32, #tpu.memory_space<vmem>>
      %dma_wait3A_117 = arith.constant 0 : i32
      %dma_wait3A_118 = tpu.memref_slice %arg13[%add3A_86, %dma_wait3A_117] : memref<10112x128xf32, #tpu.memory_space<vmem_shared>> -> memref<104x128xf32, #tpu.memory_space<vmem_shared>>
      tpu.wait_dma2 semaphore(%run_scoped3A : memref<!tpu.dma_semaphore, #tpu.memory_space<semaphore_mem>>) src(%dma_wait3A_118 : memref<104x128xf32, #tpu.memory_space<vmem_shared>>) dst(%dma_wait3A_116 : memref<104x128xf32, #tpu.memory_space<vmem>>)
      tpu.yield
    }) : () -> ()
    %add3A_87 = arith.constant 312 : i32
    %add3A_88 = arith.addi %mul3A_2, %add3A_87 : i32
    "tpu.region"() ({
      %run_scoped3A = tpu.sem_alloc : memref<!tpu.dma_semaphore, #tpu.memory_space<semaphore_mem>>
      %dma_start3A = arith.constant 0 : i32
      %dma_start3A_101 = arith.constant 0 : i32
      %dma_start3A_102 = tpu.memref_slice %arg11[%dma_start3A, %dma_start3A_101] : memref<125x128xf32, #tpu.memory_space<vmem>> -> memref<104x128xf32, #tpu.memory_space<vmem>>
      %dma_start3A_103 = arith.constant 0 : i32
      %dma_start3A_104 = tpu.memref_slice %arg8[%arg0, %add3A_88, %dma_start3A_103] : memref<2x10112x128xf32, #tpu.memory_space<hbm>> -> memref<1x104x128xf32, #tpu.memory_space<hbm>>
      %dma_start3A_105 = tpu.memref_squeeze %dma_start3A_104 : memref<1x104x128xf32, #tpu.memory_space<hbm>> -> memref<104x128xf32, #tpu.memory_space<hbm>>
      %dma_start3A_106 = arith.constant 0 : i32
      %dma_start3A_107 = tpu.memref_slice %arg8[%arg0, %add3A_88, %dma_start3A_106] : memref<2x10112x128xf32, #tpu.memory_space<hbm>> -> memref<1x104x128xf32, #tpu.memory_space<hbm>>
      %dma_start3A_108 = tpu.memref_squeeze %dma_start3A_107 : memref<1x104x128xf32, #tpu.memory_space<hbm>> -> memref<104x128xf32, #tpu.memory_space<hbm>>
      %dma_start3A_109 = arith.constant 0 : i32
      %dma_start3A_110 = arith.constant 0 : i32
      %dma_start3A_111 = tpu.memref_slice %arg11[%dma_start3A_109, %dma_start3A_110] : memref<125x128xf32, #tpu.memory_space<vmem>> -> memref<104x128xf32, #tpu.memory_space<vmem>>
      tpu.enqueue_dma source(%dma_start3A_111 : memref<104x128xf32, #tpu.memory_space<vmem>>) target(%dma_start3A_108 : memref<104x128xf32, #tpu.memory_space<hbm>>) target_semaphore(%run_scoped3A : memref<!tpu.dma_semaphore, #tpu.memory_space<semaphore_mem>>)
      %dma_wait3A = arith.constant 0 : i32
      %dma_wait3A_112 = arith.constant 0 : i32
      %dma_wait3A_113 = tpu.memref_slice %arg11[%dma_wait3A, %dma_wait3A_112] : memref<125x128xf32, #tpu.memory_space<vmem>> -> memref<104x128xf32, #tpu.memory_space<vmem>>
      %dma_wait3A_114 = arith.constant 0 : i32
      %dma_wait3A_115 = tpu.memref_slice %arg8[%arg0, %add3A_88, %dma_wait3A_114] : memref<2x10112x128xf32, #tpu.memory_space<hbm>> -> memref<1x104x128xf32, #tpu.memory_space<hbm>>
      %dma_wait3A_116 = tpu.memref_squeeze %dma_wait3A_115 : memref<1x104x128xf32, #tpu.memory_space<hbm>> -> memref<104x128xf32, #tpu.memory_space<hbm>>
      %dma_wait3A_117 = arith.constant 0 : i32
      %dma_wait3A_118 = tpu.memref_slice %arg8[%arg0, %add3A_88, %dma_wait3A_117] : memref<2x10112x128xf32, #tpu.memory_space<hbm>> -> memref<1x104x128xf32, #tpu.memory_space<hbm>>
      %dma_wait3A_119 = tpu.memref_squeeze %dma_wait3A_118 : memref<1x104x128xf32, #tpu.memory_space<hbm>> -> memref<104x128xf32, #tpu.memory_space<hbm>>
      %dma_wait3A_120 = arith.constant 0 : i32
      %dma_wait3A_121 = arith.constant 0 : i32
      %dma_wait3A_122 = tpu.memref_slice %arg11[%dma_wait3A_120, %dma_wait3A_121] : memref<125x128xf32, #tpu.memory_space<vmem>> -> memref<104x128xf32, #tpu.memory_space<vmem>>
      tpu.wait_dma2 semaphore(%run_scoped3A : memref<!tpu.dma_semaphore, #tpu.memory_space<semaphore_mem>>) src(%dma_wait3A_122 : memref<104x128xf32, #tpu.memory_space<vmem>>) dst(%dma_wait3A_119 : memref<104x128xf32, #tpu.memory_space<hbm>>)
      tpu.yield
    }) : () -> ()
    %add3A_89 = arith.constant 416 : i32
    %add3A_90 = arith.addi %mul3A_2, %add3A_89 : i32
    "tpu.region"() ({
      %run_scoped3A = tpu.sem_alloc : memref<!tpu.dma_semaphore, #tpu.memory_space<semaphore_mem>>
      %dma_start3A = arith.constant 0 : i32
      %dma_start3A_101 = arith.constant 0 : i32
      %dma_start3A_102 = tpu.memref_slice %arg11[%dma_start3A, %dma_start3A_101] : memref<125x128xf32, #tpu.memory_space<vmem>> -> memref<104x128xf32, #tpu.memory_space<vmem>>
      %dma_start3A_103 = arith.constant 0 : i32
      %dma_start3A_104 = tpu.memref_slice %arg13[%add3A_90, %dma_start3A_103] : memref<10112x128xf32, #tpu.memory_space<vmem_shared>> -> memref<104x128xf32, #tpu.memory_space<vmem_shared>>
      %dma_start3A_105 = arith.constant 0 : i32
      %dma_start3A_106 = arith.constant 0 : i32
      %dma_start3A_107 = tpu.memref_slice %arg11[%dma_start3A_105, %dma_start3A_106] : memref<125x128xf32, #tpu.memory_space<vmem>> -> memref<104x128xf32, #tpu.memory_space<vmem>>
      %dma_start3A_108 = arith.constant 0 : i32
      %dma_start3A_109 = tpu.memref_slice %arg13[%add3A_90, %dma_start3A_108] : memref<10112x128xf32, #tpu.memory_space<vmem_shared>> -> memref<104x128xf32, #tpu.memory_space<vmem_shared>>
      tpu.enqueue_dma source(%dma_start3A_109 : memref<104x128xf32, #tpu.memory_space<vmem_shared>>) target(%dma_start3A_107 : memref<104x128xf32, #tpu.memory_space<vmem>>) target_semaphore(%run_scoped3A : memref<!tpu.dma_semaphore, #tpu.memory_space<semaphore_mem>>)
      %dma_wait3A = arith.constant 0 : i32
      %dma_wait3A_110 = arith.constant 0 : i32
      %dma_wait3A_111 = tpu.memref_slice %arg11[%dma_wait3A, %dma_wait3A_110] : memref<125x128xf32, #tpu.memory_space<vmem>> -> memref<104x128xf32, #tpu.memory_space<vmem>>
      %dma_wait3A_112 = arith.constant 0 : i32
      %dma_wait3A_113 = tpu.memref_slice %arg13[%add3A_90, %dma_wait3A_112] : memref<10112x128xf32, #tpu.memory_space<vmem_shared>> -> memref<104x128xf32, #tpu.memory_space<vmem_shared>>
      %dma_wait3A_114 = arith.constant 0 : i32
      %dma_wait3A_115 = arith.constant 0 : i32
      %dma_wait3A_116 = tpu.memref_slice %arg11[%dma_wait3A_114, %dma_wait3A_115] : memref<125x128xf32, #tpu.memory_space<vmem>> -> memref<104x128xf32, #tpu.memory_space<vmem>>
      %dma_wait3A_117 = arith.constant 0 : i32
      %dma_wait3A_118 = tpu.memref_slice %arg13[%add3A_90, %dma_wait3A_117] : memref<10112x128xf32, #tpu.memory_space<vmem_shared>> -> memref<104x128xf32, #tpu.memory_space<vmem_shared>>
      tpu.wait_dma2 semaphore(%run_scoped3A : memref<!tpu.dma_semaphore, #tpu.memory_space<semaphore_mem>>) src(%dma_wait3A_118 : memref<104x128xf32, #tpu.memory_space<vmem_shared>>) dst(%dma_wait3A_116 : memref<104x128xf32, #tpu.memory_space<vmem>>)
      tpu.yield
    }) : () -> ()
    %add3A_91 = arith.constant 416 : i32
    %add3A_92 = arith.addi %mul3A_2, %add3A_91 : i32
    "tpu.region"() ({
      %run_scoped3A = tpu.sem_alloc : memref<!tpu.dma_semaphore, #tpu.memory_space<semaphore_mem>>
      %dma_start3A = arith.constant 0 : i32
      %dma_start3A_101 = arith.constant 0 : i32
      %dma_start3A_102 = tpu.memref_slice %arg11[%dma_start3A, %dma_start3A_101] : memref<125x128xf32, #tpu.memory_space<vmem>> -> memref<104x128xf32, #tpu.memory_space<vmem>>
      %dma_start3A_103 = arith.constant 0 : i32
      %dma_start3A_104 = tpu.memref_slice %arg8[%arg0, %add3A_92, %dma_start3A_103] : memref<2x10112x128xf32, #tpu.memory_space<hbm>> -> memref<1x104x128xf32, #tpu.memory_space<hbm>>
      %dma_start3A_105 = tpu.memref_squeeze %dma_start3A_104 : memref<1x104x128xf32, #tpu.memory_space<hbm>> -> memref<104x128xf32, #tpu.memory_space<hbm>>
      %dma_start3A_106 = arith.constant 0 : i32
      %dma_start3A_107 = tpu.memref_slice %arg8[%arg0, %add3A_92, %dma_start3A_106] : memref<2x10112x128xf32, #tpu.memory_space<hbm>> -> memref<1x104x128xf32, #tpu.memory_space<hbm>>
      %dma_start3A_108 = tpu.memref_squeeze %dma_start3A_107 : memref<1x104x128xf32, #tpu.memory_space<hbm>> -> memref<104x128xf32, #tpu.memory_space<hbm>>
      %dma_start3A_109 = arith.constant 0 : i32
      %dma_start3A_110 = arith.constant 0 : i32
      %dma_start3A_111 = tpu.memref_slice %arg11[%dma_start3A_109, %dma_start3A_110] : memref<125x128xf32, #tpu.memory_space<vmem>> -> memref<104x128xf32, #tpu.memory_space<vmem>>
      tpu.enqueue_dma source(%dma_start3A_111 : memref<104x128xf32, #tpu.memory_space<vmem>>) target(%dma_start3A_108 : memref<104x128xf32, #tpu.memory_space<hbm>>) target_semaphore(%run_scoped3A : memref<!tpu.dma_semaphore, #tpu.memory_space<semaphore_mem>>)
      %dma_wait3A = arith.constant 0 : i32
      %dma_wait3A_112 = arith.constant 0 : i32
      %dma_wait3A_113 = tpu.memref_slice %arg11[%dma_wait3A, %dma_wait3A_112] : memref<125x128xf32, #tpu.memory_space<vmem>> -> memref<104x128xf32, #tpu.memory_space<vmem>>
      %dma_wait3A_114 = arith.constant 0 : i32
      %dma_wait3A_115 = tpu.memref_slice %arg8[%arg0, %add3A_92, %dma_wait3A_114] : memref<2x10112x128xf32, #tpu.memory_space<hbm>> -> memref<1x104x128xf32, #tpu.memory_space<hbm>>
      %dma_wait3A_116 = tpu.memref_squeeze %dma_wait3A_115 : memref<1x104x128xf32, #tpu.memory_space<hbm>> -> memref<104x128xf32, #tpu.memory_space<hbm>>
      %dma_wait3A_117 = arith.constant 0 : i32
      %dma_wait3A_118 = tpu.memref_slice %arg8[%arg0, %add3A_92, %dma_wait3A_117] : memref<2x10112x128xf32, #tpu.memory_space<hbm>> -> memref<1x104x128xf32, #tpu.memory_space<hbm>>
      %dma_wait3A_119 = tpu.memref_squeeze %dma_wait3A_118 : memref<1x104x128xf32, #tpu.memory_space<hbm>> -> memref<104x128xf32, #tpu.memory_space<hbm>>
      %dma_wait3A_120 = arith.constant 0 : i32
      %dma_wait3A_121 = arith.constant 0 : i32
      %dma_wait3A_122 = tpu.memref_slice %arg11[%dma_wait3A_120, %dma_wait3A_121] : memref<125x128xf32, #tpu.memory_space<vmem>> -> memref<104x128xf32, #tpu.memory_space<vmem>>
      tpu.wait_dma2 semaphore(%run_scoped3A : memref<!tpu.dma_semaphore, #tpu.memory_space<semaphore_mem>>) src(%dma_wait3A_122 : memref<104x128xf32, #tpu.memory_space<vmem>>) dst(%dma_wait3A_119 : memref<104x128xf32, #tpu.memory_space<hbm>>)
      tpu.yield
    }) : () -> ()
    %add3A_93 = arith.constant 520 : i32
    %add3A_94 = arith.addi %mul3A_2, %add3A_93 : i32
    "tpu.region"() ({
      %run_scoped3A = tpu.sem_alloc : memref<!tpu.dma_semaphore, #tpu.memory_space<semaphore_mem>>
      %dma_start3A = arith.constant 0 : i32
      %dma_start3A_101 = arith.constant 0 : i32
      %dma_start3A_102 = tpu.memref_slice %arg11[%dma_start3A, %dma_start3A_101] : memref<125x128xf32, #tpu.memory_space<vmem>> -> memref<104x128xf32, #tpu.memory_space<vmem>>
      %dma_start3A_103 = arith.constant 0 : i32
      %dma_start3A_104 = tpu.memref_slice %arg13[%add3A_94, %dma_start3A_103] : memref<10112x128xf32, #tpu.memory_space<vmem_shared>> -> memref<104x128xf32, #tpu.memory_space<vmem_shared>>
      %dma_start3A_105 = arith.constant 0 : i32
      %dma_start3A_106 = arith.constant 0 : i32
      %dma_start3A_107 = tpu.memref_slice %arg11[%dma_start3A_105, %dma_start3A_106] : memref<125x128xf32, #tpu.memory_space<vmem>> -> memref<104x128xf32, #tpu.memory_space<vmem>>
      %dma_start3A_108 = arith.constant 0 : i32
      %dma_start3A_109 = tpu.memref_slice %arg13[%add3A_94, %dma_start3A_108] : memref<10112x128xf32, #tpu.memory_space<vmem_shared>> -> memref<104x128xf32, #tpu.memory_space<vmem_shared>>
      tpu.enqueue_dma source(%dma_start3A_109 : memref<104x128xf32, #tpu.memory_space<vmem_shared>>) target(%dma_start3A_107 : memref<104x128xf32, #tpu.memory_space<vmem>>) target_semaphore(%run_scoped3A : memref<!tpu.dma_semaphore, #tpu.memory_space<semaphore_mem>>)
      %dma_wait3A = arith.constant 0 : i32
      %dma_wait3A_110 = arith.constant 0 : i32
      %dma_wait3A_111 = tpu.memref_slice %arg11[%dma_wait3A, %dma_wait3A_110] : memref<125x128xf32, #tpu.memory_space<vmem>> -> memref<104x128xf32, #tpu.memory_space<vmem>>
      %dma_wait3A_112 = arith.constant 0 : i32
      %dma_wait3A_113 = tpu.memref_slice %arg13[%add3A_94, %dma_wait3A_112] : memref<10112x128xf32, #tpu.memory_space<vmem_shared>> -> memref<104x128xf32, #tpu.memory_space<vmem_shared>>
      %dma_wait3A_114 = arith.constant 0 : i32
      %dma_wait3A_115 = arith.constant 0 : i32
      %dma_wait3A_116 = tpu.memref_slice %arg11[%dma_wait3A_114, %dma_wait3A_115] : memref<125x128xf32, #tpu.memory_space<vmem>> -> memref<104x128xf32, #tpu.memory_space<vmem>>
      %dma_wait3A_117 = arith.constant 0 : i32
      %dma_wait3A_118 = tpu.memref_slice %arg13[%add3A_94, %dma_wait3A_117] : memref<10112x128xf32, #tpu.memory_space<vmem_shared>> -> memref<104x128xf32, #tpu.memory_space<vmem_shared>>
      tpu.wait_dma2 semaphore(%run_scoped3A : memref<!tpu.dma_semaphore, #tpu.memory_space<semaphore_mem>>) src(%dma_wait3A_118 : memref<104x128xf32, #tpu.memory_space<vmem_shared>>) dst(%dma_wait3A_116 : memref<104x128xf32, #tpu.memory_space<vmem>>)
      tpu.yield
    }) : () -> ()
    %add3A_95 = arith.constant 520 : i32
    %add3A_96 = arith.addi %mul3A_2, %add3A_95 : i32
    "tpu.region"() ({
      %run_scoped3A = tpu.sem_alloc : memref<!tpu.dma_semaphore, #tpu.memory_space<semaphore_mem>>
      %dma_start3A = arith.constant 0 : i32
      %dma_start3A_101 = arith.constant 0 : i32
      %dma_start3A_102 = tpu.memref_slice %arg11[%dma_start3A, %dma_start3A_101] : memref<125x128xf32, #tpu.memory_space<vmem>> -> memref<104x128xf32, #tpu.memory_space<vmem>>
      %dma_start3A_103 = arith.constant 0 : i32
      %dma_start3A_104 = tpu.memref_slice %arg8[%arg0, %add3A_96, %dma_start3A_103] : memref<2x10112x128xf32, #tpu.memory_space<hbm>> -> memref<1x104x128xf32, #tpu.memory_space<hbm>>
      %dma_start3A_105 = tpu.memref_squeeze %dma_start3A_104 : memref<1x104x128xf32, #tpu.memory_space<hbm>> -> memref<104x128xf32, #tpu.memory_space<hbm>>
      %dma_start3A_106 = arith.constant 0 : i32
      %dma_start3A_107 = tpu.memref_slice %arg8[%arg0, %add3A_96, %dma_start3A_106] : memref<2x10112x128xf32, #tpu.memory_space<hbm>> -> memref<1x104x128xf32, #tpu.memory_space<hbm>>
      %dma_start3A_108 = tpu.memref_squeeze %dma_start3A_107 : memref<1x104x128xf32, #tpu.memory_space<hbm>> -> memref<104x128xf32, #tpu.memory_space<hbm>>
      %dma_start3A_109 = arith.constant 0 : i32
      %dma_start3A_110 = arith.constant 0 : i32
      %dma_start3A_111 = tpu.memref_slice %arg11[%dma_start3A_109, %dma_start3A_110] : memref<125x128xf32, #tpu.memory_space<vmem>> -> memref<104x128xf32, #tpu.memory_space<vmem>>
      tpu.enqueue_dma source(%dma_start3A_111 : memref<104x128xf32, #tpu.memory_space<vmem>>) target(%dma_start3A_108 : memref<104x128xf32, #tpu.memory_space<hbm>>) target_semaphore(%run_scoped3A : memref<!tpu.dma_semaphore, #tpu.memory_space<semaphore_mem>>)
      %dma_wait3A = arith.constant 0 : i32
      %dma_wait3A_112 = arith.constant 0 : i32
      %dma_wait3A_113 = tpu.memref_slice %arg11[%dma_wait3A, %dma_wait3A_112] : memref<125x128xf32, #tpu.memory_space<vmem>> -> memref<104x128xf32, #tpu.memory_space<vmem>>
      %dma_wait3A_114 = arith.constant 0 : i32
      %dma_wait3A_115 = tpu.memref_slice %arg8[%arg0, %add3A_96, %dma_wait3A_114] : memref<2x10112x128xf32, #tpu.memory_space<hbm>> -> memref<1x104x128xf32, #tpu.memory_space<hbm>>
      %dma_wait3A_116 = tpu.memref_squeeze %dma_wait3A_115 : memref<1x104x128xf32, #tpu.memory_space<hbm>> -> memref<104x128xf32, #tpu.memory_space<hbm>>
      %dma_wait3A_117 = arith.constant 0 : i32
      %dma_wait3A_118 = tpu.memref_slice %arg8[%arg0, %add3A_96, %dma_wait3A_117] : memref<2x10112x128xf32, #tpu.memory_space<hbm>> -> memref<1x104x128xf32, #tpu.memory_space<hbm>>
      %dma_wait3A_119 = tpu.memref_squeeze %dma_wait3A_118 : memref<1x104x128xf32, #tpu.memory_space<hbm>> -> memref<104x128xf32, #tpu.memory_space<hbm>>
      %dma_wait3A_120 = arith.constant 0 : i32
      %dma_wait3A_121 = arith.constant 0 : i32
      %dma_wait3A_122 = tpu.memref_slice %arg11[%dma_wait3A_120, %dma_wait3A_121] : memref<125x128xf32, #tpu.memory_space<vmem>> -> memref<104x128xf32, #tpu.memory_space<vmem>>
      tpu.wait_dma2 semaphore(%run_scoped3A : memref<!tpu.dma_semaphore, #tpu.memory_space<semaphore_mem>>) src(%dma_wait3A_122 : memref<104x128xf32, #tpu.memory_space<vmem>>) dst(%dma_wait3A_119 : memref<104x128xf32, #tpu.memory_space<hbm>>)
      tpu.yield
    }) : () -> ()
    %add3A_97 = arith.constant 624 : i32
    %add3A_98 = arith.addi %mul3A_2, %add3A_97 : i32
    "tpu.region"() ({
      %run_scoped3A = tpu.sem_alloc : memref<!tpu.dma_semaphore, #tpu.memory_space<semaphore_mem>>
      %dma_start3A = arith.constant 0 : i32
      %dma_start3A_101 = arith.constant 0 : i32
      %dma_start3A_102 = tpu.memref_slice %arg11[%dma_start3A, %dma_start3A_101] : memref<125x128xf32, #tpu.memory_space<vmem>> -> memref<8x128xf32, #tpu.memory_space<vmem>>
      %dma_start3A_103 = arith.constant 0 : i32
      %dma_start3A_104 = tpu.memref_slice %arg13[%add3A_98, %dma_start3A_103] : memref<10112x128xf32, #tpu.memory_space<vmem_shared>> -> memref<8x128xf32, #tpu.memory_space<vmem_shared>>
      %dma_start3A_105 = arith.constant 0 : i32
      %dma_start3A_106 = arith.constant 0 : i32
      %dma_start3A_107 = tpu.memref_slice %arg11[%dma_start3A_105, %dma_start3A_106] : memref<125x128xf32, #tpu.memory_space<vmem>> -> memref<8x128xf32, #tpu.memory_space<vmem>>
      %dma_start3A_108 = arith.constant 0 : i32
      %dma_start3A_109 = tpu.memref_slice %arg13[%add3A_98, %dma_start3A_108] : memref<10112x128xf32, #tpu.memory_space<vmem_shared>> -> memref<8x128xf32, #tpu.memory_space<vmem_shared>>
      tpu.enqueue_dma source(%dma_start3A_109 : memref<8x128xf32, #tpu.memory_space<vmem_shared>>) target(%dma_start3A_107 : memref<8x128xf32, #tpu.memory_space<vmem>>) target_semaphore(%run_scoped3A : memref<!tpu.dma_semaphore, #tpu.memory_space<semaphore_mem>>)
      %dma_wait3A = arith.constant 0 : i32
      %dma_wait3A_110 = arith.constant 0 : i32
      %dma_wait3A_111 = tpu.memref_slice %arg11[%dma_wait3A, %dma_wait3A_110] : memref<125x128xf32, #tpu.memory_space<vmem>> -> memref<8x128xf32, #tpu.memory_space<vmem>>
      %dma_wait3A_112 = arith.constant 0 : i32
      %dma_wait3A_113 = tpu.memref_slice %arg13[%add3A_98, %dma_wait3A_112] : memref<10112x128xf32, #tpu.memory_space<vmem_shared>> -> memref<8x128xf32, #tpu.memory_space<vmem_shared>>
      %dma_wait3A_114 = arith.constant 0 : i32
      %dma_wait3A_115 = arith.constant 0 : i32
      %dma_wait3A_116 = tpu.memref_slice %arg11[%dma_wait3A_114, %dma_wait3A_115] : memref<125x128xf32, #tpu.memory_space<vmem>> -> memref<8x128xf32, #tpu.memory_space<vmem>>
      %dma_wait3A_117 = arith.constant 0 : i32
      %dma_wait3A_118 = tpu.memref_slice %arg13[%add3A_98, %dma_wait3A_117] : memref<10112x128xf32, #tpu.memory_space<vmem_shared>> -> memref<8x128xf32, #tpu.memory_space<vmem_shared>>
      tpu.wait_dma2 semaphore(%run_scoped3A : memref<!tpu.dma_semaphore, #tpu.memory_space<semaphore_mem>>) src(%dma_wait3A_118 : memref<8x128xf32, #tpu.memory_space<vmem_shared>>) dst(%dma_wait3A_116 : memref<8x128xf32, #tpu.memory_space<vmem>>)
      tpu.yield
    }) : () -> ()
    %add3A_99 = arith.constant 624 : i32
    %add3A_100 = arith.addi %mul3A_2, %add3A_99 : i32
    "tpu.region"() ({
      %run_scoped3A = tpu.sem_alloc : memref<!tpu.dma_semaphore, #tpu.memory_space<semaphore_mem>>
      %dma_start3A = arith.constant 0 : i32
      %dma_start3A_101 = arith.constant 0 : i32
      %dma_start3A_102 = tpu.memref_slice %arg11[%dma_start3A, %dma_start3A_101] : memref<125x128xf32, #tpu.memory_space<vmem>> -> memref<8x128xf32, #tpu.memory_space<vmem>>
      %dma_start3A_103 = arith.constant 0 : i32
      %dma_start3A_104 = tpu.memref_slice %arg8[%arg0, %add3A_100, %dma_start3A_103] : memref<2x10112x128xf32, #tpu.memory_space<hbm>> -> memref<1x8x128xf32, #tpu.memory_space<hbm>>
      %dma_start3A_105 = tpu.memref_squeeze %dma_start3A_104 : memref<1x8x128xf32, #tpu.memory_space<hbm>> -> memref<8x128xf32, #tpu.memory_space<hbm>>
      %dma_start3A_106 = arith.constant 0 : i32
      %dma_start3A_107 = tpu.memref_slice %arg8[%arg0, %add3A_100, %dma_start3A_106] : memref<2x10112x128xf32, #tpu.memory_space<hbm>> -> memref<1x8x128xf32, #tpu.memory_space<hbm>>
      %dma_start3A_108 = tpu.memref_squeeze %dma_start3A_107 : memref<1x8x128xf32, #tpu.memory_space<hbm>> -> memref<8x128xf32, #tpu.memory_space<hbm>>
      %dma_start3A_109 = arith.constant 0 : i32
      %dma_start3A_110 = arith.constant 0 : i32
      %dma_start3A_111 = tpu.memref_slice %arg11[%dma_start3A_109, %dma_start3A_110] : memref<125x128xf32, #tpu.memory_space<vmem>> -> memref<8x128xf32, #tpu.memory_space<vmem>>
      tpu.enqueue_dma source(%dma_start3A_111 : memref<8x128xf32, #tpu.memory_space<vmem>>) target(%dma_start3A_108 : memref<8x128xf32, #tpu.memory_space<hbm>>) target_semaphore(%run_scoped3A : memref<!tpu.dma_semaphore, #tpu.memory_space<semaphore_mem>>)
      %dma_wait3A = arith.constant 0 : i32
      %dma_wait3A_112 = arith.constant 0 : i32
      %dma_wait3A_113 = tpu.memref_slice %arg11[%dma_wait3A, %dma_wait3A_112] : memref<125x128xf32, #tpu.memory_space<vmem>> -> memref<8x128xf32, #tpu.memory_space<vmem>>
      %dma_wait3A_114 = arith.constant 0 : i32
      %dma_wait3A_115 = tpu.memref_slice %arg8[%arg0, %add3A_100, %dma_wait3A_114] : memref<2x10112x128xf32, #tpu.memory_space<hbm>> -> memref<1x8x128xf32, #tpu.memory_space<hbm>>
      %dma_wait3A_116 = tpu.memref_squeeze %dma_wait3A_115 : memref<1x8x128xf32, #tpu.memory_space<hbm>> -> memref<8x128xf32, #tpu.memory_space<hbm>>
      %dma_wait3A_117 = arith.constant 0 : i32
      %dma_wait3A_118 = tpu.memref_slice %arg8[%arg0, %add3A_100, %dma_wait3A_117] : memref<2x10112x128xf32, #tpu.memory_space<hbm>> -> memref<1x8x128xf32, #tpu.memory_space<hbm>>
      %dma_wait3A_119 = tpu.memref_squeeze %dma_wait3A_118 : memref<1x8x128xf32, #tpu.memory_space<hbm>> -> memref<8x128xf32, #tpu.memory_space<hbm>>
      %dma_wait3A_120 = arith.constant 0 : i32
      %dma_wait3A_121 = arith.constant 0 : i32
      %dma_wait3A_122 = tpu.memref_slice %arg11[%dma_wait3A_120, %dma_wait3A_121] : memref<125x128xf32, #tpu.memory_space<vmem>> -> memref<8x128xf32, #tpu.memory_space<vmem>>
      tpu.wait_dma2 semaphore(%run_scoped3A : memref<!tpu.dma_semaphore, #tpu.memory_space<semaphore_mem>>) src(%dma_wait3A_122 : memref<8x128xf32, #tpu.memory_space<vmem>>) dst(%dma_wait3A_119 : memref<8x128xf32, #tpu.memory_space<hbm>>)
      tpu.yield
    }) : () -> ()
    return
  }
}

module attributes {stable_mosaic.version = 14 : i64} {
  func.func @_tc_body(%arg0: i32, %arg1: memref<2x1000x128xf32, #tpu.memory_space<vmem>>, %arg2: memref<2x1000x128xf32, #tpu.memory_space<vmem>>, %arg3: memref<128x128xf32, #tpu.memory_space<vmem>>, %arg4: memref<1x128xf32, #tpu.memory_space<vmem>>, %arg5: memref<128x128xf32, #tpu.memory_space<vmem>>, %arg6: memref<1x128xf32, #tpu.memory_space<vmem>>, %arg7: memref<1000x128xf32, #tpu.memory_space<vmem>>) attributes {dimension_semantics = [#tpu.dimension_semantics<arbitrary>], iteration_bounds = array<i64: 10>, scalar_prefetch = 0 : i64, scratch_operands = 0 : i64, tpu.core_type = #tpu.core_type<tc>, window_params = [{transform_indices = @transform_0, window_bounds = array<i64: 2, 1000, 128>}, {transform_indices = @transform_1, window_bounds = array<i64: 2, 1000, 128>}, {pipeline_mode = #tpu.pipeline_mode<synchronous>, transform_indices = @transform_2, window_bounds = array<i64: 128, 128>}, {pipeline_mode = #tpu.pipeline_mode<synchronous>, transform_indices = @transform_3, window_bounds = array<i64: 1, 128>}, {pipeline_mode = #tpu.pipeline_mode<synchronous>, transform_indices = @transform_4, window_bounds = array<i64: 128, 128>}, {pipeline_mode = #tpu.pipeline_mode<synchronous>, transform_indices = @transform_5, window_bounds = array<i64: 1, 128>}, {transform_indices = @transform_6, window_bounds = array<i64: 1000, 128>}]} {
    %get3A = arith.constant 0 : index
    %get3A_0 = arith.constant 0 : index
    %get3A_1 = arith.constant 0 : index
    %get3A_2 = vector.load %arg1[%get3A, %get3A_0, %get3A_1] : memref<2x1000x128xf32, #tpu.memory_space<vmem>>, vector<1x1000x128xf32>
    %get3A_3 = vector.shape_cast %get3A_2 : vector<1x1000x128xf32> to vector<1000x128xf32>
    %get3A_4 = arith.constant 1 : index
    %get3A_5 = arith.constant 0 : index
    %get3A_6 = arith.constant 0 : index
    %get3A_7 = vector.load %arg1[%get3A_4, %get3A_5, %get3A_6] : memref<2x1000x128xf32, #tpu.memory_space<vmem>>, vector<1x1000x128xf32>
    %get3A_8 = vector.shape_cast %get3A_7 : vector<1x1000x128xf32> to vector<1000x128xf32>
    %add3A = arith.addf %get3A_3, %get3A_8 : vector<1000x128xf32>
    %get3A_9 = arith.constant 0 : index
    %get3A_10 = arith.constant 0 : index
    %get3A_11 = arith.constant 0 : index
    %get3A_12 = vector.load %arg2[%get3A_9, %get3A_10, %get3A_11] : memref<2x1000x128xf32, #tpu.memory_space<vmem>>, vector<1x1000x1xf32>
    %get3A_13 = vector.shape_cast %get3A_12 : vector<1x1000x1xf32> to vector<1000x1xf32>
    %get3A_14 = arith.constant 1 : index
    %get3A_15 = arith.constant 0 : index
    %get3A_16 = arith.constant 0 : index
    %get3A_17 = vector.load %arg2[%get3A_14, %get3A_15, %get3A_16] : memref<2x1000x128xf32, #tpu.memory_space<vmem>>, vector<1x1000x1xf32>
    %get3A_18 = vector.shape_cast %get3A_17 : vector<1x1000x1xf32> to vector<1000x1xf32>
    %add3A_19 = arith.addf %get3A_13, %get3A_18 : vector<1000x1xf32>
    %max3A = arith.constant 1.000000e+00 : f32
    %max3A_20 = vector.broadcast %max3A : f32 to vector<1000x1xf32>
    %max3A_21 = arith.maximumf %add3A_19, %max3A_20 : vector<1000x1xf32>
    %div3A = arith.constant 1.000000e+00 : f32
    %div3A_22 = vector.broadcast %div3A : f32 to vector<1000x1xf32>
    %div3A_23 = arith.divf %div3A_22, %max3A_21 : vector<1000x1xf32>
    %gt3A = arith.constant 0.000000e+00 : f32
    %gt3A_24 = vector.broadcast %gt3A : f32 to vector<1000x1xf32>
    %gt3A_25 = arith.cmpf ogt, %add3A_19, %gt3A_24 : vector<1000x1xf32>
    %convert_element_type3A = arith.extui %gt3A_25 : vector<1000x1xi1> to vector<1000x1xi32>
    %convert_element_type3A_26 = arith.sitofp %convert_element_type3A : vector<1000x1xi32> to vector<1000x1xf32>
    %mul3A = vector.broadcast %div3A_23 : vector<1000x1xf32> to vector<1000x128xf32>
    %mul3A_27 = arith.mulf %add3A, %mul3A : vector<1000x128xf32>
    %get3A_28 = arith.constant 0 : index
    %get3A_29 = arith.constant 0 : index
    %get3A_30 = vector.load %arg3[%get3A_28, %get3A_29] : memref<128x128xf32, #tpu.memory_space<vmem>>, vector<128x128xf32>
    %dot_general3A = arith.constant dense<0.000000e+00> : vector<1000x128xf32>
    %dot_general3A_31 = tpu.matmul %mul3A_27, %get3A_30, %dot_general3A {dimension_numbers = #tpu.dot_dimension_numbers<[1], [0], [0], [1], [0, 0, 1, 1], [], []>, transpose_lhs_hint = false} : vector<1000x128xf32>, vector<128x128xf32>, vector<1000x128xf32> -> vector<1000x128xf32>
    %get3A_32 = arith.constant 0 : index
    %get3A_33 = arith.constant 0 : index
    %get3A_34 = vector.load %arg4[%get3A_32, %get3A_33] : memref<1x128xf32, #tpu.memory_space<vmem>>, vector<1x128xf32>
    %mul3A_35 = vector.broadcast %get3A_34 : vector<1x128xf32> to vector<1000x128xf32>
    %mul3A_36 = vector.broadcast %convert_element_type3A_26 : vector<1000x1xf32> to vector<1000x128xf32>
    %mul3A_37 = arith.mulf %mul3A_35, %mul3A_36 : vector<1000x128xf32>
    %add3A_38 = arith.addf %dot_general3A_31, %mul3A_37 : vector<1000x128xf32>
    %max3A_39 = arith.constant 0.000000e+00 : f32
    %max3A_40 = vector.broadcast %max3A_39 : f32 to vector<1000x128xf32>
    %max3A_41 = arith.maximumf %add3A_38, %max3A_40 : vector<1000x128xf32>
    %get3A_42 = arith.constant 0 : index
    %get3A_43 = arith.constant 0 : index
    %get3A_44 = vector.load %arg5[%get3A_42, %get3A_43] : memref<128x128xf32, #tpu.memory_space<vmem>>, vector<128x128xf32>
    %dot_general3A_45 = arith.constant dense<0.000000e+00> : vector<1000x128xf32>
    %dot_general3A_46 = tpu.matmul %max3A_41, %get3A_44, %dot_general3A_45 {dimension_numbers = #tpu.dot_dimension_numbers<[1], [0], [0], [1], [0, 0, 1, 1], [], []>, transpose_lhs_hint = false} : vector<1000x128xf32>, vector<128x128xf32>, vector<1000x128xf32> -> vector<1000x128xf32>
    %get3A_47 = arith.constant 0 : index
    %get3A_48 = arith.constant 0 : index
    %get3A_49 = vector.load %arg6[%get3A_47, %get3A_48] : memref<1x128xf32, #tpu.memory_space<vmem>>, vector<1x128xf32>
    %add3A_50 = vector.broadcast %get3A_49 : vector<1x128xf32> to vector<1000x128xf32>
    %add3A_51 = arith.addf %dot_general3A_46, %add3A_50 : vector<1000x128xf32>
    %swap3A = arith.constant 0 : index
    %swap3A_52 = arith.constant 0 : index
    %swap3A_53 = vector.load %arg7[%swap3A, %swap3A_52] : memref<1000x128xf32, #tpu.memory_space<vmem>>, vector<1000x128xf32>
    tpu.vector_store %arg7[%swap3A, %swap3A_52], %add3A_51 {strides = array<i32>} : memref<1000x128xf32, #tpu.memory_space<vmem>>, vector<1000x128xf32>,
    return
  }
  func.func @transform_0(%arg0: i32) -> (i32, i32, i32) {
    %c0_i32 = arith.constant 0 : i32
    %c0_i32_0 = arith.constant 0 : i32
    %c0_i32_1 = arith.constant 0 : i32
    return %c0_i32, %arg0, %c0_i32_0 : i32, i32, i32
  }
  func.func @transform_1(%arg0: i32) -> (i32, i32, i32) {
    %c0_i32 = arith.constant 0 : i32
    %c0_i32_0 = arith.constant 0 : i32
    %c0_i32_1 = arith.constant 0 : i32
    return %c0_i32, %arg0, %c0_i32_0 : i32, i32, i32
  }
  func.func @transform_2(%arg0: i32) -> (i32, i32) {
    %c0_i32 = arith.constant 0 : i32
    %c0_i32_0 = arith.constant 0 : i32
    %c0_i32_1 = arith.constant 0 : i32
    return %c0_i32, %c0_i32_0 : i32, i32
  }
  func.func @transform_3(%arg0: i32) -> (i32, i32) {
    %c0_i32 = arith.constant 0 : i32
    %c0_i32_0 = arith.constant 0 : i32
    %c0_i32_1 = arith.constant 0 : i32
    return %c0_i32, %c0_i32_0 : i32, i32
  }
  func.func @transform_4(%arg0: i32) -> (i32, i32) {
    %c0_i32 = arith.constant 0 : i32
    %c0_i32_0 = arith.constant 0 : i32
    %c0_i32_1 = arith.constant 0 : i32
    return %c0_i32, %c0_i32_0 : i32, i32
  }
  func.func @transform_5(%arg0: i32) -> (i32, i32) {
    %c0_i32 = arith.constant 0 : i32
    %c0_i32_0 = arith.constant 0 : i32
    %c0_i32_1 = arith.constant 0 : i32
    return %c0_i32, %c0_i32_0 : i32, i32
  }
  func.func @transform_6(%arg0: i32) -> (i32, i32) {
    %c0_i32 = arith.constant 0 : i32
    %c0_i32_0 = arith.constant 0 : i32
    return %arg0, %c0_i32 : i32, i32
  }
}

</mosaic_0001>

<sc_bundles>
// kernel: kernel.4.cloned.1.call-start
scs
__scs_entry_jumppad:
0x0: {  	(pc) =	sbr.rel $0x88, $3  }
0x1: {  	(tag) =	ssettag $0x0;
	lr =	simm.s32 $0x1  }
0x2: {  	[smem:$0x3F9B] =	sst lr;
	_ =	strace $0xD0000000  }
0x3: {  	_ = 	snop  }
0x4: {  	_ = 	snop  }
0x5: {  	_ = 	snop  }
0x6: {  	_ = 	snop  }
0x7: {  	_ = 	snop  }
__scs_overlays_trampoline_lowered:
0x8: {  	[smem:$0x3FAA] =	sst s0  }
0x9: {  	[smem:$0x3FAB] =	sst s1  }
0xa: {  	[smem:$0x3FAC] =	sst s2  }
0xb: {  	[smem:$0x3FAD] =	sst s3  }
0xc: {  	[smem:$0x3FAE] =	sst s4  }
0xd: {  	[smem:$0x3FAF] =	sst s5  }
0xe: {  	[smem:$0x3FB0] =	sst s6  }
0xf: {  	[smem:$0x3FB1] =	sst s7  }
0x10: {  	[smem:$0x3FB2] =	sst s8  }
0x11: {  	[smem:$0x3FB3] =	sst s9;
	s0 =	simm.s32 @!p0 $0x0  }
0x12: {  	s1 =	sld [smem:$0x3F99];
	s0 =	simm.s32 @p0 $0x1  }
0x13: {  	[smem:$0x3FB4] =	sst s0;
	s0 =	simm.s32 @!p1 $0x0  }
0x14: {  	s2 =	sld [smem:$0x3F98];
	s0 =	simm.s32 @p1 $0x1  }
0x15: {  	[smem:$0x3FB5] =	sst s0;
	s0 =	simm.s32 @!p2 $0x0  }
0x16: {  	s3 =	sld [smem:$0x3FDB];
	s0 =	simm.s32 @p2 $0x1  }
0x17: {  	s4 =	simm.s32 $0x1BF5;
	[smem:$0x3FB7] =	sst s0  }
0x18: {  	s0 =	sld [smem:$0x3F9A];
	_ =	swait.ge [sflag:s4], $0x0  }
0x19: {  	s7 =	sld [smem:$0x3F9B]  }
0x1a: {  	s8 =	sadd.s32 $0xFFFFE003, lr  }
0x1b: {  	s9 =	sadd.s32 $0xFFFFFEF7, lr;
	s5 =	simm.s32 $0xFFFFFFFF;
	p2 =	slt.u32 s8, $0xFFFFF086  }
0x1c: {  	p1 =	slt.u32 s9, $0xF7A;
	s5 =	simm.s32 @!p2 $0x0  }
0x1d: {  	s5 =	simm.s32 @p1 $0x1;
	p0 =	seq.s32 s7, s2  }
0x1e: {  	s7 =	smul.u32 @!p0 $0xF7A, s2;
	p2 =	seq.s32 @!p0 s5, $0x0  }
0x1f: {  	s9 =	smul.u32 $0xF7A, s1;
	s8 =	simm.s32 @!p0 $0x1BF5;
	p2 =	por !p2, p0  }
0x20: {  	[sflag:s8] =	ssyncset.s32 @!p0 $0xFFFFF086;
	s6 =	sadd.s32 @!p0 s3, s7;
	s7 =	simm.s32 @!p0 $0x108  }
0x21: {  	s3 =	sadd.s32 s3, s9;
	s6 =	sadd.s32 @!p0 $0x88, s6;
	s7 =	simm.s32 @p2 $0x1082  }
0x22: {  	[simem:s7], [sflag:s8] =	dma.local @!p0 [hbm:s6], $0xF7A  }
0x23: {  	s9 =	sor.u32 $0xD0000000, s2;
	s6 =	simm.s32 $0x108;
	_ =	swait.ge @!p0 [sflag:s8], $0x0  }
0x24: {  	s3 =	sadd.s32 $0x88, s3;
	s6 =	simm.s32 @!p1 $0x1082;
	[sflag:s4] =	ssyncset.s32 $0xFFFFF086  }
0x25: {  	[simem:s6], [sflag:s4] =	dma.local [hbm:s3], $0xF7A  }
0x26: {  	[smem:$0x3F9B] =	sst s1;
	(tag) =	ssettag s2;
	_ =	strace s9  }
0x27: {  	s1 =	sld [smem:$0x3FAB]  }
0x28: {  	s2 =	sld [smem:$0x3FAC]  }
0x29: {  	s4 =	sld [smem:$0x3FAE]  }
0x2a: {  	p0 =	seq.s32 s5, $0x0;
	s5 =	sld [smem:$0x3FAF]  }
0x2b: {  	s6 =	sld [smem:$0x3FB0]  }
0x2c: {  	s7 =	sld [smem:$0x3FB1]  }
0x2d: {  	s3 =	simm.s32 $0x108;
	s8 =	sld [smem:$0x3FB2]  }
0x2e: {  	s3 =	simm.s32 @!p0 $0x1082;
	s9 =	sld [smem:$0x3FB3]  }
0x2f: {  	lr =	sadd.s32 s0, s3;
	s0 =	sld [smem:$0x3FAA]  }
0x30: {  	s3 =	sld [smem:$0x3FAD]  }
0x31: {  	[smem:$0x3FB6] =	sst s10  }
0x32: {  	s10 =	sld [smem:$0x3FB4];
	_ =	sdelay $0x3  }
0x33: {  	p0 =	seq.s32 s10, $0x1;
	s10 =	sld [smem:$0x3FB6];
	_ =	sdelay $0x3  }
0x34: {  	[smem:$0x3FB6] =	sst s10  }
0x35: {  	s10 =	sld [smem:$0x3FB5];
	_ =	sdelay $0x3  }
0x36: {  	p1 =	seq.s32 s10, $0x1;
	s10 =	sld [smem:$0x3FB6];
	_ =	sdelay $0x3  }
0x37: {  	[smem:$0x3FB6] =	sst s10  }
0x38: {  	s10 =	sld [smem:$0x3FB7]  }
0x39: {  	_ = 	snop;
	(pc) =	sbr.ind lr, $3  }
0x3a: {  	_ = 	snop  }
0x3b: {  	_ = 	snop  }
0x3c: {  	p2 =	seq.s32 s10, $0x1;
	s10 =	sld [smem:$0x3FB6]  }
0x3d: {  	_ =	shalt  }
0x3e: {  	_ =	shalt  }
0x3f: {  	_ =	shalt  }
0x40: {  	_ =	shalt  }
0x41: {  	_ =	shalt  }
0x42: {  	_ =	shalt  }
0x43: {  	_ =	shalt  }
0x44: {  	_ =	shalt  }
0x45: {  	_ =	shalt  }
0x46: {  	_ =	shalt  }
0x47: {  	_ =	shalt  }
0x48: {  	_ =	shalt  }
0x49: {  	_ =	shalt  }
0x4a: {  	_ =	shalt  }
0x4b: {  	_ =	shalt  }
0x4c: {  	_ =	shalt  }
0x4d: {  	_ =	shalt  }
0x4e: {  	_ =	shalt  }
0x4f: {  	_ =	shalt  }
0x50: {  	_ =	shalt  }
0x51: {  	_ =	shalt  }
0x52: {  	_ =	shalt  }
0x53: {  	_ =	shalt  }
0x54: {  	_ =	shalt  }
0x55: {  	_ =	shalt  }
0x56: {  	_ =	shalt  }
0x57: {  	_ =	shalt  }
0x58: {  	_ =	shalt  }
0x59: {  	_ =	shalt  }
0x5a: {  	_ =	shalt  }
0x5b: {  	_ =	shalt  }
0x5c: {  	_ =	shalt  }
0x5d: {  	_ =	shalt  }
0x5e: {  	_ =	shalt  }
0x5f: {  	_ =	shalt  }
0x60: {  	_ =	shalt  }
0x61: {  	_ =	shalt  }
0x62: {  	_ =	shalt  }
0x63: {  	_ =	shalt  }
0x64: {  	_ =	shalt  }
0x65: {  	_ =	shalt  }
0x66: {  	_ =	shalt  }
0x67: {  	_ =	shalt  }
0x68: {  	_ =	shalt  }
0x69: {  	_ =	shalt  }
0x6a: {  	_ =	shalt  }
0x6b: {  	_ =	shalt  }
0x6c: {  	_ =	shalt  }
0x6d: {  	_ =	shalt  }
0x6e: {  	_ =	shalt  }
0x6f: {  	_ =	shalt  }
0x70: {  	_ =	shalt  }
0x71: {  	_ =	shalt  }
0x72: {  	_ =	shalt  }
0x73: {  	_ =	shalt  }
0x74: {  	_ =	shalt  }
0x75: {  	_ =	shalt  }
0x76: {  	_ =	shalt  }
0x77: {  	_ =	shalt  }
0x78: {  	_ =	shalt  }
0x79: {  	_ =	shalt  }
0x7a: {  	_ =	shalt  }
0x7b: {  	_ =	shalt  }
0x7c: {  	_ =	shalt  }
0x7d: {  	_ =	shalt  }
0x7e: {  	_ =	shalt  }
0x7f: {  	_ =	shalt  }
0x80: {  	_ =	shalt  }
0x81: {  	_ =	shalt  }
0x82: {  	_ =	shalt  }
0x83: {  	_ =	shalt  }
0x84: {  	_ =	shalt  }
0x85: {  	_ =	shalt  }
0x86: {  	_ =	shalt  }
0x87: {  	_ =	shalt  }
.Lfunc_end0:
.L_simem_size_0:
called_computation_lowered:
.L_overlay_start_0:
0x88: {  	s2 =	sld [smem:$0x3FD9]  }
0x89: {  	s3 =	sld [smem:$0x3FFE];
	_ =	sdelay $0x1  }
0x8a: {  	s1 =	srdreg.scid  }
0x8b: {  	s0 =	sand.u32 $0x1, s1  }
0x8c: {  	s17 =	sshll.u32 s0, $0xA;
	s2 =	sadd.s32 s3, s2  }
0x8d: {  	s2 =	sadd.s32 s2, s17  }
0x8e: {  	[smem:$0x3FC2] =	sst s2  }
0x8f: {  	_ = 	snop  }
0x90: {  	s2 =	sld [smem:$0x3FC9]  }
0x91: {  	s18 =	sld [smem:$0x3FD0];
	(tm) =	ssettm $0x1  }
0x92: {  	s4 =	sld [smem:$0x3FFB];
	_ =	sdelay $0x3  }
0x93: {  	_ =	strace s4  }
0x94: {  	s4 =	sld [smem:$0x3FFC];
	_ =	sdelay $0x3  }
0x95: {  	_ =	strace s4  }
0x96: {  	s4 =	sld [smem:$0x3FFD];
	_ =	sdelay $0x3  }
0x97: {  	_ =	strace s4  }
0x98: {  	_ =	strace $0x8FFFFFFF  }
0x99: {  	s19 =	sld [smem:$0x3FDB];
	_ =	sdelay $0x1  }
0x9a: {  	s5 =	simm.s32 $_scs_section_size  }
0x9b: {  	s6 =	simm.s32 $_size__tile_overlayer_lowered;
	s7 =	simm.s32 $_tile_overlayer_lowered  }
0x9c: {  	s22 =	simm.s32 $0x1BFF;
	s21 =	sshll.u32 s7, $0x1;
	s4 =	sadd.s32 s5, s19  }
0x9d: {  	s8 =	simm.s32 $0x0;
	s20 =	sshll.u32 s6, $0x1;
	s6 =	sadd.s32 s21, s4  }
0x9e: {  	[timem:s8], [sflag:s22] =	dma.local [hbm:s6], s20  }
0x9f: {  	_ =	swait.ge [sflag:s22], s20  }
0xa0: {  	s5 =	ssub.s32 $0x0, s20;
	[sflag:s22] =	ssyncset.done $0x0  }
0xa1: {  	[sflag:s22] =	ssyncadd.s32 s5;
	_ =	sdelay $0x1  }
0xa2: {  	s23 =	simm.s32 $0x1B8B  }
0xa3: {  	_ =	swait.ge [sflag:s23], $0x1  }
0xa4: {  	[sflag:s23] =	ssyncset.done $0x0  }
0xa5: {  	s25 =	simm.s32 $0x1B8E;
	s24 =	sld [smem:$0x3FFE];
	[sflag:s23] =	ssyncadd.s32 $0xFFFFFFFF  }
0xa6: {  	s26 =	simm.s32 $execute0_lowered;
	[smem:$0x3FD2] =	sst s25  }
0xa7: {  	s6 =	sshll.u32 s26, $0x1;
	_ =	strace $0x80000046;
	[dreg:$0x1] =	wrdreg $0xFFFFFFFF  }
0xa8: {  	s28 =	simm.s32 $_size_execute0_lowered;
	s4 =	sadd.s32 s4, s6;
	[dreg:$0x0] =	wrdreg $0x0  }
0xa9: {  	s6 =	sshll.u32 s28, $0x1;
	[dreg:$0x2] =	wrdreg s4  }
0xaa: {  	[dreg:$0x3] =	wrdreg s6  }
0xab: {  	[dreg:$0x4] =	wrdreg $0xC0  }
0xac: {  	_ =	task [dreg:s8], $0x5FFFF  }
0xad: {  	[dreg:$0x1] =	wrdreg $0xFFFFFFFF  }
0xae: {  	[dreg:$0x0] =	wrdreg $0x60  }
0xaf: {  	[dreg:$0x2] =	wrdreg s2  }
0xb0: {  	[dreg:$0x3] =	wrdreg s18  }
0xb1: {  	[dreg:$0x4] =	wrdreg s24  }
0xb2: {  	[dreg:$0x5] =	wrdreg $0x98000  }
0xb3: {  	[dreg:$0x6] =	wrdreg $0x9  }
0xb4: {  	_ =	task.clear_ibuf [dreg:s8], $0x7FFFF;
	_ =	strace $0x90000046  }
0xb5: {  	s29 =	simm.s32 $0x9;
	_ =	strace $0x80000048  }
0xb6: {  	_ =	swait.ge [sflag:s29], $0x1  }
0xb7: {  	[sflag:s29] =	ssyncadd.s32 $0xFFFFFFFF  }
0xb8: {  	_ =	strace $0x90000048  }
0xb9: {  	_ =	sfence  }
0xba: {  	s30 =	sld [smem:$0x0];
	_ =	sdelay $0x2  }
0xbb: {  	s31 =	sshll.u32 s1, $0xD;
	s1 =	sshrl.u32 s1, $0x2  }
0xbc: {  	s3 =	sand.u32 $0x4000, s31;
	s1 =	sadd.s32 s1, s30  }
0xbd: {  	s0 =	sor.u32 s3, s0;
	s1 =	sshll.u32 s1, $0x11  }
0xbe: {  	s0 =	sor.u32 s1, s0  }
0xbf: {  	s0 =	sadd.s32 $0x8F2B, s0  }
0xc0: {  	[sflag:s0] =	ssyncadd.remote.s32 $0x1  }
0xc1: {  	_ =	sfence.sel $0xFFFF  }
0xc2: {  	[dreg:$0x0] =	wrdreg $0xFFFFFFFF;
	(pc) =	sbr.abs _section_cstart, $3  }
0xc3: {  	[dreg:$0x1] =	wrdreg $0xFFFFFFFF  }
0xc4: {  	_ =	task.clear_ibuf [dreg:s8], $0x2FFFF;
	_ =	strace $0x9FFFFFFF  }
0xc5: {  	(tm) =	ssettm $0x7FFFFFFF  }
tec
execute0_lowered:
.L_overlay_start_1:
0x0: {  	(tag) =	ssettag $0x1  }
0x1: {  	s0 =	rddreg [dreg:$0x0]  }
0x2: {  	s2 =	rddreg [dreg:$0x1]  }
0x3: {  	s3 =	srdreg.scid;
	s1 =	rddreg [dreg:$0x2]  }
0x4: {  	s4 =	simm.s32 $0x0;
	s14 =	sand.u32 $0x1, s3;
	s3 =	rddreg [dreg:$0x3]  }
0x5: {  	s11 =	simm.s32 $0xC80;
	[smem:$0x7FF] =	sst s4  }
0x6: {  	s12 =	simm.s32 $0xD00;
	_ =	strace $0x80000047;
	[dreg:$0x6] =	wrdreg s11  }
0x7: {  	s22 =	stileid.u32;
	s16 =	simm.s32 $0xD80;
	[dreg:$0x7] =	wrdreg s12  }
0x8: {  	s18 =	simm.s32 $0xE00;
	s19 =	simm.s32 $0xE80;
	[dreg:$0x8] =	wrdreg s16  }
0x9: {  	s20 =	simm.s32 $0xF00;
	s21 =	simm.s32 $0xF80;
	[dreg:$0x9] =	wrdreg s18  }
0xa: {  	s23 =	simm.s32 $0x1000;
	s25 =	simm.s32 $0x1080;
	[dreg:$0xa] =	wrdreg s19  }
0xb: {  	s31 =	simm.s32 $0x1800;
	s30 =	simm.s32 $0x480;
	[dreg:$0xb] =	wrdreg s20  }
0xc: {  	s28 =	simm.s32 $0x800;
	s6 =	smul.u32 $0x3000, s22;
	[dreg:$0xc] =	wrdreg s21  }
0xd: {  	s29 =	simm.s32 $0x3;
	s15 =	smul.u32 $0x13C00, s22;
	[dreg:$0xd] =	wrdreg s23  }
0xe: {  	s13 =	sadd.s32 $0xDC00, s1;
	s4 =	simm.s32 $0x1100;
	[dreg:$0xe] =	wrdreg s25  }
0xf: {  	s10 =	sadd.s32 $0x5CC00, s1;
	[dreg:$0xf] =	wrdreg s4;
	s12 =	simm.s32 $0x1180  }
0x10: {  	s5 =	smul.u32 $0x30000, s14;
	s20 =	simm.s32 $0x1200;
	[dreg:$0x10] =	wrdreg s12  }
0x11: {  	s17 =	ssub.s32 $0x2, s14;
	s23 =	simm.s32 $0x1280;
	[dreg:$0x11] =	wrdreg s20  }
0x12: {  	s25 =	simm.s32 $0x1300;
	s4 =	simm.s32 $0x1400;
	[dreg:$0x12] =	wrdreg s23  }
0x13: {  	s7 =	sshrl.u32 s17, $0x1;
	s11 =	sadd.s32 $0xD000, s15;
	[dreg:$0x13] =	wrdreg s25  }
0x14: {  	s24 =	sadd.s32 $0x10400, s15;
	[dreg:$0x15] =	wrdreg s4;
	s12 =	simm.s32 $0x1480  }
0x15: {  	s23 =	simm.s32 $0x1500;
	s5 =	sadd.s32 s6, s5;
	[dreg:$0x16] =	wrdreg s12  }
0x16: {  	[dreg:$0x17] =	wrdreg s23;
	s6 =	sshrl.u32 s5, $0x3;
	s5 =	ssub.s32 s17, s7  }
0x17: {  	s7 =	sadd.s32 $0x3400, s15;
	s17 =	smul.u32 $0x13C000, s14;
	s14 =	sadd.s32 $0x13800, s15  }
0x18: {  	s8 =	sadd.s32 s6, s1;
	s2 =	sadd.s32 s6, s2;
	s6 =	simm.s32 $0x1  }
0x19: {  	s9 =	sadd.s32 $0xC00, s8;
	s8 =	sadd.s32 $0x6800, s15;
	s26 =	sadd.s32 s17, s7  }
0x1a: {  	s25 =	sadd.s32 s17, s24;
	[dreg:$0x19] =	wrdreg s2;
	s2 =	simm.s32 $0x4  }
0x1b: {  	[dreg:$0x5] =	wrdreg s9;
	s9 =	sadd.s32 $0x9C00, s15;
	s16 =	sshrl.u32 s25, $0x3  }
0x1c: {  	s15 =	sadd.s32 s15, s17;
	s21 =	sadd.s32 s17, s8;
	s12 =	sadd.s32 s13, s16  }
0x1d: {  	s15 =	sshrl.u32 s15, $0x3;
	s16 =	sadd.s32 s10, s16;
	[dreg:$0x1f] =	wrdreg s12  }
0x1e: {  	s20 =	sadd.s32 s17, s9;
	s18 =	sadd.s32 s13, s15;
	[smem:$0x7F2] =	sst s16  }
0x1f: {  	s20 =	sshrl.u32 s20, $0x3;
	s25 =	sadd.s32 s10, s15;
	[dreg:$0x1a] =	wrdreg s18  }
0x20: {  	s18 =	sshrl.u32 s26, $0x3;
	s26 =	simm.s32 $0x1380;
	[smem:$0x7ED] =	sst s25  }
0x21: {  	s16 =	simm.s32 $0x280;
	s12 =	sadd.s32 s10, s20;
	[dreg:$0x14] =	wrdreg s26  }
0x22: {  	s25 =	sadd.s32 s9, s3;
	s9 =	sadd.s32 s14, s3;
	[smem:$0x7F0] =	sst s12  }
0x23: {  	s19 =	sadd.s32 s13, s18;
	s26 =	sadd.s32 s13, s20;
	[smem:$0x7FD] =	sst s9  }
0x24: {  	s20 =	sadd.s32 $0xD400, s1;
	s1 =	sadd.s32 $0xCC00, s1;
	[dreg:$0x1b] =	wrdreg s19  }
0x25: {  	s12 =	sadd.s32 s11, s3;
	s19 =	sshrl.u32 s21, $0x3;
	[dreg:$0x1d] =	wrdreg s26  }
0x26: {  	s21 =	sadd.s32 s17, s11;
	s17 =	sadd.s32 s17, s14;
	[smem:$0x7F4] =	sst s20  }
0x27: {  	s26 =	sadd.s32 s10, s18;
	s18 =	smul.u32 $0x4F000, s22;
	[smem:$0x7F5] =	sst s1  }
0x28: {  	s22 =	sadd.s32 s7, s3;
	s11 =	smov.u32 s25;
	s7 =	simm.s32 $0x5800  }
0x29: {  	s20 =	simm.s32 $0x500;
	s25 =	simm.s32 $0x700;
	[smem:$0x7FB] =	sst s12  }
0x2a: {  	s14 =	simm.s32 $0x980;
	s21 =	sshrl.u32 s21, $0x3;
	[smem:$0x7EE] =	sst s26  }
0x2b: {  	s17 =	sshrl.u32 s17, $0x3;
	s23 =	sadd.s32 s13, s19;
	[smem:$0x7F7] =	sst s22  }
0x2c: {  	s26 =	smax.u32 s5, $0x1;
	s5 =	simm.s32 $0x7D;
	[smem:$0x7FA] =	sst s11  }
0x2d: {  	s22 =	simm.s32 $0x580;
	[dreg:$0x1c] =	wrdreg s23;
	s4 =	sadd.s32 s13, s21  }
0x2e: {  	s13 =	sadd.s32 s13, s17;
	s15 =	sadd.s32 s10, s21;
	[smem:$0x7F9] =	sst s26  }
0x2f: {  	s21 =	sshrl.u32 s18, $0x2;
	s23 =	sadd.s32 s8, s3;
	[dreg:$0x1e] =	wrdreg s4  }
0x30: {  	s8 =	simm.s32 $0x2;
	s18 =	simm.s32 $0x380;
	[smem:$0x7EC] =	sst s13  }
0x31: {  	s26 =	simm.s32 $0x780;
	s4 =	sadd.s32 s10, s19;
	[smem:$0x7F1] =	sst s15  }
0x32: {  	s19 =	simm.s32 $0x1580;
	s10 =	sadd.s32 s10, s17;
	[smem:$0x7F8] =	sst s23  }
0x33: {  	s1 =	sadd.s32 s21, s3;
	s15 =	simm.s32 $0x200;
	[smem:$0x7EF] =	sst s4  }
0x34: {  	s17 =	simm.s32 $0x300;
	s21 =	simm.s32 $0x400;
	[smem:$0x7F3] =	sst s10  }
0x35: {  	s23 =	simm.s32 $0x600;
	s13 =	simm.s32 $0x0;
	[dreg:$0x18] =	wrdreg s19  }
0x36: {  	[smem:$0x7F6] =	sst s1;
	s10 =	sadd.s32 s24, s3;
	s24 =	simm.s32 $0x680  }
0x37: {  	s19 =	simm.s32 $0x880;
	s4 =	simm.s32 $0x900;
	[smem:$0x7FC] =	sst s10  }
.LBB2_1:
0x38: {  	s1 =	sld [smem:$0x7F4];
	_ =	sdelay $0x1  }
0x39: {  	[smem:$0x7EB] =	sst s13;
	s13 =	simm.s32 $0x0  }
0x3a: {  	[tilespmem:s31], [sflag:$0x4] =	stream.linear.gather [hbm4b:s1+s13], $0x3E80, $0x38;
	[tilespmem:$0x1D400] =	vst v63  }
0x3b: {  	_ =	swait.ge [sflag:s2], $0x3E80  }
0x3c: {  	s1 =	sld [smem:$0x7F6]  }
0x3d: {  	[sflag:s2] =	ssyncset.done $0x0  }
0x3e: {  	[sflag:s2] =	ssyncadd.s32 $0xFFFFC180  }
0x3f: {  	[spmem:s1] =	stream.linear.scatter [tilespmem:s31], [sflag:$0x4], $0x3400, $0x38;
	[tilespmem:$0x1D400] =	vst v63  }
0x40: {  	_ =	swait.ge [sflag:s2], $0x3400  }
0x41: {  	s1 =	sld [smem:$0x7F7]  }
0x42: {  	[sflag:s2] =	ssyncset.done $0x0  }
0x43: {  	[sflag:s2] =	ssyncadd.s32 $0xFFFFCC00  }
0x44: {  	[spmem:s1] =	stream.linear.scatter [tilespmem:s31], [sflag:$0x4], $0x3400, $0x38;
	[tilespmem:$0x1D400] =	vst v63  }
0x45: {  	_ =	swait.ge [sflag:s2], $0x3400  }
0x46: {  	s1 =	sld [smem:$0x7F8]  }
0x47: {  	[sflag:s2] =	ssyncset.done $0x0  }
0x48: {  	[sflag:s2] =	ssyncadd.s32 $0xFFFFCC00  }
0x49: {  	[spmem:s1] =	stream.linear.scatter [tilespmem:s31], [sflag:$0x4], $0x3400, $0x38;
	[tilespmem:$0x1D400] =	vst v63  }
0x4a: {  	_ =	swait.ge [sflag:s2], $0x3400  }
0x4b: {  	[sflag:s2] =	ssyncset.done $0x0  }
0x4c: {  	[sflag:s2] =	ssyncadd.s32 $0xFFFFCC00  }
0x4d: {  	[spmem:s11] =	stream.linear.scatter [tilespmem:s31], [sflag:$0x4], $0x3400, $0x38;
	[tilespmem:$0x1D400] =	vst v63  }
0x4e: {  	_ =	swait.ge [sflag:s2], $0x3400  }
0x4f: {  	[sflag:s2] =	ssyncset.done $0x0  }
0x50: {  	[sflag:s2] =	ssyncadd.s32 $0xFFFFCC00  }
0x51: {  	[spmem:s12] =	stream.linear.scatter [tilespmem:s31], [sflag:$0x4], $0x3400, $0x38;
	[tilespmem:$0x1D400] =	vst v63  }
0x52: {  	_ =	swait.ge [sflag:s2], $0x3400  }
0x53: {  	[sflag:s2] =	ssyncset.done $0x0  }
0x54: {  	[sflag:s2] =	ssyncadd.s32 $0xFFFFCC00  }
0x55: {  	[spmem:s10] =	stream.linear.scatter [tilespmem:s31], [sflag:$0x4], $0x3400, $0x38;
	[tilespmem:$0x1D400] =	vst v63  }
0x56: {  	_ =	swait.ge [sflag:s2], $0x3400  }
0x57: {  	[sflag:s2] =	ssyncset.done $0x0  }
0x58: {  	[sflag:s2] =	ssyncadd.s32 $0xFFFFCC00  }
0x59: {  	[spmem:s9] =	stream.linear.scatter [tilespmem:s31], [sflag:$0x4], $0x400, $0x38;
	[tilespmem:$0x1D400] =	vst v63  }
0x5a: {  	_ =	swait.ge [sflag:s2], $0x400  }
0x5b: {  	[sflag:s2] =	ssyncset.done $0x0  }
0x5c: {  	[sflag:s2] =	ssyncadd.s32 $0xFFFFFC00  }
0x5d: {  	[bflag:$0x0] =	sbarrier.arrive $0xFFFF  }
0x5e: {  	s9 =	rddreg [dreg:$0x19]  }
0x5f: {  	s1 =	sadd.s32 $0x0, s9  }
0x60: {  	[tilespmem:s13], [sflag:$0x4] =	stream.linear.gather [hbm4b:s1+s13], $0xA00, $0x38;
	[tilespmem:$0x1D400] =	vst v63  }
0x61: {  	_ =	swait.ge [sflag:s2], $0xA00  }
0x62: {  	s10 =	rddreg [dreg:$0x5];
	[sflag:s2] =	ssyncset.done $0x0  }
0x63: {  	s11 =	simm.s32 $0xC00;
	[sflag:s2] =	ssyncadd.s32 $0xFFFFF600;
	s1 =	sadd.s32 $0x0, s10  }
0x64: {  	[tilespmem:s11], [sflag:$0x4] =	stream.linear.gather [hbm4b:s1+s13], $0xA00, $0x38;
	[tilespmem:$0x1D400] =	vst v63  }
0x65: {  	_ =	swait.ge [sflag:s2], $0xA00  }
0x66: {  	[sflag:s2] =	ssyncset.done $0x0  }
0x67: {  	[sflag:s2] =	ssyncadd.s32 $0xFFFFF600  }
0x68: {  	[tilespmem:s31], [sflag:$0x1] =	stream.indirect.gather [hbm4b:s0+s5], $0x80, s11, s5, $0xb8;
	[tilespmem:$0x1D400] =	vst v63  }
0x69: {  	_ =	swait.ge [sflag:s6], $0x3E80  }
0x6a: {  	[sflag:s6] =	ssyncset.done $0x0  }
0x6b: {  	s12 =	rddreg [dreg:$0x6];
	[sflag:s6] =	ssyncadd.s32 $0xFFFFC180  }
0x6c: {  	[tilespmem:s7], [sflag:$0x2] =	stream.indirect.gather [hbm4b:s0+s5], $0x80, s12, s5, $0xb8;
	[tilespmem:$0x1D400] =	vst v63  }
0x6d: {  	_ = 	snop  }
0x6e: {  	[spmem:s3] =	stream.indirect.scatter.add.f32 [tilespmem:s31], [sflag:$0x4], $0x80, s13, s5, $0xb8;
	[tilespmem:$0x1D400] =	vst v63  }
0x6f: {  	_ =	swait.ge [sflag:s2], $0x3E80  }
0x70: {  	[sflag:s2] =	ssyncset.done $0x0  }
0x71: {  	[sflag:s2] =	ssyncadd.s32 $0xFFFFC180  }
0x72: {  	_ =	swait.ge [sflag:s8], $0x3E80  }
0x73: {  	[sflag:s8] =	ssyncset.done $0x0  }
0x74: {  	s13 =	rddreg [dreg:$0x7];
	[sflag:s8] =	ssyncadd.s32 $0xFFFFC180  }
0x75: {  	[tilespmem:s31], [sflag:$0x1] =	stream.indirect.gather [hbm4b:s0+s5], $0x80, s13, s5, $0xb8;
	[tilespmem:$0x1D400] =	vst v63  }
0x76: {  	s9 =	simm.s32 $0x80  }
0x77: {  	[spmem:s3] =	stream.indirect.scatter.add.f32 [tilespmem:s7], [sflag:$0x4], $0x80, s9, s5, $0xb8;
	[tilespmem:$0x1D400] =	vst v63  }
0x78: {  	_ =	swait.ge [sflag:s2], $0x3E80  }
0x79: {  	[sflag:s2] =	ssyncset.done $0x0  }
0x7a: {  	[sflag:s2] =	ssyncadd.s32 $0xFFFFC180  }
0x7b: {  	_ =	swait.ge [sflag:s6], $0x3E80  }
0x7c: {  	[sflag:s6] =	ssyncset.done $0x0  }
0x7d: {  	s10 =	rddreg [dreg:$0x8];
	[sflag:s6] =	ssyncadd.s32 $0xFFFFC180  }
0x7e: {  	[tilespmem:s7], [sflag:$0x2] =	stream.indirect.gather [hbm4b:s0+s5], $0x80, s10, s5, $0xb8;
	[tilespmem:$0x1D400] =	vst v63  }
0x7f: {  	s11 =	simm.s32 $0x100  }
0x80: {  	[spmem:s3] =	stream.indirect.scatter.add.f32 [tilespmem:s31], [sflag:$0x4], $0x80, s11, s5, $0xb8;
	[tilespmem:$0x1D400] =	vst v63  }
0x81: {  	_ =	swait.ge [sflag:s2], $0x3E80  }
0x82: {  	[sflag:s2] =	ssyncset.done $0x0  }
0x83: {  	[sflag:s2] =	ssyncadd.s32 $0xFFFFC180  }
0x84: {  	_ =	swait.ge [sflag:s8], $0x3E80  }
0x85: {  	[sflag:s8] =	ssyncset.done $0x0  }
0x86: {  	s12 =	rddreg [dreg:$0x9];
	[sflag:s8] =	ssyncadd.s32 $0xFFFFC180  }
0x87: {  	[tilespmem:s31], [sflag:$0x1] =	stream.indirect.gather [hbm4b:s0+s5], $0x80, s12, s5, $0xb8;
	[tilespmem:$0x1D400] =	vst v63  }
0x88: {  	s13 =	simm.s32 $0x180  }
0x89: {  	[spmem:s3] =	stream.indirect.scatter.add.f32 [tilespmem:s7], [sflag:$0x4], $0x80, s13, s5, $0xb8;
	[tilespmem:$0x1D400] =	vst v63  }
0x8a: {  	_ =	swait.ge [sflag:s2], $0x3E80  }
0x8b: {  	[sflag:s2] =	ssyncset.done $0x0  }
0x8c: {  	[sflag:s2] =	ssyncadd.s32 $0xFFFFC180  }
0x8d: {  	_ =	swait.ge [sflag:s6], $0x3E80  }
0x8e: {  	[sflag:s6] =	ssyncset.done $0x0  }
0x8f: {  	s9 =	rddreg [dreg:$0xa];
	[sflag:s6] =	ssyncadd.s32 $0xFFFFC180  }
0x90: {  	[tilespmem:s7], [sflag:$0x2] =	stream.indirect.gather [hbm4b:s0+s5], $0x80, s9, s5, $0xb8;
	[tilespmem:$0x1D400] =	vst v63  }
0x91: {  	_ = 	snop  }
0x92: {  	[spmem:s3] =	stream.indirect.scatter.add.f32 [tilespmem:s31], [sflag:$0x4], $0x80, s15, s5, $0xb8;
	[tilespmem:$0x1D400] =	vst v63  }
0x93: {  	_ =	swait.ge [sflag:s2], $0x3E80  }
0x94: {  	[sflag:s2] =	ssyncset.done $0x0  }
0x95: {  	[sflag:s2] =	ssyncadd.s32 $0xFFFFC180  }
0x96: {  	_ =	swait.ge [sflag:s8], $0x3E80  }
0x97: {  	[sflag:s8] =	ssyncset.done $0x0  }
0x98: {  	s10 =	rddreg [dreg:$0xb];
	[sflag:s8] =	ssyncadd.s32 $0xFFFFC180  }
0x99: {  	[tilespmem:s31], [sflag:$0x1] =	stream.indirect.gather [hbm4b:s0+s5], $0x80, s10, s5, $0xb8;
	[tilespmem:$0x1D400] =	vst v63  }
0x9a: {  	_ = 	snop  }
0x9b: {  	[spmem:s3] =	stream.indirect.scatter.add.f32 [tilespmem:s7], [sflag:$0x4], $0x80, s16, s5, $0xb8;
	[tilespmem:$0x1D400] =	vst v63  }
0x9c: {  	_ =	swait.ge [sflag:s2], $0x3E80  }
0x9d: {  	[sflag:s2] =	ssyncset.done $0x0  }
0x9e: {  	[sflag:s2] =	ssyncadd.s32 $0xFFFFC180  }
0x9f: {  	_ =	swait.ge [sflag:s6], $0x3E80  }
0xa0: {  	[sflag:s6] =	ssyncset.done $0x0  }
0xa1: {  	s11 =	rddreg [dreg:$0xc];
	[sflag:s6] =	ssyncadd.s32 $0xFFFFC180  }
0xa2: {  	[tilespmem:s7], [sflag:$0x2] =	stream.indirect.gather [hbm4b:s0+s5], $0x80, s11, s5, $0xb8;
	[tilespmem:$0x1D400] =	vst v63  }
0xa3: {  	_ = 	snop  }
0xa4: {  	[spmem:s3] =	stream.indirect.scatter.add.f32 [tilespmem:s31], [sflag:$0x4], $0x80, s17, s5, $0xb8;
	[tilespmem:$0x1D400] =	vst v63  }
0xa5: {  	_ =	swait.ge [sflag:s2], $0x3E80  }
0xa6: {  	[sflag:s2] =	ssyncset.done $0x0  }
0xa7: {  	[sflag:s2] =	ssyncadd.s32 $0xFFFFC180  }
0xa8: {  	_ =	swait.ge [sflag:s8], $0x3E80  }
0xa9: {  	[sflag:s8] =	ssyncset.done $0x0  }
0xaa: {  	s12 =	rddreg [dreg:$0xd];
	[sflag:s8] =	ssyncadd.s32 $0xFFFFC180  }
0xab: {  	[tilespmem:s31], [sflag:$0x1] =	stream.indirect.gather [hbm4b:s0+s5], $0x80, s12, s5, $0xb8;
	[tilespmem:$0x1D400] =	vst v63  }
0xac: {  	_ = 	snop  }
0xad: {  	[spmem:s3] =	stream.indirect.scatter.add.f32 [tilespmem:s7], [sflag:$0x4], $0x80, s18, s5, $0xb8;
	[tilespmem:$0x1D400] =	vst v63  }
0xae: {  	_ =	swait.ge [sflag:s2], $0x3E80  }
0xaf: {  	[sflag:s2] =	ssyncset.done $0x0  }
0xb0: {  	[sflag:s2] =	ssyncadd.s32 $0xFFFFC180  }
0xb1: {  	_ =	swait.ge [sflag:s6], $0x3E80  }
0xb2: {  	[sflag:s6] =	ssyncset.done $0x0  }
0xb3: {  	s13 =	rddreg [dreg:$0xe];
	[sflag:s6] =	ssyncadd.s32 $0xFFFFC180  }
0xb4: {  	[tilespmem:s7], [sflag:$0x2] =	stream.indirect.gather [hbm4b:s0+s5], $0x80, s13, s5, $0xb8;
	[tilespmem:$0x1D400] =	vst v63  }
0xb5: {  	_ = 	snop  }
0xb6: {  	[spmem:s3] =	stream.indirect.scatter.add.f32 [tilespmem:s31], [sflag:$0x4], $0x80, s21, s5, $0xb8;
	[tilespmem:$0x1D400] =	vst v63  }
0xb7: {  	_ =	swait.ge [sflag:s2], $0x3E80  }
0xb8: {  	[sflag:s2] =	ssyncset.done $0x0  }
0xb9: {  	[sflag:s2] =	ssyncadd.s32 $0xFFFFC180  }
0xba: {  	_ =	swait.ge [sflag:s8], $0x3E80  }
0xbb: {  	[sflag:s8] =	ssyncset.done $0x0  }
0xbc: {  	s9 =	rddreg [dreg:$0xf];
	[sflag:s8] =	ssyncadd.s32 $0xFFFFC180  }
0xbd: {  	[tilespmem:s31], [sflag:$0x1] =	stream.indirect.gather [hbm4b:s0+s5], $0x80, s9, s5, $0xb8;
	[tilespmem:$0x1D400] =	vst v63  }
0xbe: {  	_ = 	snop  }
0xbf: {  	[spmem:s3] =	stream.indirect.scatter.add.f32 [tilespmem:s7], [sflag:$0x4], $0x80, s30, s5, $0xb8;
	[tilespmem:$0x1D400] =	vst v63  }
0xc0: {  	_ =	swait.ge [sflag:s2], $0x3E80  }
0xc1: {  	[sflag:s2] =	ssyncset.done $0x0  }
0xc2: {  	[sflag:s2] =	ssyncadd.s32 $0xFFFFC180  }
0xc3: {  	_ =	swait.ge [sflag:s6], $0x3E80  }
0xc4: {  	[sflag:s6] =	ssyncset.done $0x0  }
0xc5: {  	s10 =	rddreg [dreg:$0x10];
	[sflag:s6] =	ssyncadd.s32 $0xFFFFC180  }
0xc6: {  	[tilespmem:s7], [sflag:$0x2] =	stream.indirect.gather [hbm4b:s0+s5], $0x80, s10, s5, $0xb8;
	[tilespmem:$0x1D400] =	vst v63  }
0xc7: {  	_ = 	snop  }
0xc8: {  	[spmem:s3] =	stream.indirect.scatter.add.f32 [tilespmem:s31], [sflag:$0x4], $0x80, s20, s5, $0xb8;
	[tilespmem:$0x1D400] =	vst v63  }
0xc9: {  	_ =	swait.ge [sflag:s2], $0x3E80  }
0xca: {  	[sflag:s2] =	ssyncset.done $0x0  }
0xcb: {  	[sflag:s2] =	ssyncadd.s32 $0xFFFFC180  }
0xcc: {  	_ =	swait.ge [sflag:s8], $0x3E80  }
0xcd: {  	[sflag:s8] =	ssyncset.done $0x0  }
0xce: {  	s11 =	rddreg [dreg:$0x11];
	[sflag:s8] =	ssyncadd.s32 $0xFFFFC180  }
0xcf: {  	[tilespmem:s31], [sflag:$0x1] =	stream.indirect.gather [hbm4b:s0+s5], $0x80, s11, s5, $0xb8;
	[tilespmem:$0x1D400] =	vst v63  }
0xd0: {  	_ = 	snop  }
0xd1: {  	[spmem:s3] =	stream.indirect.scatter.add.f32 [tilespmem:s7], [sflag:$0x4], $0x80, s22, s5, $0xb8;
	[tilespmem:$0x1D400] =	vst v63  }
0xd2: {  	_ =	swait.ge [sflag:s2], $0x3E80  }
0xd3: {  	[sflag:s2] =	ssyncset.done $0x0  }
0xd4: {  	[sflag:s2] =	ssyncadd.s32 $0xFFFFC180  }
0xd5: {  	_ =	swait.ge [sflag:s6], $0x3E80  }
0xd6: {  	[sflag:s6] =	ssyncset.done $0x0  }
0xd7: {  	s12 =	rddreg [dreg:$0x12];
	[sflag:s6] =	ssyncadd.s32 $0xFFFFC180  }
0xd8: {  	[tilespmem:s7], [sflag:$0x2] =	stream.indirect.gather [hbm4b:s0+s5], $0x80, s12, s5, $0xb8;
	[tilespmem:$0x1D400] =	vst v63  }
0xd9: {  	_ = 	snop  }
0xda: {  	[spmem:s3] =	stream.indirect.scatter.add.f32 [tilespmem:s31], [sflag:$0x4], $0x80, s23, s5, $0xb8;
	[tilespmem:$0x1D400] =	vst v63  }
0xdb: {  	_ =	swait.ge [sflag:s2], $0x3E80  }
0xdc: {  	[sflag:s2] =	ssyncset.done $0x0  }
0xdd: {  	[sflag:s2] =	ssyncadd.s32 $0xFFFFC180  }
0xde: {  	_ =	swait.ge [sflag:s8], $0x3E80  }
0xdf: {  	[sflag:s8] =	ssyncset.done $0x0  }
0xe0: {  	s13 =	rddreg [dreg:$0x13];
	[sflag:s8] =	ssyncadd.s32 $0xFFFFC180  }
0xe1: {  	[tilespmem:s31], [sflag:$0x1] =	stream.indirect.gather [hbm4b:s0+s5], $0x80, s13, s5, $0xb8;
	[tilespmem:$0x1D400] =	vst v63  }
0xe2: {  	_ = 	snop  }
0xe3: {  	[spmem:s3] =	stream.indirect.scatter.add.f32 [tilespmem:s7], [sflag:$0x4], $0x80, s24, s5, $0xb8;
	[tilespmem:$0x1D400] =	vst v63  }
0xe4: {  	_ =	swait.ge [sflag:s2], $0x3E80  }
0xe5: {  	[sflag:s2] =	ssyncset.done $0x0  }
0xe6: {  	[sflag:s2] =	ssyncadd.s32 $0xFFFFC180  }
0xe7: {  	_ =	swait.ge [sflag:s6], $0x3E80  }
0xe8: {  	[sflag:s6] =	ssyncset.done $0x0  }
0xe9: {  	s9 =	rddreg [dreg:$0x14];
	[sflag:s6] =	ssyncadd.s32 $0xFFFFC180  }
0xea: {  	[tilespmem:s7], [sflag:$0x2] =	stream.indirect.gather [hbm4b:s0+s5], $0x80, s9, s5, $0xb8;
	[tilespmem:$0x1D400] =	vst v63  }
0xeb: {  	_ = 	snop  }
0xec: {  	[spmem:s3] =	stream.indirect.scatter.add.f32 [tilespmem:s31], [sflag:$0x4], $0x80, s25, s5, $0xb8;
	[tilespmem:$0x1D400] =	vst v63  }
0xed: {  	_ =	swait.ge [sflag:s2], $0x3E80  }
0xee: {  	[sflag:s2] =	ssyncset.done $0x0  }
0xef: {  	[sflag:s2] =	ssyncadd.s32 $0xFFFFC180  }
0xf0: {  	_ =	swait.ge [sflag:s8], $0x3E80  }
0xf1: {  	[sflag:s8] =	ssyncset.done $0x0  }
0xf2: {  	s10 =	rddreg [dreg:$0x15];
	[sflag:s8] =	ssyncadd.s32 $0xFFFFC180  }
0xf3: {  	[tilespmem:s31], [sflag:$0x1] =	stream.indirect.gather [hbm4b:s0+s5], $0x80, s10, s5, $0xb8;
	[tilespmem:$0x1D400] =	vst v63  }
0xf4: {  	_ = 	snop  }
0xf5: {  	[spmem:s3] =	stream.indirect.scatter.add.f32 [tilespmem:s7], [sflag:$0x4], $0x80, s26, s5, $0xb8;
	[tilespmem:$0x1D400] =	vst v63  }
0xf6: {  	_ =	swait.ge [sflag:s2], $0x3E80  }
0xf7: {  	[sflag:s2] =	ssyncset.done $0x0  }
0xf8: {  	[sflag:s2] =	ssyncadd.s32 $0xFFFFC180  }
0xf9: {  	_ =	swait.ge [sflag:s6], $0x3E80  }
0xfa: {  	[sflag:s6] =	ssyncset.done $0x0  }
0xfb: {  	s11 =	rddreg [dreg:$0x16];
	[sflag:s6] =	ssyncadd.s32 $0xFFFFC180  }
0xfc: {  	[tilespmem:s7], [sflag:$0x2] =	stream.indirect.gather [hbm4b:s0+s5], $0x80, s11, s5, $0xb8;
	[tilespmem:$0x1D400] =	vst v63  }
0xfd: {  	_ = 	snop  }
0xfe: {  	[spmem:s3] =	stream.indirect.scatter.add.f32 [tilespmem:s31], [sflag:$0x4], $0x80, s28, s5, $0xb8;
	[tilespmem:$0x1D400] =	vst v63  }
0xff: {  	_ =	swait.ge [sflag:s2], $0x3E80  }
0x100: {  	[sflag:s2] =	ssyncset.done $0x0  }
0x101: {  	[sflag:s2] =	ssyncadd.s32 $0xFFFFC180  }
0x102: {  	_ =	swait.ge [sflag:s8], $0x3E80  }
0x103: {  	[sflag:s8] =	ssyncset.done $0x0  }
0x104: {  	s12 =	rddreg [dreg:$0x17];
	[sflag:s8] =	ssyncadd.s32 $0xFFFFC180  }
0x105: {  	[tilespmem:s31], [sflag:$0x1] =	stream.indirect.gather [hbm4b:s0+s5], $0x80, s12, s5, $0xb8;
	[tilespmem:$0x1D400] =	vst v63  }
0x106: {  	_ = 	snop  }
0x107: {  	[spmem:s3] =	stream.indirect.scatter.add.f32 [tilespmem:s7], [sflag:$0x4], $0x80, s19, s5, $0xb8;
	[tilespmem:$0x1D400] =	vst v63  }
0x108: {  	_ =	swait.ge [sflag:s2], $0x3E80  }
0x109: {  	[sflag:s2] =	ssyncset.done $0x0  }
0x10a: {  	[sflag:s2] =	ssyncadd.s32 $0xFFFFC180  }
0x10b: {  	_ =	swait.ge [sflag:s6], $0x3E80  }
0x10c: {  	[sflag:s6] =	ssyncset.done $0x0  }
0x10d: {  	s13 =	rddreg [dreg:$0x18];
	[sflag:s6] =	ssyncadd.s32 $0xFFFFC180  }
0x10e: {  	[tilespmem:s7], [sflag:$0x2] =	stream.indirect.gather [hbm4b:s0+s5], $0x80, s13, s5, $0xb8;
	[tilespmem:$0x1D400] =	vst v63  }
0x10f: {  	_ = 	snop  }
0x110: {  	[spmem:s3] =	stream.indirect.scatter.add.f32 [tilespmem:s31], [sflag:$0x4], $0x80, s4, s5, $0xb8;
	[tilespmem:$0x1D400] =	vst v63  }
0x111: {  	_ =	swait.ge [sflag:s2], $0x3E80  }
0x112: {  	[sflag:s2] =	ssyncset.done $0x0  }
0x113: {  	[sflag:s2] =	ssyncadd.s32 $0xFFFFC180  }
0x114: {  	_ =	swait.ge [sflag:s8], $0x3E80  }
0x115: {  	[sflag:s8] =	ssyncset.done $0x0  }
0x116: {  	[sflag:s8] =	ssyncadd.s32 $0xFFFFC180  }
0x117: {  	[spmem:s3] =	stream.indirect.scatter.add.f32 [tilespmem:s7], [sflag:$0x4], $0x80, s14, s5, $0xb8;
	[tilespmem:$0x1D400] =	vst v63  }
0x118: {  	_ =	swait.ge [sflag:s2], $0x3E80  }
0x119: {  	s1 =	simm.s32 $0x180;
	s9 =	simm.s32 $0x300;
	[sflag:s2] =	ssyncset.done $0x0  }
.LBB2_2:
0x11a: {  	s10 =	rddreg [dreg:$0x19]  }
0x11b: {  	[sflag:s2] =	ssyncadd.s32 $0xFFFFC180;
	s13 =	simm.s32 $0x0;
	s11 =	sadd.s32 s1, s10  }
0x11c: {  	[tilespmem:s13], [sflag:$0x4] =	stream.linear.gather [hbm4b:s11+s13], $0xA00, $0x38;
	[tilespmem:$0x1D400] =	vst v63  }
0x11d: {  	s12 =	smov.u32 s9;
	p0 =	sne.s32 s9, $0x480;
	_ =	swait.ge [sflag:s2], $0xA00  }
0x11e: {  	s10 =	sadd.s32 $0x180, s9;
	s9 =	rddreg [dreg:$0x5];
	[sflag:s2] =	ssyncset.done $0x0  }
0x11f: {  	s11 =	simm.s32 $0xC00;
	[sflag:s2] =	ssyncadd.s32 $0xFFFFF600;
	s9 =	sadd.s32 s1, s9  }
0x120: {  	[tilespmem:s11], [sflag:$0x4] =	stream.linear.gather [hbm4b:s9+s13], $0xA00, $0x38;
	[tilespmem:$0x1D400] =	vst v63  }
0x121: {  	_ =	swait.ge [sflag:s2], $0xA00  }
0x122: {  	[sflag:s2] =	ssyncset.done $0x0  }
0x123: {  	[sflag:s2] =	ssyncadd.s32 $0xFFFFF600  }
0x124: {  	[tilespmem:s31], [sflag:$0x1] =	stream.indirect.gather [hbm4b:s0+s5], $0x80, s11, s5, $0xb8;
	[tilespmem:$0x1D400] =	vst v63  }
0x125: {  	_ =	swait.ge [sflag:s6], $0x3E80  }
0x126: {  	[sflag:s6] =	ssyncset.done $0x0  }
0x127: {  	s9 =	rddreg [dreg:$0x6];
	[sflag:s6] =	ssyncadd.s32 $0xFFFFC180  }
0x128: {  	[tilespmem:s7], [sflag:$0x2] =	stream.indirect.gather [hbm4b:s0+s5], $0x80, s9, s5, $0xb8;
	[tilespmem:$0x1D400] =	vst v63  }
0x129: {  	_ = 	snop  }
0x12a: {  	[spmem:s3] =	stream.indirect.scatter.add.f32 [tilespmem:s31], [sflag:$0x4], $0x80, s13, s5, $0xb8;
	[tilespmem:$0x1D400] =	vst v63  }
0x12b: {  	_ =	swait.ge [sflag:s2], $0x3E80  }
0x12c: {  	[sflag:s2] =	ssyncset.done $0x0  }
0x12d: {  	[sflag:s2] =	ssyncadd.s32 $0xFFFFC180  }
0x12e: {  	_ =	swait.ge [sflag:s8], $0x3E80  }
0x12f: {  	[sflag:s8] =	ssyncset.done $0x0  }
0x130: {  	s13 =	rddreg [dreg:$0x7];
	[sflag:s8] =	ssyncadd.s32 $0xFFFFC180  }
0x131: {  	[tilespmem:s31], [sflag:$0x1] =	stream.indirect.gather [hbm4b:s0+s5], $0x80, s13, s5, $0xb8;
	[tilespmem:$0x1D400] =	vst v63  }
0x132: {  	s1 =	smov.u32 s12;
	s12 =	simm.s32 $0x80  }
0x133: {  	[spmem:s3] =	stream.indirect.scatter.add.f32 [tilespmem:s7], [sflag:$0x4], $0x80, s12, s5, $0xb8;
	[tilespmem:$0x1D400] =	vst v63  }
0x134: {  	_ =	swait.ge [sflag:s2], $0x3E80  }
0x135: {  	[sflag:s2] =	ssyncset.done $0x0  }
0x136: {  	[sflag:s2] =	ssyncadd.s32 $0xFFFFC180  }
0x137: {  	_ =	swait.ge [sflag:s6], $0x3E80  }
0x138: {  	[sflag:s6] =	ssyncset.done $0x0  }
0x139: {  	s13 =	rddreg [dreg:$0x8];
	[sflag:s6] =	ssyncadd.s32 $0xFFFFC180  }
0x13a: {  	[tilespmem:s7], [sflag:$0x2] =	stream.indirect.gather [hbm4b:s0+s5], $0x80, s13, s5, $0xb8;
	[tilespmem:$0x1D400] =	vst v63  }
0x13b: {  	s13 =	simm.s32 $0x100  }
0x13c: {  	[spmem:s3] =	stream.indirect.scatter.add.f32 [tilespmem:s31], [sflag:$0x4], $0x80, s13, s5, $0xb8;
	[tilespmem:$0x1D400] =	vst v63  }
0x13d: {  	_ =	swait.ge [sflag:s2], $0x3E80  }
0x13e: {  	[sflag:s2] =	ssyncset.done $0x0  }
0x13f: {  	[sflag:s2] =	ssyncadd.s32 $0xFFFFC180  }
0x140: {  	_ =	swait.ge [sflag:s8], $0x3E80  }
0x141: {  	[sflag:s8] =	ssyncset.done $0x0  }
0x142: {  	s13 =	rddreg [dreg:$0x9];
	[sflag:s8] =	ssyncadd.s32 $0xFFFFC180  }
0x143: {  	[tilespmem:s31], [sflag:$0x1] =	stream.indirect.gather [hbm4b:s0+s5], $0x80, s13, s5, $0xb8;
	[tilespmem:$0x1D400] =	vst v63  }
0x144: {  	s13 =	simm.s32 $0x180  }
0x145: {  	[spmem:s3] =	stream.indirect.scatter.add.f32 [tilespmem:s7], [sflag:$0x4], $0x80, s13, s5, $0xb8;
	[tilespmem:$0x1D400] =	vst v63  }
0x146: {  	_ =	swait.ge [sflag:s2], $0x3E80  }
0x147: {  	[sflag:s2] =	ssyncset.done $0x0  }
0x148: {  	[sflag:s2] =	ssyncadd.s32 $0xFFFFC180  }
0x149: {  	_ =	swait.ge [sflag:s6], $0x3E80  }
0x14a: {  	[sflag:s6] =	ssyncset.done $0x0  }
0x14b: {  	s13 =	rddreg [dreg:$0xa];
	[sflag:s6] =	ssyncadd.s32 $0xFFFFC180  }
0x14c: {  	[tilespmem:s7], [sflag:$0x2] =	stream.indirect.gather [hbm4b:s0+s5], $0x80, s13, s5, $0xb8;
	[tilespmem:$0x1D400] =	vst v63  }
0x14d: {  	_ = 	snop  }
0x14e: {  	[spmem:s3] =	stream.indirect.scatter.add.f32 [tilespmem:s31], [sflag:$0x4], $0x80, s15, s5, $0xb8;
	[tilespmem:$0x1D400] =	vst v63  }
0x14f: {  	_ =	swait.ge [sflag:s2], $0x3E80  }
0x150: {  	[sflag:s2] =	ssyncset.done $0x0  }
0x151: {  	[sflag:s2] =	ssyncadd.s32 $0xFFFFC180  }
0x152: {  	_ =	swait.ge [sflag:s8], $0x3E80  }
0x153: {  	[sflag:s8] =	ssyncset.done $0x0  }
0x154: {  	s13 =	rddreg [dreg:$0xb];
	[sflag:s8] =	ssyncadd.s32 $0xFFFFC180  }
0x155: {  	[tilespmem:s31], [sflag:$0x1] =	stream.indirect.gather [hbm4b:s0+s5], $0x80, s13, s5, $0xb8;
	[tilespmem:$0x1D400] =	vst v63  }
0x156: {  	_ = 	snop  }
0x157: {  	[spmem:s3] =	stream.indirect.scatter.add.f32 [tilespmem:s7], [sflag:$0x4], $0x80, s16, s5, $0xb8;
	[tilespmem:$0x1D400] =	vst v63  }
0x158: {  	_ =	swait.ge [sflag:s2], $0x3E80  }
0x159: {  	[sflag:s2] =	ssyncset.done $0x0  }
0x15a: {  	[sflag:s2] =	ssyncadd.s32 $0xFFFFC180  }
0x15b: {  	_ =	swait.ge [sflag:s6], $0x3E80  }
0x15c: {  	[sflag:s6] =	ssyncset.done $0x0  }
0x15d: {  	s13 =	rddreg [dreg:$0xc];
	[sflag:s6] =	ssyncadd.s32 $0xFFFFC180  }
0x15e: {  	[tilespmem:s7], [sflag:$0x2] =	stream.indirect.gather [hbm4b:s0+s5], $0x80, s13, s5, $0xb8;
	[tilespmem:$0x1D400] =	vst v63  }
0x15f: {  	_ = 	snop  }
0x160: {  	[spmem:s3] =	stream.indirect.scatter.add.f32 [tilespmem:s31], [sflag:$0x4], $0x80, s17, s5, $0xb8;
	[tilespmem:$0x1D400] =	vst v63  }
0x161: {  	_ =	swait.ge [sflag:s2], $0x3E80  }
0x162: {  	[sflag:s2] =	ssyncset.done $0x0  }
0x163: {  	[sflag:s2] =	ssyncadd.s32 $0xFFFFC180  }
0x164: {  	_ =	swait.ge [sflag:s8], $0x3E80  }
0x165: {  	[sflag:s8] =	ssyncset.done $0x0  }
0x166: {  	s13 =	rddreg [dreg:$0xd];
	[sflag:s8] =	ssyncadd.s32 $0xFFFFC180  }
0x167: {  	[tilespmem:s31], [sflag:$0x1] =	stream.indirect.gather [hbm4b:s0+s5], $0x80, s13, s5, $0xb8;
	[tilespmem:$0x1D400] =	vst v63  }
0x168: {  	_ = 	snop  }
0x169: {  	[spmem:s3] =	stream.indirect.scatter.add.f32 [tilespmem:s7], [sflag:$0x4], $0x80, s18, s5, $0xb8;
	[tilespmem:$0x1D400] =	vst v63  }
0x16a: {  	_ =	swait.ge [sflag:s2], $0x3E80  }
0x16b: {  	[sflag:s2] =	ssyncset.done $0x0  }
0x16c: {  	[sflag:s2] =	ssyncadd.s32 $0xFFFFC180  }
0x16d: {  	_ =	swait.ge [sflag:s6], $0x3E80  }
0x16e: {  	[sflag:s6] =	ssyncset.done $0x0  }
0x16f: {  	s13 =	rddreg [dreg:$0xe];
	[sflag:s6] =	ssyncadd.s32 $0xFFFFC180  }
0x170: {  	[tilespmem:s7], [sflag:$0x2] =	stream.indirect.gather [hbm4b:s0+s5], $0x80, s13, s5, $0xb8;
	[tilespmem:$0x1D400] =	vst v63  }
0x171: {  	_ = 	snop  }
0x172: {  	[spmem:s3] =	stream.indirect.scatter.add.f32 [tilespmem:s31], [sflag:$0x4], $0x80, s21, s5, $0xb8;
	[tilespmem:$0x1D400] =	vst v63  }
0x173: {  	_ =	swait.ge [sflag:s2], $0x3E80  }
0x174: {  	[sflag:s2] =	ssyncset.done $0x0  }
0x175: {  	[sflag:s2] =	ssyncadd.s32 $0xFFFFC180  }
0x176: {  	_ =	swait.ge [sflag:s8], $0x3E80  }
0x177: {  	[sflag:s8] =	ssyncset.done $0x0  }
0x178: {  	s13 =	rddreg [dreg:$0xf];
	[sflag:s8] =	ssyncadd.s32 $0xFFFFC180  }
0x179: {  	[tilespmem:s31], [sflag:$0x1] =	stream.indirect.gather [hbm4b:s0+s5], $0x80, s13, s5, $0xb8;
	[tilespmem:$0x1D400] =	vst v63  }
0x17a: {  	_ = 	snop  }
0x17b: {  	[spmem:s3] =	stream.indirect.scatter.add.f32 [tilespmem:s7], [sflag:$0x4], $0x80, s30, s5, $0xb8;
	[tilespmem:$0x1D400] =	vst v63  }
0x17c: {  	_ =	swait.ge [sflag:s2], $0x3E80  }
0x17d: {  	[sflag:s2] =	ssyncset.done $0x0  }
0x17e: {  	[sflag:s2] =	ssyncadd.s32 $0xFFFFC180  }
0x17f: {  	_ =	swait.ge [sflag:s6], $0x3E80  }
0x180: {  	[sflag:s6] =	ssyncset.done $0x0  }
0x181: {  	s13 =	rddreg [dreg:$0x10];
	[sflag:s6] =	ssyncadd.s32 $0xFFFFC180  }
0x182: {  	[tilespmem:s7], [sflag:$0x2] =	stream.indirect.gather [hbm4b:s0+s5], $0x80, s13, s5, $0xb8;
	[tilespmem:$0x1D400] =	vst v63  }
0x183: {  	_ = 	snop  }
0x184: {  	[spmem:s3] =	stream.indirect.scatter.add.f32 [tilespmem:s31], [sflag:$0x4], $0x80, s20, s5, $0xb8;
	[tilespmem:$0x1D400] =	vst v63  }
0x185: {  	_ =	swait.ge [sflag:s2], $0x3E80  }
0x186: {  	[sflag:s2] =	ssyncset.done $0x0  }
0x187: {  	[sflag:s2] =	ssyncadd.s32 $0xFFFFC180  }
0x188: {  	_ =	swait.ge [sflag:s8], $0x3E80  }
0x189: {  	[sflag:s8] =	ssyncset.done $0x0  }
0x18a: {  	s13 =	rddreg [dreg:$0x11];
	[sflag:s8] =	ssyncadd.s32 $0xFFFFC180  }
0x18b: {  	[tilespmem:s31], [sflag:$0x1] =	stream.indirect.gather [hbm4b:s0+s5], $0x80, s13, s5, $0xb8;
	[tilespmem:$0x1D400] =	vst v63  }
0x18c: {  	_ = 	snop  }
0x18d: {  	[spmem:s3] =	stream.indirect.scatter.add.f32 [tilespmem:s7], [sflag:$0x4], $0x80, s22, s5, $0xb8;
	[tilespmem:$0x1D400] =	vst v63  }
0x18e: {  	_ =	swait.ge [sflag:s2], $0x3E80  }
0x18f: {  	[sflag:s2] =	ssyncset.done $0x0  }
0x190: {  	[sflag:s2] =	ssyncadd.s32 $0xFFFFC180  }
0x191: {  	_ =	swait.ge [sflag:s6], $0x3E80  }
0x192: {  	[sflag:s6] =	ssyncset.done $0x0  }
0x193: {  	s13 =	rddreg [dreg:$0x12];
	[sflag:s6] =	ssyncadd.s32 $0xFFFFC180  }
0x194: {  	[tilespmem:s7], [sflag:$0x2] =	stream.indirect.gather [hbm4b:s0+s5], $0x80, s13, s5, $0xb8;
	[tilespmem:$0x1D400] =	vst v63  }
0x195: {  	_ = 	snop  }
0x196: {  	[spmem:s3] =	stream.indirect.scatter.add.f32 [tilespmem:s31], [sflag:$0x4], $0x80, s23, s5, $0xb8;
	[tilespmem:$0x1D400] =	vst v63  }
0x197: {  	_ =	swait.ge [sflag:s2], $0x3E80  }
0x198: {  	[sflag:s2] =	ssyncset.done $0x0  }
0x199: {  	[sflag:s2] =	ssyncadd.s32 $0xFFFFC180  }
0x19a: {  	_ =	swait.ge [sflag:s8], $0x3E80  }
0x19b: {  	[sflag:s8] =	ssyncset.done $0x0  }
0x19c: {  	s13 =	rddreg [dreg:$0x13];
	[sflag:s8] =	ssyncadd.s32 $0xFFFFC180  }
0x19d: {  	[tilespmem:s31], [sflag:$0x1] =	stream.indirect.gather [hbm4b:s0+s5], $0x80, s13, s5, $0xb8;
	[tilespmem:$0x1D400] =	vst v63  }
0x19e: {  	_ = 	snop  }
0x19f: {  	[spmem:s3] =	stream.indirect.scatter.add.f32 [tilespmem:s7], [sflag:$0x4], $0x80, s24, s5, $0xb8;
	[tilespmem:$0x1D400] =	vst v63  }
0x1a0: {  	_ =	swait.ge [sflag:s2], $0x3E80  }
0x1a1: {  	[sflag:s2] =	ssyncset.done $0x0  }
0x1a2: {  	[sflag:s2] =	ssyncadd.s32 $0xFFFFC180  }
0x1a3: {  	_ =	swait.ge [sflag:s6], $0x3E80  }
0x1a4: {  	[sflag:s6] =	ssyncset.done $0x0  }
0x1a5: {  	s13 =	rddreg [dreg:$0x14];
	[sflag:s6] =	ssyncadd.s32 $0xFFFFC180  }
0x1a6: {  	[tilespmem:s7], [sflag:$0x2] =	stream.indirect.gather [hbm4b:s0+s5], $0x80, s13, s5, $0xb8;
	[tilespmem:$0x1D400] =	vst v63  }
0x1a7: {  	_ = 	snop  }
0x1a8: {  	[spmem:s3] =	stream.indirect.scatter.add.f32 [tilespmem:s31], [sflag:$0x4], $0x80, s25, s5, $0xb8;
	[tilespmem:$0x1D400] =	vst v63  }
0x1a9: {  	_ =	swait.ge [sflag:s2], $0x3E80  }
0x1aa: {  	[sflag:s2] =	ssyncset.done $0x0  }
0x1ab: {  	[sflag:s2] =	ssyncadd.s32 $0xFFFFC180  }
0x1ac: {  	_ =	swait.ge [sflag:s8], $0x3E80  }
0x1ad: {  	[sflag:s8] =	ssyncset.done $0x0  }
0x1ae: {  	s13 =	rddreg [dreg:$0x15];
	[sflag:s8] =	ssyncadd.s32 $0xFFFFC180  }
0x1af: {  	[tilespmem:s31], [sflag:$0x1] =	stream.indirect.gather [hbm4b:s0+s5], $0x80, s13, s5, $0xb8;
	[tilespmem:$0x1D400] =	vst v63  }
0x1b0: {  	_ = 	snop  }
0x1b1: {  	[spmem:s3] =	stream.indirect.scatter.add.f32 [tilespmem:s7], [sflag:$0x4], $0x80, s26, s5, $0xb8;
	[tilespmem:$0x1D400] =	vst v63  }
0x1b2: {  	_ =	swait.ge [sflag:s2], $0x3E80  }
0x1b3: {  	[sflag:s2] =	ssyncset.done $0x0  }
0x1b4: {  	[sflag:s2] =	ssyncadd.s32 $0xFFFFC180  }
0x1b5: {  	_ =	swait.ge [sflag:s6], $0x3E80  }
0x1b6: {  	[sflag:s6] =	ssyncset.done $0x0  }
0x1b7: {  	s13 =	rddreg [dreg:$0x16];
	[sflag:s6] =	ssyncadd.s32 $0xFFFFC180  }
0x1b8: {  	[tilespmem:s7], [sflag:$0x2] =	stream.indirect.gather [hbm4b:s0+s5], $0x80, s13, s5, $0xb8;
	[tilespmem:$0x1D400] =	vst v63  }
0x1b9: {  	_ = 	snop  }
0x1ba: {  	[spmem:s3] =	stream.indirect.scatter.add.f32 [tilespmem:s31], [sflag:$0x4], $0x80, s28, s5, $0xb8;
	[tilespmem:$0x1D400] =	vst v63  }
0x1bb: {  	_ =	swait.ge [sflag:s2], $0x3E80  }
0x1bc: {  	[sflag:s2] =	ssyncset.done $0x0  }
0x1bd: {  	[sflag:s2] =	ssyncadd.s32 $0xFFFFC180  }
0x1be: {  	_ =	swait.ge [sflag:s8], $0x3E80  }
0x1bf: {  	[sflag:s8] =	ssyncset.done $0x0  }
0x1c0: {  	s13 =	rddreg [dreg:$0x17];
	[sflag:s8] =	ssyncadd.s32 $0xFFFFC180  }
0x1c1: {  	[tilespmem:s31], [sflag:$0x1] =	stream.indirect.gather [hbm4b:s0+s5], $0x80, s13, s5, $0xb8;
	[tilespmem:$0x1D400] =	vst v63  }
0x1c2: {  	_ = 	snop  }
0x1c3: {  	[spmem:s3] =	stream.indirect.scatter.add.f32 [tilespmem:s7], [sflag:$0x4], $0x80, s19, s5, $0xb8;
	[tilespmem:$0x1D400] =	vst v63  }
0x1c4: {  	_ =	swait.ge [sflag:s2], $0x3E80  }
0x1c5: {  	[sflag:s2] =	ssyncset.done $0x0  }
0x1c6: {  	[sflag:s2] =	ssyncadd.s32 $0xFFFFC180  }
0x1c7: {  	_ =	swait.ge [sflag:s6], $0x3E80  }
0x1c8: {  	[sflag:s6] =	ssyncset.done $0x0  }
0x1c9: {  	s13 =	rddreg [dreg:$0x18];
	[sflag:s6] =	ssyncadd.s32 $0xFFFFC180  }
0x1ca: {  	[tilespmem:s7], [sflag:$0x2] =	stream.indirect.gather [hbm4b:s0+s5], $0x80, s13, s5, $0xb8;
	[tilespmem:$0x1D400] =	vst v63  }
0x1cb: {  	_ = 	snop  }
0x1cc: {  	[spmem:s3] =	stream.indirect.scatter.add.f32 [tilespmem:s31], [sflag:$0x4], $0x80, s4, s5, $0xb8;
	[tilespmem:$0x1D400] =	vst v63  }
0x1cd: {  	_ =	swait.ge [sflag:s2], $0x3E80  }
0x1ce: {  	[sflag:s2] =	ssyncset.done $0x0  }
0x1cf: {  	[sflag:s2] =	ssyncadd.s32 $0xFFFFC180  }
0x1d0: {  	_ =	swait.ge [sflag:s8], $0x3E80  }
.Ltmp0:
0x1d1: {  	[sflag:s8] =	ssyncset.done $0x0;
	(pc) =	sbr.rel @p0 .LBB2_2-.Ltmp0, $4  }
0x1d2: {  	[sflag:s8] =	ssyncadd.s32 $0xFFFFC180  }
0x1d3: {  	[spmem:s3] =	stream.indirect.scatter.add.f32 [tilespmem:s7], [sflag:$0x4], $0x80, s14, s5, $0xb8;
	[tilespmem:$0x1D400] =	vst v63  }
0x1d4: {  	_ =	swait.ge [sflag:s2], $0x3E80  }
0x1d5: {  	s9 =	smov.u32 s10;
	[sflag:s2] =	ssyncset.done $0x0  }
0x1d6: {  	s13 =	rddreg [dreg:$0x19]  }
0x1d7: {  	[sflag:s2] =	ssyncadd.s32 $0xFFFFC180;
	s4 =	simm.s32 $0x0;
	s9 =	sadd.s32 s1, s13  }
0x1d8: {  	[tilespmem:s4], [sflag:$0x4] =	stream.linear.gather [hbm4b:s9+s4], $0xA00, $0x38;
	[tilespmem:$0x1D400] =	vst v63  }
0x1d9: {  	_ =	swait.ge [sflag:s2], $0xA00  }
0x1da: {  	s20 =	rddreg [dreg:$0x5];
	[sflag:s2] =	ssyncset.done $0x0  }
0x1db: {  	[sflag:s2] =	ssyncadd.s32 $0xFFFFF600;
	s21 =	sadd.s32 s1, s20  }
0x1dc: {  	[tilespmem:s11], [sflag:$0x4] =	stream.linear.gather [hbm4b:s21+s4], $0xA00, $0x38;
	[tilespmem:$0x1D400] =	vst v63  }
0x1dd: {  	_ =	swait.ge [sflag:s2], $0xA00  }
0x1de: {  	[sflag:s2] =	ssyncset.done $0x0  }
0x1df: {  	[sflag:s2] =	ssyncadd.s32 $0xFFFFF600  }
0x1e0: {  	[tilespmem:s31], [sflag:$0x1] =	stream.indirect.gather [hbm4b:s0+s5], $0x80, s11, s5, $0xb8;
	[tilespmem:$0x1D400] =	vst v63  }
0x1e1: {  	_ =	swait.ge [sflag:s6], $0x3E80  }
0x1e2: {  	[sflag:s6] =	ssyncset.done $0x0  }
0x1e3: {  	s22 =	rddreg [dreg:$0x6];
	[sflag:s6] =	ssyncadd.s32 $0xFFFFC180  }
0x1e4: {  	[tilespmem:s7], [sflag:$0x2] =	stream.indirect.gather [hbm4b:s0+s5], $0x80, s22, s5, $0xb8;
	[tilespmem:$0x1D400] =	vst v63  }
0x1e5: {  	_ = 	snop  }
0x1e6: {  	[spmem:s3] =	stream.indirect.scatter.add.f32 [tilespmem:s31], [sflag:$0x4], $0x80, s4, s5, $0xb8;
	[tilespmem:$0x1D400] =	vst v63  }
0x1e7: {  	_ =	swait.ge [sflag:s2], $0x3E80  }
0x1e8: {  	[sflag:s2] =	ssyncset.done $0x0  }
0x1e9: {  	[sflag:s2] =	ssyncadd.s32 $0xFFFFC180  }
0x1ea: {  	_ =	swait.ge [sflag:s8], $0x3E80  }
0x1eb: {  	[sflag:s8] =	ssyncset.done $0x0  }
0x1ec: {  	s23 =	rddreg [dreg:$0x7];
	[sflag:s8] =	ssyncadd.s32 $0xFFFFC180  }
0x1ed: {  	[tilespmem:s31], [sflag:$0x1] =	stream.indirect.gather [hbm4b:s0+s5], $0x80, s23, s5, $0xb8;
	[tilespmem:$0x1D400] =	vst v63  }
0x1ee: {  	_ = 	snop  }
0x1ef: {  	[spmem:s3] =	stream.indirect.scatter.add.f32 [tilespmem:s7], [sflag:$0x4], $0x80, s12, s5, $0xb8;
	[tilespmem:$0x1D400] =	vst v63  }
0x1f0: {  	_ =	swait.ge [sflag:s2], $0x3E80  }
0x1f1: {  	[sflag:s2] =	ssyncset.done $0x0  }
0x1f2: {  	[sflag:s2] =	ssyncadd.s32 $0xFFFFC180  }
0x1f3: {  	_ =	swait.ge [sflag:s6], $0x3E80  }
0x1f4: {  	[sflag:s6] =	ssyncset.done $0x0  }
0x1f5: {  	s24 =	rddreg [dreg:$0x8];
	[sflag:s6] =	ssyncadd.s32 $0xFFFFC180  }
0x1f6: {  	[tilespmem:s7], [sflag:$0x2] =	stream.indirect.gather [hbm4b:s0+s5], $0x80, s24, s5, $0xb8;
	[tilespmem:$0x1D400] =	vst v63  }
0x1f7: {  	s25 =	simm.s32 $0x100  }
0x1f8: {  	[spmem:s3] =	stream.indirect.scatter.add.f32 [tilespmem:s31], [sflag:$0x4], $0x80, s25, s5, $0xb8;
	[tilespmem:$0x1D400] =	vst v63  }
0x1f9: {  	_ =	swait.ge [sflag:s2], $0x3E80  }
0x1fa: {  	[sflag:s2] =	ssyncset.done $0x0  }
0x1fb: {  	[sflag:s2] =	ssyncadd.s32 $0xFFFFC180  }
0x1fc: {  	_ =	swait.ge [sflag:s8], $0x3E80  }
0x1fd: {  	[sflag:s8] =	ssyncset.done $0x0  }
0x1fe: {  	s26 =	rddreg [dreg:$0x9];
	[sflag:s8] =	ssyncadd.s32 $0xFFFFC180  }
0x1ff: {  	[tilespmem:s31], [sflag:$0x1] =	stream.indirect.gather [hbm4b:s0+s5], $0x80, s26, s5, $0xb8;
	[tilespmem:$0x1D400] =	vst v63  }
0x200: {  	s15 =	simm.s32 $0x180  }
0x201: {  	[spmem:s3] =	stream.indirect.scatter.add.f32 [tilespmem:s7], [sflag:$0x4], $0x80, s15, s5, $0xb8;
	[tilespmem:$0x1D400] =	vst v63  }
0x202: {  	_ =	swait.ge [sflag:s2], $0x3E80  }
0x203: {  	[sflag:s2] =	ssyncset.done $0x0  }
0x204: {  	[sflag:s2] =	ssyncadd.s32 $0xFFFFC180  }
0x205: {  	_ =	swait.ge [sflag:s6], $0x3E80  }
0x206: {  	[sflag:s6] =	ssyncset.done $0x0  }
0x207: {  	s9 =	rddreg [dreg:$0xa];
	[sflag:s6] =	ssyncadd.s32 $0xFFFFC180  }
0x208: {  	[tilespmem:s7], [sflag:$0x2] =	stream.indirect.gather [hbm4b:s0+s5], $0x80, s9, s5, $0xb8;
	[tilespmem:$0x1D400] =	vst v63  }
0x209: {  	s16 =	simm.s32 $0x200  }
0x20a: {  	[spmem:s3] =	stream.indirect.scatter.add.f32 [tilespmem:s31], [sflag:$0x4], $0x80, s16, s5, $0xb8;
	[tilespmem:$0x1D400] =	vst v63  }
0x20b: {  	_ =	swait.ge [sflag:s2], $0x3E80  }
0x20c: {  	[sflag:s2] =	ssyncset.done $0x0  }
0x20d: {  	[sflag:s2] =	ssyncadd.s32 $0xFFFFC180  }
0x20e: {  	_ =	swait.ge [sflag:s8], $0x3E80  }
0x20f: {  	[sflag:s8] =	ssyncset.done $0x0  }
0x210: {  	s10 =	rddreg [dreg:$0xb];
	[sflag:s8] =	ssyncadd.s32 $0xFFFFC180  }
0x211: {  	[tilespmem:s31], [sflag:$0x1] =	stream.indirect.gather [hbm4b:s0+s5], $0x80, s10, s5, $0xb8;
	[tilespmem:$0x1D400] =	vst v63  }
0x212: {  	s17 =	simm.s32 $0x280  }
0x213: {  	[spmem:s3] =	stream.indirect.scatter.add.f32 [tilespmem:s7], [sflag:$0x4], $0x80, s17, s5, $0xb8;
	[tilespmem:$0x1D400] =	vst v63  }
0x214: {  	_ =	swait.ge [sflag:s2], $0x3E80  }
0x215: {  	[sflag:s2] =	ssyncset.done $0x0  }
0x216: {  	[sflag:s2] =	ssyncadd.s32 $0xFFFFC180  }
0x217: {  	_ =	swait.ge [sflag:s6], $0x3E80  }
0x218: {  	[sflag:s6] =	ssyncset.done $0x0  }
0x219: {  	s11 =	rddreg [dreg:$0xc];
	[sflag:s6] =	ssyncadd.s32 $0xFFFFC180  }
0x21a: {  	[tilespmem:s7], [sflag:$0x2] =	stream.indirect.gather [hbm4b:s0+s5], $0x80, s11, s5, $0xb8;
	[tilespmem:$0x1D400] =	vst v63  }
0x21b: {  	s18 =	simm.s32 $0x300  }
0x21c: {  	[spmem:s3] =	stream.indirect.scatter.add.f32 [tilespmem:s31], [sflag:$0x4], $0x80, s18, s5, $0xb8;
	[tilespmem:$0x1D400] =	vst v63  }
0x21d: {  	_ =	swait.ge [sflag:s2], $0x3E80  }
0x21e: {  	[sflag:s2] =	ssyncset.done $0x0  }
0x21f: {  	[sflag:s2] =	ssyncadd.s32 $0xFFFFC180  }
0x220: {  	_ =	swait.ge [sflag:s8], $0x3E80  }
0x221: {  	[sflag:s8] =	ssyncset.done $0x0  }
0x222: {  	s14 =	rddreg [dreg:$0xd];
	[sflag:s8] =	ssyncadd.s32 $0xFFFFC180  }
0x223: {  	[tilespmem:s31], [sflag:$0x1] =	stream.indirect.gather [hbm4b:s0+s5], $0x80, s14, s5, $0xb8;
	[tilespmem:$0x1D400] =	vst v63  }
0x224: {  	s21 =	simm.s32 $0x380  }
0x225: {  	[spmem:s3] =	stream.indirect.scatter.add.f32 [tilespmem:s7], [sflag:$0x4], $0x80, s21, s5, $0xb8;
	[tilespmem:$0x1D400] =	vst v63  }
0x226: {  	_ =	swait.ge [sflag:s2], $0x3E80  }
0x227: {  	[sflag:s2] =	ssyncset.done $0x0  }
0x228: {  	[sflag:s2] =	ssyncadd.s32 $0xFFFFC180  }
0x229: {  	_ =	swait.ge [sflag:s6], $0x3E80  }
0x22a: {  	[sflag:s6] =	ssyncset.done $0x0  }
0x22b: {  	s19 =	rddreg [dreg:$0xe];
	[sflag:s6] =	ssyncadd.s32 $0xFFFFC180  }
0x22c: {  	[tilespmem:s7], [sflag:$0x2] =	stream.indirect.gather [hbm4b:s0+s5], $0x80, s19, s5, $0xb8;
	[tilespmem:$0x1D400] =	vst v63  }
0x22d: {  	s30 =	simm.s32 $0x400  }
0x22e: {  	[spmem:s3] =	stream.indirect.scatter.add.f32 [tilespmem:s31], [sflag:$0x4], $0x80, s30, s5, $0xb8;
	[tilespmem:$0x1D400] =	vst v63  }
0x22f: {  	_ =	swait.ge [sflag:s2], $0x3E80  }
0x230: {  	[sflag:s2] =	ssyncset.done $0x0  }
0x231: {  	[sflag:s2] =	ssyncadd.s32 $0xFFFFC180  }
0x232: {  	_ =	swait.ge [sflag:s8], $0x3E80  }
0x233: {  	[sflag:s8] =	ssyncset.done $0x0  }
0x234: {  	s20 =	rddreg [dreg:$0xf];
	[sflag:s8] =	ssyncadd.s32 $0xFFFFC180  }
0x235: {  	[tilespmem:s31], [sflag:$0x1] =	stream.indirect.gather [hbm4b:s0+s5], $0x80, s20, s5, $0xb8;
	[tilespmem:$0x1D400] =	vst v63  }
0x236: {  	s20 =	simm.s32 $0x480  }
0x237: {  	[spmem:s3] =	stream.indirect.scatter.add.f32 [tilespmem:s7], [sflag:$0x4], $0x80, s20, s5, $0xb8;
	[tilespmem:$0x1D400] =	vst v63  }
0x238: {  	_ =	swait.ge [sflag:s2], $0x3E80  }
0x239: {  	[sflag:s2] =	ssyncset.done $0x0  }
0x23a: {  	[sflag:s2] =	ssyncadd.s32 $0xFFFFC180  }
0x23b: {  	_ =	swait.ge [sflag:s6], $0x3E80  }
0x23c: {  	[sflag:s6] =	ssyncset.done $0x0  }
0x23d: {  	s22 =	rddreg [dreg:$0x10];
	[sflag:s6] =	ssyncadd.s32 $0xFFFFC180  }
0x23e: {  	[tilespmem:s7], [sflag:$0x2] =	stream.indirect.gather [hbm4b:s0+s5], $0x80, s22, s5, $0xb8;
	[tilespmem:$0x1D400] =	vst v63  }
0x23f: {  	s22 =	simm.s32 $0x500  }
0x240: {  	[spmem:s3] =	stream.indirect.scatter.add.f32 [tilespmem:s31], [sflag:$0x4], $0x80, s22, s5, $0xb8;
	[tilespmem:$0x1D400] =	vst v63  }
0x241: {  	_ =	swait.ge [sflag:s2], $0x3E80  }
0x242: {  	[sflag:s2] =	ssyncset.done $0x0  }
0x243: {  	[sflag:s2] =	ssyncadd.s32 $0xFFFFC180  }
0x244: {  	_ =	swait.ge [sflag:s8], $0x3E80  }
0x245: {  	[sflag:s8] =	ssyncset.done $0x0  }
0x246: {  	s23 =	rddreg [dreg:$0x11];
	[sflag:s8] =	ssyncadd.s32 $0xFFFFC180  }
0x247: {  	[tilespmem:s31], [sflag:$0x1] =	stream.indirect.gather [hbm4b:s0+s5], $0x80, s23, s5, $0xb8;
	[tilespmem:$0x1D400] =	vst v63  }
0x248: {  	s23 =	simm.s32 $0x580  }
0x249: {  	[spmem:s3] =	stream.indirect.scatter.add.f32 [tilespmem:s7], [sflag:$0x4], $0x80, s23, s5, $0xb8;
	[tilespmem:$0x1D400] =	vst v63  }
0x24a: {  	_ =	swait.ge [sflag:s2], $0x3E80  }
0x24b: {  	[sflag:s2] =	ssyncset.done $0x0  }
0x24c: {  	[sflag:s2] =	ssyncadd.s32 $0xFFFFC180  }
0x24d: {  	_ =	swait.ge [sflag:s6], $0x3E80  }
0x24e: {  	[sflag:s6] =	ssyncset.done $0x0  }
0x24f: {  	s24 =	rddreg [dreg:$0x12];
	[sflag:s6] =	ssyncadd.s32 $0xFFFFC180  }
0x250: {  	[tilespmem:s7], [sflag:$0x2] =	stream.indirect.gather [hbm4b:s0+s5], $0x80, s24, s5, $0xb8;
	[tilespmem:$0x1D400] =	vst v63  }
0x251: {  	s24 =	simm.s32 $0x600  }
0x252: {  	[spmem:s3] =	stream.indirect.scatter.add.f32 [tilespmem:s31], [sflag:$0x4], $0x80, s24, s5, $0xb8;
	[tilespmem:$0x1D400] =	vst v63  }
0x253: {  	_ =	swait.ge [sflag:s2], $0x3E80  }
0x254: {  	[sflag:s2] =	ssyncset.done $0x0  }
0x255: {  	[sflag:s2] =	ssyncadd.s32 $0xFFFFC180  }
0x256: {  	_ =	swait.ge [sflag:s8], $0x3E80  }
0x257: {  	[sflag:s8] =	ssyncset.done $0x0  }
0x258: {  	s25 =	rddreg [dreg:$0x13];
	[sflag:s8] =	ssyncadd.s32 $0xFFFFC180  }
0x259: {  	[tilespmem:s31], [sflag:$0x1] =	stream.indirect.gather [hbm4b:s0+s5], $0x80, s25, s5, $0xb8;
	[tilespmem:$0x1D400] =	vst v63  }
0x25a: {  	s25 =	simm.s32 $0x680  }
0x25b: {  	[spmem:s3] =	stream.indirect.scatter.add.f32 [tilespmem:s7], [sflag:$0x4], $0x80, s25, s5, $0xb8;
	[tilespmem:$0x1D400] =	vst v63  }
0x25c: {  	_ =	swait.ge [sflag:s2], $0x3E80  }
0x25d: {  	[sflag:s2] =	ssyncset.done $0x0  }
0x25e: {  	[sflag:s2] =	ssyncadd.s32 $0xFFFFC180  }
0x25f: {  	_ =	swait.ge [sflag:s6], $0x3E80  }
0x260: {  	[sflag:s6] =	ssyncset.done $0x0  }
0x261: {  	s26 =	rddreg [dreg:$0x14];
	[sflag:s6] =	ssyncadd.s32 $0xFFFFC180  }
0x262: {  	[tilespmem:s7], [sflag:$0x2] =	stream.indirect.gather [hbm4b:s0+s5], $0x80, s26, s5, $0xb8;
	[tilespmem:$0x1D400] =	vst v63  }
0x263: {  	s26 =	simm.s32 $0x700  }
0x264: {  	[spmem:s3] =	stream.indirect.scatter.add.f32 [tilespmem:s31], [sflag:$0x4], $0x80, s26, s5, $0xb8;
	[tilespmem:$0x1D400] =	vst v63  }
0x265: {  	_ =	swait.ge [sflag:s2], $0x3E80  }
0x266: {  	[sflag:s2] =	ssyncset.done $0x0  }
0x267: {  	[sflag:s2] =	ssyncadd.s32 $0xFFFFC180  }
0x268: {  	_ =	swait.ge [sflag:s8], $0x3E80  }
0x269: {  	[sflag:s8] =	ssyncset.done $0x0  }
0x26a: {  	s9 =	rddreg [dreg:$0x15];
	[sflag:s8] =	ssyncadd.s32 $0xFFFFC180  }
0x26b: {  	[tilespmem:s31], [sflag:$0x1] =	stream.indirect.gather [hbm4b:s0+s5], $0x80, s9, s5, $0xb8;
	[tilespmem:$0x1D400] =	vst v63  }
0x26c: {  	s28 =	simm.s32 $0x780  }
0x26d: {  	[spmem:s3] =	stream.indirect.scatter.add.f32 [tilespmem:s7], [sflag:$0x4], $0x80, s28, s5, $0xb8;
	[tilespmem:$0x1D400] =	vst v63  }
0x26e: {  	_ =	swait.ge [sflag:s2], $0x3E80  }
0x26f: {  	[sflag:s2] =	ssyncset.done $0x0  }
0x270: {  	[sflag:s2] =	ssyncadd.s32 $0xFFFFC180  }
0x271: {  	_ =	swait.ge [sflag:s6], $0x3E80  }
0x272: {  	[sflag:s6] =	ssyncset.done $0x0  }
0x273: {  	s10 =	rddreg [dreg:$0x16];
	[sflag:s6] =	ssyncadd.s32 $0xFFFFC180  }
0x274: {  	[tilespmem:s7], [sflag:$0x2] =	stream.indirect.gather [hbm4b:s0+s5], $0x80, s10, s5, $0xb8;
	[tilespmem:$0x1D400] =	vst v63  }
0x275: {  	s19 =	simm.s32 $0x800  }
0x276: {  	[spmem:s3] =	stream.indirect.scatter.add.f32 [tilespmem:s31], [sflag:$0x4], $0x80, s19, s5, $0xb8;
	[tilespmem:$0x1D400] =	vst v63  }
0x277: {  	_ =	swait.ge [sflag:s2], $0x3E80  }
0x278: {  	[sflag:s2] =	ssyncset.done $0x0  }
0x279: {  	[sflag:s2] =	ssyncadd.s32 $0xFFFFC180  }
0x27a: {  	_ =	swait.ge [sflag:s8], $0x3E80  }
0x27b: {  	[sflag:s8] =	ssyncset.done $0x0  }
0x27c: {  	s11 =	rddreg [dreg:$0x17];
	[sflag:s8] =	ssyncadd.s32 $0xFFFFC180  }
0x27d: {  	[tilespmem:s31], [sflag:$0x1] =	stream.indirect.gather [hbm4b:s0+s5], $0x80, s11, s5, $0xb8;
	[tilespmem:$0x1D400] =	vst v63  }
0x27e: {  	s14 =	simm.s32 $0x880  }
0x27f: {  	[spmem:s3] =	stream.indirect.scatter.add.f32 [tilespmem:s7], [sflag:$0x4], $0x80, s14, s5, $0xb8;
	[tilespmem:$0x1D400] =	vst v63  }
0x280: {  	_ =	swait.ge [sflag:s2], $0x3E80  }
0x281: {  	[sflag:s2] =	ssyncset.done $0x0  }
0x282: {  	[sflag:s2] =	ssyncadd.s32 $0xFFFFC180  }
0x283: {  	_ =	swait.ge [sflag:s6], $0x3E80  }
0x284: {  	[sflag:s6] =	ssyncset.done $0x0  }
0x285: {  	s9 =	rddreg [dreg:$0x18];
	[sflag:s6] =	ssyncadd.s32 $0xFFFFC180  }
0x286: {  	[tilespmem:s7], [sflag:$0x2] =	stream.indirect.gather [hbm4b:s0+s5], $0x80, s9, s5, $0xb8;
	[tilespmem:$0x1D400] =	vst v63  }
0x287: {  	s14 =	simm.s32 $0x900  }
0x288: {  	[spmem:s3] =	stream.indirect.scatter.add.f32 [tilespmem:s31], [sflag:$0x4], $0x80, s14, s5, $0xb8;
	[tilespmem:$0x1D400] =	vst v63  }
0x289: {  	_ =	swait.ge [sflag:s2], $0x3E80  }
0x28a: {  	[sflag:s2] =	ssyncset.done $0x0  }
0x28b: {  	[sflag:s2] =	ssyncadd.s32 $0xFFFFC180  }
0x28c: {  	_ =	swait.ge [sflag:s8], $0x3E80  }
0x28d: {  	[sflag:s8] =	ssyncset.done $0x0  }
0x28e: {  	s11 =	simm.s32 $0x980;
	[sflag:s8] =	ssyncadd.s32 $0xFFFFC180  }
0x28f: {  	[spmem:s3] =	stream.indirect.scatter.add.f32 [tilespmem:s7], [sflag:$0x4], $0x80, s11, s5, $0xb8;
	[tilespmem:$0x1D400] =	vst v63  }
0x290: {  	_ =	swait.ge [sflag:s2], $0x3E80  }
0x291: {  	[sflag:s2] =	ssyncset.done $0x0  }
0x292: {  	[sflag:s2] =	ssyncadd.s32 $0xFFFFC180  }
0x293: {  	[bflag:$0x0] =	sbarrier.arrive $0xFFFF  }
0x294: {  	s10 =	sld [smem:$0x7F4];
	_ =	sdelay $0x1  }
0x295: {  	s1 =	simm.s32 $0x0  }
0x296: {  	[tilespmem:s7], [sflag:$0x4] =	stream.linear.gather [hbm4b:s10+s1], $0x3E80, $0x38;
	[tilespmem:$0x1D400] =	vst v63  }
0x297: {  	_ =	swait.ge [sflag:s2], $0x3E80  }
0x298: {  	s10 =	sld [smem:$0x7F6]  }
0x299: {  	[sflag:s2] =	ssyncset.done $0x0  }
0x29a: {  	[sflag:s2] =	ssyncadd.s32 $0xFFFFC180  }
0x29b: {  	[tilespmem:s31], [sflag:$0x4] =	stream.linear.gather [spmem:s10], $0x3400, $0x38;
	[tilespmem:$0x1D400] =	vst v63  }
0x29c: {  	_ =	swait.ge [sflag:s2], $0x3400  }
0x29d: {  	[sflag:s2] =	ssyncset.done $0x0  }
0x29e: {  	s9 =	rddreg [dreg:$0x1a];
	[sflag:s2] =	ssyncadd.s32 $0xFFFFCC00  }
0x29f: {  	[hbm4b:s9+s1] =	stream.linear.scatter [tilespmem:s31], [sflag:$0x4], $0x3400, $0x38;
	[tilespmem:$0x1D400] =	vst v63  }
0x2a0: {  	_ =	swait.ge [sflag:s2], $0x3400  }
0x2a1: {  	[sflag:s2] =	ssyncset.done $0x0  }
0x2a2: {  	[sflag:s2] =	ssyncadd.s32 $0xFFFFCC00  }
0x2a3: {  	[spmem:s10] =	stream.linear.scatter [tilespmem:s7], [sflag:$0x4], $0x3400, $0x38;
	[tilespmem:$0x1D400] =	vst v63  }
0x2a4: {  	_ =	swait.ge [sflag:s2], $0x3400  }
0x2a5: {  	s10 =	sld [smem:$0x7F7]  }
0x2a6: {  	[sflag:s2] =	ssyncset.done $0x0  }
0x2a7: {  	[sflag:s2] =	ssyncadd.s32 $0xFFFFCC00  }
0x2a8: {  	[tilespmem:s31], [sflag:$0x4] =	stream.linear.gather [spmem:s10], $0x3400, $0x38;
	[tilespmem:$0x1D400] =	vst v63  }
0x2a9: {  	_ =	swait.ge [sflag:s2], $0x3400  }
0x2aa: {  	[sflag:s2] =	ssyncset.done $0x0  }
0x2ab: {  	s9 =	rddreg [dreg:$0x1b];
	[sflag:s2] =	ssyncadd.s32 $0xFFFFCC00  }
0x2ac: {  	[hbm4b:s9+s1] =	stream.linear.scatter [tilespmem:s31], [sflag:$0x4], $0x3400, $0x38;
	[tilespmem:$0x1D400] =	vst v63  }
0x2ad: {  	_ =	swait.ge [sflag:s2], $0x3400  }
0x2ae: {  	[sflag:s2] =	ssyncset.done $0x0  }
0x2af: {  	[sflag:s2] =	ssyncadd.s32 $0xFFFFCC00  }
0x2b0: {  	[spmem:s10] =	stream.linear.scatter [tilespmem:s7], [sflag:$0x4], $0x3400, $0x38;
	[tilespmem:$0x1D400] =	vst v63  }
0x2b1: {  	_ =	swait.ge [sflag:s2], $0x3400  }
0x2b2: {  	s10 =	sld [smem:$0x7F8]  }
0x2b3: {  	[sflag:s2] =	ssyncset.done $0x0  }
0x2b4: {  	[sflag:s2] =	ssyncadd.s32 $0xFFFFCC00  }
0x2b5: {  	[tilespmem:s31], [sflag:$0x4] =	stream.linear.gather [spmem:s10], $0x3400, $0x38;
	[tilespmem:$0x1D400] =	vst v63  }
0x2b6: {  	_ =	swait.ge [sflag:s2], $0x3400  }
0x2b7: {  	[sflag:s2] =	ssyncset.done $0x0  }
0x2b8: {  	s9 =	rddreg [dreg:$0x1c];
	[sflag:s2] =	ssyncadd.s32 $0xFFFFCC00  }
0x2b9: {  	[hbm4b:s9+s1] =	stream.linear.scatter [tilespmem:s31], [sflag:$0x4], $0x3400, $0x38;
	[tilespmem:$0x1D400] =	vst v63  }
0x2ba: {  	_ =	swait.ge [sflag:s2], $0x3400  }
0x2bb: {  	[sflag:s2] =	ssyncset.done $0x0  }
0x2bc: {  	[sflag:s2] =	ssyncadd.s32 $0xFFFFCC00  }
0x2bd: {  	[spmem:s10] =	stream.linear.scatter [tilespmem:s7], [sflag:$0x4], $0x3400, $0x38;
	[tilespmem:$0x1D400] =	vst v63  }
0x2be: {  	_ =	swait.ge [sflag:s2], $0x3400  }
0x2bf: {  	s10 =	sld [smem:$0x7FA]  }
0x2c0: {  	[sflag:s2] =	ssyncset.done $0x0  }
0x2c1: {  	[sflag:s2] =	ssyncadd.s32 $0xFFFFCC00  }
0x2c2: {  	[tilespmem:s31], [sflag:$0x4] =	stream.linear.gather [spmem:s10], $0x3400, $0x38;
	[tilespmem:$0x1D400] =	vst v63  }
0x2c3: {  	_ =	swait.ge [sflag:s2], $0x3400  }
0x2c4: {  	[sflag:s2] =	ssyncset.done $0x0  }
0x2c5: {  	s9 =	rddreg [dreg:$0x1d];
	[sflag:s2] =	ssyncadd.s32 $0xFFFFCC00  }
0x2c6: {  	[hbm4b:s9+s1] =	stream.linear.scatter [tilespmem:s31], [sflag:$0x4], $0x3400, $0x38;
	[tilespmem:$0x1D400] =	vst v63  }
0x2c7: {  	_ =	swait.ge [sflag:s2], $0x3400  }
0x2c8: {  	[sflag:s2] =	ssyncset.done $0x0  }
0x2c9: {  	[sflag:s2] =	ssyncadd.s32 $0xFFFFCC00  }
0x2ca: {  	[spmem:s10] =	stream.linear.scatter [tilespmem:s7], [sflag:$0x4], $0x3400, $0x38;
	[tilespmem:$0x1D400] =	vst v63  }
0x2cb: {  	_ =	swait.ge [sflag:s2], $0x3400  }
0x2cc: {  	s10 =	sld [smem:$0x7FB]  }
0x2cd: {  	[sflag:s2] =	ssyncset.done $0x0  }
0x2ce: {  	[sflag:s2] =	ssyncadd.s32 $0xFFFFCC00  }
0x2cf: {  	[tilespmem:s31], [sflag:$0x4] =	stream.linear.gather [spmem:s10], $0x3400, $0x38;
	[tilespmem:$0x1D400] =	vst v63  }
0x2d0: {  	_ =	swait.ge [sflag:s2], $0x3400  }
0x2d1: {  	[sflag:s2] =	ssyncset.done $0x0  }
0x2d2: {  	s9 =	rddreg [dreg:$0x1e];
	[sflag:s2] =	ssyncadd.s32 $0xFFFFCC00  }
0x2d3: {  	[hbm4b:s9+s1] =	stream.linear.scatter [tilespmem:s31], [sflag:$0x4], $0x3400, $0x38;
	[tilespmem:$0x1D400] =	vst v63  }
0x2d4: {  	_ =	swait.ge [sflag:s2], $0x3400  }
0x2d5: {  	[sflag:s2] =	ssyncset.done $0x0  }
0x2d6: {  	[sflag:s2] =	ssyncadd.s32 $0xFFFFCC00  }
0x2d7: {  	[spmem:s10] =	stream.linear.scatter [tilespmem:s7], [sflag:$0x4], $0x3400, $0x38;
	[tilespmem:$0x1D400] =	vst v63  }
0x2d8: {  	_ =	swait.ge [sflag:s2], $0x3400  }
0x2d9: {  	s10 =	sld [smem:$0x7FC]  }
0x2da: {  	[sflag:s2] =	ssyncset.done $0x0  }
0x2db: {  	[sflag:s2] =	ssyncadd.s32 $0xFFFFCC00  }
0x2dc: {  	[tilespmem:s31], [sflag:$0x4] =	stream.linear.gather [spmem:s10], $0x3400, $0x38;
	[tilespmem:$0x1D400] =	vst v63  }
0x2dd: {  	_ =	swait.ge [sflag:s2], $0x3400  }
0x2de: {  	[sflag:s2] =	ssyncset.done $0x0  }
0x2df: {  	s9 =	rddreg [dreg:$0x1f];
	[sflag:s2] =	ssyncadd.s32 $0xFFFFCC00  }
0x2e0: {  	[hbm4b:s9+s1] =	stream.linear.scatter [tilespmem:s31], [sflag:$0x4], $0x3400, $0x38;
	[tilespmem:$0x1D400] =	vst v63  }
0x2e1: {  	_ =	swait.ge [sflag:s2], $0x3400  }
0x2e2: {  	[sflag:s2] =	ssyncset.done $0x0  }
0x2e3: {  	[sflag:s2] =	ssyncadd.s32 $0xFFFFCC00  }
0x2e4: {  	[spmem:s10] =	stream.linear.scatter [tilespmem:s7], [sflag:$0x4], $0x3400, $0x38;
	[tilespmem:$0x1D400] =	vst v63  }
0x2e5: {  	_ =	swait.ge [sflag:s2], $0x3400  }
0x2e6: {  	s10 =	sld [smem:$0x7FD]  }
0x2e7: {  	[sflag:s2] =	ssyncset.done $0x0  }
0x2e8: {  	[sflag:s2] =	ssyncadd.s32 $0xFFFFCC00  }
0x2e9: {  	[tilespmem:s31], [sflag:$0x4] =	stream.linear.gather [spmem:s10], $0x400, $0x38;
	[tilespmem:$0x1D400] =	vst v63  }
0x2ea: {  	_ =	swait.ge [sflag:s2], $0x400  }
0x2eb: {  	s9 =	sld [smem:$0x7EC]  }
0x2ec: {  	[sflag:s2] =	ssyncset.done $0x0  }
0x2ed: {  	[sflag:s2] =	ssyncadd.s32 $0xFFFFFC00  }
0x2ee: {  	[hbm4b:s9+s1] =	stream.linear.scatter [tilespmem:s31], [sflag:$0x4], $0x400, $0x38;
	[tilespmem:$0x1D400] =	vst v63  }
0x2ef: {  	_ =	swait.ge [sflag:s2], $0x400  }
0x2f0: {  	[sflag:s2] =	ssyncset.done $0x0  }
0x2f1: {  	[sflag:s2] =	ssyncadd.s32 $0xFFFFFC00  }
0x2f2: {  	[spmem:s10] =	stream.linear.scatter [tilespmem:s7], [sflag:$0x4], $0x400, $0x38;
	[tilespmem:$0x1D400] =	vst v63  }
0x2f3: {  	_ =	swait.ge [sflag:s2], $0x400  }
0x2f4: {  	s10 =	sld [smem:$0x7F5]  }
0x2f5: {  	[sflag:s2] =	ssyncset.done $0x0  }
0x2f6: {  	[sflag:s2] =	ssyncadd.s32 $0xFFFFFC00  }
0x2f7: {  	[tilespmem:s7], [sflag:$0x4] =	stream.linear.gather [hbm4b:s10+s1], $0x3E80, $0x38;
	[tilespmem:$0x1D400] =	vst v63  }
0x2f8: {  	_ =	swait.ge [sflag:s2], $0x3E80  }
0x2f9: {  	[sflag:s2] =	ssyncset.done $0x0  }
0x2fa: {  	[sflag:s2] =	ssyncadd.s32 $0xFFFFC180  }
0x2fb: {  	s9 =	sadd.s32 $0x0, s13;
	[bflag:$0x0] =	sbarrier.arrive $0xFFFF  }
0x2fc: {  	[tilespmem:s4], [sflag:$0x4] =	stream.linear.gather [hbm4b:s9+s4], $0xA00, $0x38;
	[tilespmem:$0x1D400] =	vst v63  }
0x2fd: {  	_ =	swait.ge [sflag:s2], $0xA00  }
0x2fe: {  	[sflag:s2] =	ssyncset.done $0x0  }
0x2ff: {  	[sflag:s2] =	ssyncadd.s32 $0xFFFFF600  }
0x300: {  	[spmem:s3] =	stream.indirect.scatter.add.f32 [tilespmem:s7], [sflag:$0x3], $0x80, s4, s5, $0xb8;
	[tilespmem:$0x1D400] =	vst v63  }
0x301: {  	_ = 	snop  }
0x302: {  	[spmem:s3] =	stream.indirect.scatter.add.f32 [tilespmem:s7], [sflag:$0x3], $0x80, s12, s5, $0xb8;
	[tilespmem:$0x1D400] =	vst v63  }
0x303: {  	s10 =	simm.s32 $0x100  }
0x304: {  	[spmem:s3] =	stream.indirect.scatter.add.f32 [tilespmem:s7], [sflag:$0x3], $0x80, s10, s5, $0xb8;
	[tilespmem:$0x1D400] =	vst v63  }
0x305: {  	_ = 	snop  }
0x306: {  	[spmem:s3] =	stream.indirect.scatter.add.f32 [tilespmem:s7], [sflag:$0x3], $0x80, s15, s5, $0xb8;
	[tilespmem:$0x1D400] =	vst v63  }
0x307: {  	_ = 	snop  }
0x308: {  	[spmem:s3] =	stream.indirect.scatter.add.f32 [tilespmem:s7], [sflag:$0x3], $0x80, s16, s5, $0xb8;
	[tilespmem:$0x1D400] =	vst v63  }
0x309: {  	_ = 	snop  }
0x30a: {  	[spmem:s3] =	stream.indirect.scatter.add.f32 [tilespmem:s7], [sflag:$0x3], $0x80, s17, s5, $0xb8;
	[tilespmem:$0x1D400] =	vst v63  }
0x30b: {  	_ =	swait.ge [sflag:s29], $0x3E80  }
0x30c: {  	[sflag:s29] =	ssyncset.done $0x0  }
0x30d: {  	[sflag:s29] =	ssyncadd.s32 $0xFFFFC180  }
0x30e: {  	[spmem:s3] =	stream.indirect.scatter.add.f32 [tilespmem:s7], [sflag:$0x3], $0x80, s18, s5, $0xb8;
	[tilespmem:$0x1D400] =	vst v63  }
0x30f: {  	_ =	swait.ge [sflag:s29], $0x3E80  }
0x310: {  	[sflag:s29] =	ssyncset.done $0x0  }
0x311: {  	[sflag:s29] =	ssyncadd.s32 $0xFFFFC180  }
0x312: {  	[spmem:s3] =	stream.indirect.scatter.add.f32 [tilespmem:s7], [sflag:$0x3], $0x80, s21, s5, $0xb8;
	[tilespmem:$0x1D400] =	vst v63  }
0x313: {  	_ =	swait.ge [sflag:s29], $0x3E80  }
0x314: {  	[sflag:s29] =	ssyncset.done $0x0  }
0x315: {  	[sflag:s29] =	ssyncadd.s32 $0xFFFFC180  }
0x316: {  	[spmem:s3] =	stream.indirect.scatter.add.f32 [tilespmem:s7], [sflag:$0x3], $0x80, s30, s5, $0xb8;
	[tilespmem:$0x1D400] =	vst v63  }
0x317: {  	_ =	swait.ge [sflag:s29], $0x3E80  }
0x318: {  	[sflag:s29] =	ssyncset.done $0x0  }
0x319: {  	[sflag:s29] =	ssyncadd.s32 $0xFFFFC180  }
0x31a: {  	[spmem:s3] =	stream.indirect.scatter.add.f32 [tilespmem:s7], [sflag:$0x3], $0x80, s20, s5, $0xb8;
	[tilespmem:$0x1D400] =	vst v63  }
0x31b: {  	_ =	swait.ge [sflag:s29], $0x3E80  }
0x31c: {  	[sflag:s29] =	ssyncset.done $0x0  }
0x31d: {  	[sflag:s29] =	ssyncadd.s32 $0xFFFFC180  }
0x31e: {  	[spmem:s3] =	stream.indirect.scatter.add.f32 [tilespmem:s7], [sflag:$0x3], $0x80, s22, s5, $0xb8;
	[tilespmem:$0x1D400] =	vst v63  }
0x31f: {  	_ =	swait.ge [sflag:s29], $0x3E80  }
0x320: {  	[sflag:s29] =	ssyncset.done $0x0  }
0x321: {  	[sflag:s29] =	ssyncadd.s32 $0xFFFFC180  }
0x322: {  	[spmem:s3] =	stream.indirect.scatter.add.f32 [tilespmem:s7], [sflag:$0x3], $0x80, s23, s5, $0xb8;
	[tilespmem:$0x1D400] =	vst v63  }
0x323: {  	_ =	swait.ge [sflag:s29], $0x3E80  }
0x324: {  	[sflag:s29] =	ssyncset.done $0x0  }
0x325: {  	[sflag:s29] =	ssyncadd.s32 $0xFFFFC180  }
0x326: {  	[spmem:s3] =	stream.indirect.scatter.add.f32 [tilespmem:s7], [sflag:$0x3], $0x80, s24, s5, $0xb8;
	[tilespmem:$0x1D400] =	vst v63  }
0x327: {  	_ =	swait.ge [sflag:s29], $0x3E80  }
0x328: {  	[sflag:s29] =	ssyncset.done $0x0  }
0x329: {  	[sflag:s29] =	ssyncadd.s32 $0xFFFFC180  }
0x32a: {  	[spmem:s3] =	stream.indirect.scatter.add.f32 [tilespmem:s7], [sflag:$0x3], $0x80, s25, s5, $0xb8;
	[tilespmem:$0x1D400] =	vst v63  }
0x32b: {  	_ =	swait.ge [sflag:s29], $0x3E80  }
0x32c: {  	[sflag:s29] =	ssyncset.done $0x0  }
0x32d: {  	[sflag:s29] =	ssyncadd.s32 $0xFFFFC180  }
0x32e: {  	[spmem:s3] =	stream.indirect.scatter.add.f32 [tilespmem:s7], [sflag:$0x3], $0x80, s26, s5, $0xb8;
	[tilespmem:$0x1D400] =	vst v63  }
0x32f: {  	_ =	swait.ge [sflag:s29], $0x3E80  }
0x330: {  	[sflag:s29] =	ssyncset.done $0x0  }
0x331: {  	[sflag:s29] =	ssyncadd.s32 $0xFFFFC180  }
0x332: {  	[spmem:s3] =	stream.indirect.scatter.add.f32 [tilespmem:s7], [sflag:$0x3], $0x80, s28, s5, $0xb8;
	[tilespmem:$0x1D400] =	vst v63  }
0x333: {  	_ =	swait.ge [sflag:s29], $0x3E80  }
0x334: {  	[sflag:s29] =	ssyncset.done $0x0  }
0x335: {  	[sflag:s29] =	ssyncadd.s32 $0xFFFFC180  }
0x336: {  	[spmem:s3] =	stream.indirect.scatter.add.f32 [tilespmem:s7], [sflag:$0x3], $0x80, s19, s5, $0xb8;
	[tilespmem:$0x1D400] =	vst v63  }
0x337: {  	_ =	swait.ge [sflag:s29], $0x3E80  }
0x338: {  	[sflag:s29] =	ssyncset.done $0x0  }
0x339: {  	s13 =	simm.s32 $0x880;
	[sflag:s29] =	ssyncadd.s32 $0xFFFFC180  }
0x33a: {  	[spmem:s3] =	stream.indirect.scatter.add.f32 [tilespmem:s7], [sflag:$0x3], $0x80, s13, s5, $0xb8;
	[tilespmem:$0x1D400] =	vst v63  }
0x33b: {  	_ =	swait.ge [sflag:s29], $0x3E80  }
0x33c: {  	[sflag:s29] =	ssyncset.done $0x0  }
0x33d: {  	[sflag:s29] =	ssyncadd.s32 $0xFFFFC180  }
0x33e: {  	[spmem:s3] =	stream.indirect.scatter.add.f32 [tilespmem:s7], [sflag:$0x3], $0x80, s14, s5, $0xb8;
	[tilespmem:$0x1D400] =	vst v63  }
0x33f: {  	_ =	swait.ge [sflag:s29], $0x3E80  }
0x340: {  	[sflag:s29] =	ssyncset.done $0x0  }
0x341: {  	[sflag:s29] =	ssyncadd.s32 $0xFFFFC180  }
0x342: {  	[spmem:s3] =	stream.indirect.scatter.add.f32 [tilespmem:s7], [sflag:$0x3], $0x80, s11, s5, $0xb8;
	[tilespmem:$0x1D400] =	vst v63  }
0x343: {  	_ =	swait.ge [sflag:s29], $0x3E80  }
0x344: {  	[sflag:s29] =	ssyncset.done $0x0  }
0x345: {  	[sflag:s29] =	ssyncadd.s32 $0xFFFFC180  }
0x346: {  	_ =	swait.ge [sflag:s29], $0x3E80  }
0x347: {  	[sflag:s29] =	ssyncset.done $0x0  }
0x348: {  	[sflag:s29] =	ssyncadd.s32 $0xFFFFC180  }
0x349: {  	_ =	swait.ge [sflag:s29], $0x3E80  }
0x34a: {  	[sflag:s29] =	ssyncset.done $0x0  }
0x34b: {  	s1 =	simm.s32 $0x180;
	s4 =	simm.s32 $0x900;
	[sflag:s29] =	ssyncadd.s32 $0xFFFFC180  }
0x34c: {  	s10 =	simm.s32 $0x300;
	s15 =	simm.s32 $0x200;
	_ =	swait.ge [sflag:s29], $0x3E80  }
0x34d: {  	s16 =	simm.s32 $0x280;
	s17 =	simm.s32 $0x300;
	[sflag:s29] =	ssyncset.done $0x0  }
0x34e: {  	s18 =	simm.s32 $0x380;
	s21 =	simm.s32 $0x400;
	[sflag:s29] =	ssyncadd.s32 $0xFFFFC180  }
0x34f: {  	s30 =	simm.s32 $0x480;
	s20 =	simm.s32 $0x500;
	_ =	swait.ge [sflag:s29], $0x3E80  }
0x350: {  	s22 =	simm.s32 $0x580;
	s23 =	simm.s32 $0x600;
	[sflag:s29] =	ssyncset.done $0x0  }
0x351: {  	s24 =	simm.s32 $0x680;
	s25 =	simm.s32 $0x700;
	[sflag:s29] =	ssyncadd.s32 $0xFFFFC180  }
0x352: {  	s26 =	simm.s32 $0x780;
	s28 =	simm.s32 $0x800;
	_ =	swait.ge [sflag:s29], $0x3E80  }
0x353: {  	s19 =	simm.s32 $0x880;
	s14 =	simm.s32 $0x980;
	[sflag:s29] =	ssyncset.done $0x0  }
.LBB2_4:
0x354: {  	s9 =	rddreg [dreg:$0x19]  }
0x355: {  	[sflag:s29] =	ssyncadd.s32 $0xFFFFC180;
	s13 =	simm.s32 $0x0;
	s11 =	sadd.s32 s1, s9  }
0x356: {  	[tilespmem:s13], [sflag:$0x4] =	stream.linear.gather [hbm4b:s11+s13], $0xA00, $0x38;
	[tilespmem:$0x1D400] =	vst v63  }
0x357: {  	_ =	swait.ge [sflag:s2], $0xA00  }
0x358: {  	[sflag:s2] =	ssyncset.done $0x0  }
0x359: {  	[sflag:s2] =	ssyncadd.s32 $0xFFFFF600  }
0x35a: {  	[spmem:s3] =	stream.indirect.scatter.add.f32 [tilespmem:s7], [sflag:$0x3], $0x80, s13, s5, $0xb8;
	[tilespmem:$0x1D400] =	vst v63  }
0x35b: {  	_ = 	snop  }
0x35c: {  	[spmem:s3] =	stream.indirect.scatter.add.f32 [tilespmem:s7], [sflag:$0x3], $0x80, s12, s5, $0xb8;
	[tilespmem:$0x1D400] =	vst v63  }
0x35d: {  	s11 =	simm.s32 $0x100  }
0x35e: {  	[spmem:s3] =	stream.indirect.scatter.add.f32 [tilespmem:s7], [sflag:$0x3], $0x80, s11, s5, $0xb8;
	[tilespmem:$0x1D400] =	vst v63  }
0x35f: {  	s13 =	simm.s32 $0x180  }
0x360: {  	[spmem:s3] =	stream.indirect.scatter.add.f32 [tilespmem:s7], [sflag:$0x3], $0x80, s13, s5, $0xb8;
	[tilespmem:$0x1D400] =	vst v63  }
0x361: {  	_ = 	snop  }
0x362: {  	[spmem:s3] =	stream.indirect.scatter.add.f32 [tilespmem:s7], [sflag:$0x3], $0x80, s15, s5, $0xb8;
	[tilespmem:$0x1D400] =	vst v63  }
0x363: {  	_ = 	snop  }
0x364: {  	[spmem:s3] =	stream.indirect.scatter.add.f32 [tilespmem:s7], [sflag:$0x3], $0x80, s16, s5, $0xb8;
	[tilespmem:$0x1D400] =	vst v63  }
0x365: {  	_ =	swait.ge [sflag:s29], $0x3E80  }
0x366: {  	[sflag:s29] =	ssyncset.done $0x0  }
0x367: {  	[sflag:s29] =	ssyncadd.s32 $0xFFFFC180  }
0x368: {  	[spmem:s3] =	stream.indirect.scatter.add.f32 [tilespmem:s7], [sflag:$0x3], $0x80, s17, s5, $0xb8;
	[tilespmem:$0x1D400] =	vst v63  }
0x369: {  	_ =	swait.ge [sflag:s29], $0x3E80  }
0x36a: {  	[sflag:s29] =	ssyncset.done $0x0  }
0x36b: {  	[sflag:s29] =	ssyncadd.s32 $0xFFFFC180  }
0x36c: {  	[spmem:s3] =	stream.indirect.scatter.add.f32 [tilespmem:s7], [sflag:$0x3], $0x80, s18, s5, $0xb8;
	[tilespmem:$0x1D400] =	vst v63  }
0x36d: {  	_ =	swait.ge [sflag:s29], $0x3E80  }
0x36e: {  	[sflag:s29] =	ssyncset.done $0x0  }
0x36f: {  	[sflag:s29] =	ssyncadd.s32 $0xFFFFC180  }
0x370: {  	[spmem:s3] =	stream.indirect.scatter.add.f32 [tilespmem:s7], [sflag:$0x3], $0x80, s21, s5, $0xb8;
	[tilespmem:$0x1D400] =	vst v63  }
0x371: {  	_ =	swait.ge [sflag:s29], $0x3E80  }
0x372: {  	[sflag:s29] =	ssyncset.done $0x0  }
0x373: {  	[sflag:s29] =	ssyncadd.s32 $0xFFFFC180  }
0x374: {  	[spmem:s3] =	stream.indirect.scatter.add.f32 [tilespmem:s7], [sflag:$0x3], $0x80, s30, s5, $0xb8;
	[tilespmem:$0x1D400] =	vst v63  }
0x375: {  	_ =	swait.ge [sflag:s29], $0x3E80  }
0x376: {  	[sflag:s29] =	ssyncset.done $0x0  }
0x377: {  	[sflag:s29] =	ssyncadd.s32 $0xFFFFC180  }
0x378: {  	[spmem:s3] =	stream.indirect.scatter.add.f32 [tilespmem:s7], [sflag:$0x3], $0x80, s20, s5, $0xb8;
	[tilespmem:$0x1D400] =	vst v63  }
0x379: {  	_ =	swait.ge [sflag:s29], $0x3E80  }
0x37a: {  	[sflag:s29] =	ssyncset.done $0x0  }
0x37b: {  	[sflag:s29] =	ssyncadd.s32 $0xFFFFC180  }
0x37c: {  	[spmem:s3] =	stream.indirect.scatter.add.f32 [tilespmem:s7], [sflag:$0x3], $0x80, s22, s5, $0xb8;
	[tilespmem:$0x1D400] =	vst v63  }
0x37d: {  	_ =	swait.ge [sflag:s29], $0x3E80  }
0x37e: {  	[sflag:s29] =	ssyncset.done $0x0  }
0x37f: {  	[sflag:s29] =	ssyncadd.s32 $0xFFFFC180  }
0x380: {  	[spmem:s3] =	stream.indirect.scatter.add.f32 [tilespmem:s7], [sflag:$0x3], $0x80, s23, s5, $0xb8;
	[tilespmem:$0x1D400] =	vst v63  }
0x381: {  	_ =	swait.ge [sflag:s29], $0x3E80  }
0x382: {  	[sflag:s29] =	ssyncset.done $0x0  }
0x383: {  	[sflag:s29] =	ssyncadd.s32 $0xFFFFC180  }
0x384: {  	[spmem:s3] =	stream.indirect.scatter.add.f32 [tilespmem:s7], [sflag:$0x3], $0x80, s24, s5, $0xb8;
	[tilespmem:$0x1D400] =	vst v63  }
0x385: {  	_ =	swait.ge [sflag:s29], $0x3E80  }
0x386: {  	[sflag:s29] =	ssyncset.done $0x0  }
0x387: {  	[sflag:s29] =	ssyncadd.s32 $0xFFFFC180  }
0x388: {  	[spmem:s3] =	stream.indirect.scatter.add.f32 [tilespmem:s7], [sflag:$0x3], $0x80, s25, s5, $0xb8;
	[tilespmem:$0x1D400] =	vst v63  }
0x389: {  	_ =	swait.ge [sflag:s29], $0x3E80  }
0x38a: {  	[sflag:s29] =	ssyncset.done $0x0  }
0x38b: {  	[sflag:s29] =	ssyncadd.s32 $0xFFFFC180  }
0x38c: {  	[spmem:s3] =	stream.indirect.scatter.add.f32 [tilespmem:s7], [sflag:$0x3], $0x80, s26, s5, $0xb8;
	[tilespmem:$0x1D400] =	vst v63  }
0x38d: {  	_ =	swait.ge [sflag:s29], $0x3E80  }
0x38e: {  	[sflag:s29] =	ssyncset.done $0x0  }
0x38f: {  	[sflag:s29] =	ssyncadd.s32 $0xFFFFC180  }
0x390: {  	[spmem:s3] =	stream.indirect.scatter.add.f32 [tilespmem:s7], [sflag:$0x3], $0x80, s28, s5, $0xb8;
	[tilespmem:$0x1D400] =	vst v63  }
0x391: {  	_ =	swait.ge [sflag:s29], $0x3E80  }
0x392: {  	[sflag:s29] =	ssyncset.done $0x0  }
0x393: {  	[sflag:s29] =	ssyncadd.s32 $0xFFFFC180  }
0x394: {  	[spmem:s3] =	stream.indirect.scatter.add.f32 [tilespmem:s7], [sflag:$0x3], $0x80, s19, s5, $0xb8;
	[tilespmem:$0x1D400] =	vst v63  }
0x395: {  	_ =	swait.ge [sflag:s29], $0x3E80  }
0x396: {  	[sflag:s29] =	ssyncset.done $0x0  }
0x397: {  	[sflag:s29] =	ssyncadd.s32 $0xFFFFC180  }
0x398: {  	[spmem:s3] =	stream.indirect.scatter.add.f32 [tilespmem:s7], [sflag:$0x3], $0x80, s4, s5, $0xb8;
	[tilespmem:$0x1D400] =	vst v63  }
0x399: {  	_ =	swait.ge [sflag:s29], $0x3E80  }
0x39a: {  	[sflag:s29] =	ssyncset.done $0x0  }
0x39b: {  	[sflag:s29] =	ssyncadd.s32 $0xFFFFC180  }
0x39c: {  	[spmem:s3] =	stream.indirect.scatter.add.f32 [tilespmem:s7], [sflag:$0x3], $0x80, s14, s5, $0xb8;
	[tilespmem:$0x1D400] =	vst v63  }
0x39d: {  	_ =	swait.ge [sflag:s29], $0x3E80  }
0x39e: {  	[sflag:s29] =	ssyncset.done $0x0  }
0x39f: {  	[sflag:s29] =	ssyncadd.s32 $0xFFFFC180  }
0x3a0: {  	_ =	swait.ge [sflag:s29], $0x3E80  }
0x3a1: {  	[sflag:s29] =	ssyncset.done $0x0  }
0x3a2: {  	[sflag:s29] =	ssyncadd.s32 $0xFFFFC180  }
0x3a3: {  	_ =	swait.ge [sflag:s29], $0x3E80  }
0x3a4: {  	[sflag:s29] =	ssyncset.done $0x0  }
0x3a5: {  	[sflag:s29] =	ssyncadd.s32 $0xFFFFC180  }
0x3a6: {  	_ =	swait.ge [sflag:s29], $0x3E80  }
0x3a7: {  	[sflag:s29] =	ssyncset.done $0x0  }
0x3a8: {  	p0 =	sne.s32 s10, $0x480;
	[sflag:s29] =	ssyncadd.s32 $0xFFFFC180  }
.Ltmp1:
0x3a9: {  	_ =	swait.ge [sflag:s29], $0x3E80;
	(pc) =	sbr.rel @p0 .LBB2_4-.Ltmp1, $4  }
0x3aa: {  	[sflag:s29] =	ssyncset.done $0x0  }
0x3ab: {  	[sflag:s29] =	ssyncadd.s32 $0xFFFFC180  }
0x3ac: {  	s9 =	sadd.s32 $0x180, s10;
	_ =	swait.ge [sflag:s29], $0x3E80  }
0x3ad: {  	s1 =	smov.u32 s10;
	s10 =	smov.u32 s9;
	[sflag:s29] =	ssyncset.done $0x0  }
0x3ae: {  	s9 =	rddreg [dreg:$0x19]  }
0x3af: {  	[sflag:s29] =	ssyncadd.s32 $0xFFFFC180;
	s13 =	simm.s32 $0x0;
	s1 =	sadd.s32 s1, s9  }
0x3b0: {  	[tilespmem:s13], [sflag:$0x4] =	stream.linear.gather [hbm4b:s1+s13], $0xA00, $0x38;
	[tilespmem:$0x1D400] =	vst v63  }
0x3b1: {  	_ =	swait.ge [sflag:s2], $0xA00  }
0x3b2: {  	[sflag:s2] =	ssyncset.done $0x0  }
0x3b3: {  	[sflag:s2] =	ssyncadd.s32 $0xFFFFF600  }
0x3b4: {  	[spmem:s3] =	stream.indirect.scatter.add.f32 [tilespmem:s7], [sflag:$0x3], $0x80, s13, s5, $0xb8;
	[tilespmem:$0x1D400] =	vst v63  }
0x3b5: {  	_ = 	snop  }
0x3b6: {  	[spmem:s3] =	stream.indirect.scatter.add.f32 [tilespmem:s7], [sflag:$0x3], $0x80, s12, s5, $0xb8;
	[tilespmem:$0x1D400] =	vst v63  }
0x3b7: {  	s9 =	simm.s32 $0x100  }
0x3b8: {  	[spmem:s3] =	stream.indirect.scatter.add.f32 [tilespmem:s7], [sflag:$0x3], $0x80, s9, s5, $0xb8;
	[tilespmem:$0x1D400] =	vst v63  }
0x3b9: {  	s10 =	simm.s32 $0x180  }
0x3ba: {  	[spmem:s3] =	stream.indirect.scatter.add.f32 [tilespmem:s7], [sflag:$0x3], $0x80, s10, s5, $0xb8;
	[tilespmem:$0x1D400] =	vst v63  }
0x3bb: {  	_ = 	snop  }
0x3bc: {  	[spmem:s3] =	stream.indirect.scatter.add.f32 [tilespmem:s7], [sflag:$0x3], $0x80, s15, s5, $0xb8;
	[tilespmem:$0x1D400] =	vst v63  }
0x3bd: {  	_ = 	snop  }
0x3be: {  	[spmem:s3] =	stream.indirect.scatter.add.f32 [tilespmem:s7], [sflag:$0x3], $0x80, s16, s5, $0xb8;
	[tilespmem:$0x1D400] =	vst v63  }
0x3bf: {  	_ =	swait.ge [sflag:s29], $0x3E80  }
0x3c0: {  	[sflag:s29] =	ssyncset.done $0x0  }
0x3c1: {  	[sflag:s29] =	ssyncadd.s32 $0xFFFFC180  }
0x3c2: {  	[spmem:s3] =	stream.indirect.scatter.add.f32 [tilespmem:s7], [sflag:$0x3], $0x80, s17, s5, $0xb8;
	[tilespmem:$0x1D400] =	vst v63  }
0x3c3: {  	_ =	swait.ge [sflag:s29], $0x3E80  }
0x3c4: {  	[sflag:s29] =	ssyncset.done $0x0  }
0x3c5: {  	[sflag:s29] =	ssyncadd.s32 $0xFFFFC180  }
0x3c6: {  	[spmem:s3] =	stream.indirect.scatter.add.f32 [tilespmem:s7], [sflag:$0x3], $0x80, s18, s5, $0xb8;
	[tilespmem:$0x1D400] =	vst v63  }
0x3c7: {  	_ =	swait.ge [sflag:s29], $0x3E80  }
0x3c8: {  	[sflag:s29] =	ssyncset.done $0x0  }
0x3c9: {  	[sflag:s29] =	ssyncadd.s32 $0xFFFFC180  }
0x3ca: {  	[spmem:s3] =	stream.indirect.scatter.add.f32 [tilespmem:s7], [sflag:$0x3], $0x80, s21, s5, $0xb8;
	[tilespmem:$0x1D400] =	vst v63  }
0x3cb: {  	_ =	swait.ge [sflag:s29], $0x3E80  }
0x3cc: {  	[sflag:s29] =	ssyncset.done $0x0  }
0x3cd: {  	[sflag:s29] =	ssyncadd.s32 $0xFFFFC180  }
0x3ce: {  	[spmem:s3] =	stream.indirect.scatter.add.f32 [tilespmem:s7], [sflag:$0x3], $0x80, s30, s5, $0xb8;
	[tilespmem:$0x1D400] =	vst v63  }
0x3cf: {  	_ =	swait.ge [sflag:s29], $0x3E80  }
0x3d0: {  	[sflag:s29] =	ssyncset.done $0x0  }
0x3d1: {  	[sflag:s29] =	ssyncadd.s32 $0xFFFFC180  }
0x3d2: {  	[spmem:s3] =	stream.indirect.scatter.add.f32 [tilespmem:s7], [sflag:$0x3], $0x80, s20, s5, $0xb8;
	[tilespmem:$0x1D400] =	vst v63  }
0x3d3: {  	_ =	swait.ge [sflag:s29], $0x3E80  }
0x3d4: {  	[sflag:s29] =	ssyncset.done $0x0  }
0x3d5: {  	[sflag:s29] =	ssyncadd.s32 $0xFFFFC180  }
0x3d6: {  	[spmem:s3] =	stream.indirect.scatter.add.f32 [tilespmem:s7], [sflag:$0x3], $0x80, s22, s5, $0xb8;
	[tilespmem:$0x1D400] =	vst v63  }
0x3d7: {  	_ =	swait.ge [sflag:s29], $0x3E80  }
0x3d8: {  	[sflag:s29] =	ssyncset.done $0x0  }
0x3d9: {  	[sflag:s29] =	ssyncadd.s32 $0xFFFFC180  }
0x3da: {  	[spmem:s3] =	stream.indirect.scatter.add.f32 [tilespmem:s7], [sflag:$0x3], $0x80, s23, s5, $0xb8;
	[tilespmem:$0x1D400] =	vst v63  }
0x3db: {  	_ =	swait.ge [sflag:s29], $0x3E80  }
0x3dc: {  	[sflag:s29] =	ssyncset.done $0x0  }
0x3dd: {  	[sflag:s29] =	ssyncadd.s32 $0xFFFFC180  }
0x3de: {  	[spmem:s3] =	stream.indirect.scatter.add.f32 [tilespmem:s7], [sflag:$0x3], $0x80, s24, s5, $0xb8;
	[tilespmem:$0x1D400] =	vst v63  }
0x3df: {  	_ =	swait.ge [sflag:s29], $0x3E80  }
0x3e0: {  	[sflag:s29] =	ssyncset.done $0x0  }
0x3e1: {  	[sflag:s29] =	ssyncadd.s32 $0xFFFFC180  }
0x3e2: {  	[spmem:s3] =	stream.indirect.scatter.add.f32 [tilespmem:s7], [sflag:$0x3], $0x80, s25, s5, $0xb8;
	[tilespmem:$0x1D400] =	vst v63  }
0x3e3: {  	_ =	swait.ge [sflag:s29], $0x3E80  }
0x3e4: {  	[sflag:s29] =	ssyncset.done $0x0  }
0x3e5: {  	[sflag:s29] =	ssyncadd.s32 $0xFFFFC180  }
0x3e6: {  	[spmem:s3] =	stream.indirect.scatter.add.f32 [tilespmem:s7], [sflag:$0x3], $0x80, s26, s5, $0xb8;
	[tilespmem:$0x1D400] =	vst v63  }
0x3e7: {  	_ =	swait.ge [sflag:s29], $0x3E80  }
0x3e8: {  	[sflag:s29] =	ssyncset.done $0x0  }
0x3e9: {  	[sflag:s29] =	ssyncadd.s32 $0xFFFFC180  }
0x3ea: {  	[spmem:s3] =	stream.indirect.scatter.add.f32 [tilespmem:s7], [sflag:$0x3], $0x80, s28, s5, $0xb8;
	[tilespmem:$0x1D400] =	vst v63  }
0x3eb: {  	_ =	swait.ge [sflag:s29], $0x3E80  }
0x3ec: {  	[sflag:s29] =	ssyncset.done $0x0  }
0x3ed: {  	[sflag:s29] =	ssyncadd.s32 $0xFFFFC180  }
0x3ee: {  	[spmem:s3] =	stream.indirect.scatter.add.f32 [tilespmem:s7], [sflag:$0x3], $0x80, s19, s5, $0xb8;
	[tilespmem:$0x1D400] =	vst v63  }
0x3ef: {  	_ =	swait.ge [sflag:s29], $0x3E80  }
0x3f0: {  	[sflag:s29] =	ssyncset.done $0x0  }
0x3f1: {  	[sflag:s29] =	ssyncadd.s32 $0xFFFFC180  }
0x3f2: {  	[spmem:s3] =	stream.indirect.scatter.add.f32 [tilespmem:s7], [sflag:$0x3], $0x80, s4, s5, $0xb8;
	[tilespmem:$0x1D400] =	vst v63  }
0x3f3: {  	_ =	swait.ge [sflag:s29], $0x3E80  }
0x3f4: {  	[sflag:s29] =	ssyncset.done $0x0  }
0x3f5: {  	[sflag:s29] =	ssyncadd.s32 $0xFFFFC180  }
0x3f6: {  	[spmem:s3] =	stream.indirect.scatter.add.f32 [tilespmem:s7], [sflag:$0x3], $0x80, s14, s5, $0xb8;
	[tilespmem:$0x1D400] =	vst v63  }
0x3f7: {  	_ =	swait.ge [sflag:s29], $0x3E80  }
0x3f8: {  	[sflag:s29] =	ssyncset.done $0x0  }
0x3f9: {  	[sflag:s29] =	ssyncadd.s32 $0xFFFFC180  }
0x3fa: {  	_ =	swait.ge [sflag:s29], $0x3E80  }
0x3fb: {  	[sflag:s29] =	ssyncset.done $0x0  }
0x3fc: {  	[sflag:s29] =	ssyncadd.s32 $0xFFFFC180  }
0x3fd: {  	_ =	swait.ge [sflag:s29], $0x3E80  }
0x3fe: {  	[sflag:s29] =	ssyncset.done $0x0  }
0x3ff: {  	[sflag:s29] =	ssyncadd.s32 $0xFFFFC180  }
0x400: {  	_ =	swait.ge [sflag:s29], $0x3E80  }
0x401: {  	[sflag:s29] =	ssyncset.done $0x0  }
0x402: {  	[sflag:s29] =	ssyncadd.s32 $0xFFFFC180  }
0x403: {  	_ =	swait.ge [sflag:s29], $0x3E80  }
0x404: {  	[sflag:s29] =	ssyncset.done $0x0  }
0x405: {  	[sflag:s29] =	ssyncadd.s32 $0xFFFFC180  }
0x406: {  	_ =	swait.ge [sflag:s29], $0x3E80  }
0x407: {  	[sflag:s29] =	ssyncset.done $0x0  }
0x408: {  	[sflag:s29] =	ssyncadd.s32 $0xFFFFC180  }
0x409: {  	[bflag:$0x0] =	sbarrier.arrive $0xFFFF  }
0x40a: {  	s11 =	sld [smem:$0x7F6];
	_ =	sdelay $0x2  }
0x40b: {  	[tilespmem:s31], [sflag:$0x4] =	stream.linear.gather [spmem:s11], $0x3400, $0x38;
	[tilespmem:$0x1D400] =	vst v63  }
0x40c: {  	_ =	swait.ge [sflag:s2], $0x3400  }
0x40d: {  	s12 =	sld [smem:$0x7ED]  }
0x40e: {  	[sflag:s2] =	ssyncset.done $0x0  }
0x40f: {  	[sflag:s2] =	ssyncadd.s32 $0xFFFFCC00  }
0x410: {  	[hbm4b:s12+s13] =	stream.linear.scatter [tilespmem:s31], [sflag:$0x4], $0x3400, $0x38;
	[tilespmem:$0x1D400] =	vst v63  }
0x411: {  	_ =	swait.ge [sflag:s2], $0x3400  }
0x412: {  	s9 =	sld [smem:$0x7F7]  }
0x413: {  	[sflag:s2] =	ssyncset.done $0x0  }
0x414: {  	[sflag:s2] =	ssyncadd.s32 $0xFFFFCC00  }
0x415: {  	[tilespmem:s31], [sflag:$0x4] =	stream.linear.gather [spmem:s9], $0x3400, $0x38;
	[tilespmem:$0x1D400] =	vst v63  }
0x416: {  	_ =	swait.ge [sflag:s2], $0x3400  }
0x417: {  	s10 =	sld [smem:$0x7EE]  }
0x418: {  	[sflag:s2] =	ssyncset.done $0x0  }
0x419: {  	[sflag:s2] =	ssyncadd.s32 $0xFFFFCC00  }
0x41a: {  	[hbm4b:s10+s13] =	stream.linear.scatter [tilespmem:s31], [sflag:$0x4], $0x3400, $0x38;
	[tilespmem:$0x1D400] =	vst v63  }
0x41b: {  	_ =	swait.ge [sflag:s2], $0x3400  }
0x41c: {  	s11 =	sld [smem:$0x7F8]  }
0x41d: {  	[sflag:s2] =	ssyncset.done $0x0  }
0x41e: {  	[sflag:s2] =	ssyncadd.s32 $0xFFFFCC00  }
0x41f: {  	[tilespmem:s31], [sflag:$0x4] =	stream.linear.gather [spmem:s11], $0x3400, $0x38;
	[tilespmem:$0x1D400] =	vst v63  }
0x420: {  	_ =	swait.ge [sflag:s2], $0x3400  }
0x421: {  	s12 =	sld [smem:$0x7EF]  }
0x422: {  	[sflag:s2] =	ssyncset.done $0x0  }
0x423: {  	[sflag:s2] =	ssyncadd.s32 $0xFFFFCC00  }
0x424: {  	[hbm4b:s12+s13] =	stream.linear.scatter [tilespmem:s31], [sflag:$0x4], $0x3400, $0x38;
	[tilespmem:$0x1D400] =	vst v63  }
0x425: {  	_ =	swait.ge [sflag:s2], $0x3400  }
0x426: {  	s11 =	sld [smem:$0x7FA]  }
0x427: {  	[sflag:s2] =	ssyncset.done $0x0  }
0x428: {  	[sflag:s2] =	ssyncadd.s32 $0xFFFFCC00  }
0x429: {  	[tilespmem:s31], [sflag:$0x4] =	stream.linear.gather [spmem:s11], $0x3400, $0x38;
	[tilespmem:$0x1D400] =	vst v63  }
0x42a: {  	_ =	swait.ge [sflag:s2], $0x3400  }
0x42b: {  	s9 =	sld [smem:$0x7F0]  }
0x42c: {  	[sflag:s2] =	ssyncset.done $0x0  }
0x42d: {  	[sflag:s2] =	ssyncadd.s32 $0xFFFFCC00  }
0x42e: {  	[hbm4b:s9+s13] =	stream.linear.scatter [tilespmem:s31], [sflag:$0x4], $0x3400, $0x38;
	[tilespmem:$0x1D400] =	vst v63  }
0x42f: {  	_ =	swait.ge [sflag:s2], $0x3400  }
0x430: {  	s12 =	sld [smem:$0x7FB]  }
0x431: {  	[sflag:s2] =	ssyncset.done $0x0  }
0x432: {  	[sflag:s2] =	ssyncadd.s32 $0xFFFFCC00  }
0x433: {  	[tilespmem:s31], [sflag:$0x4] =	stream.linear.gather [spmem:s12], $0x3400, $0x38;
	[tilespmem:$0x1D400] =	vst v63  }
0x434: {  	_ =	swait.ge [sflag:s2], $0x3400  }
0x435: {  	s10 =	sld [smem:$0x7F1]  }
0x436: {  	[sflag:s2] =	ssyncset.done $0x0  }
0x437: {  	[sflag:s2] =	ssyncadd.s32 $0xFFFFCC00  }
0x438: {  	[hbm4b:s10+s13] =	stream.linear.scatter [tilespmem:s31], [sflag:$0x4], $0x3400, $0x38;
	[tilespmem:$0x1D400] =	vst v63  }
0x439: {  	_ =	swait.ge [sflag:s2], $0x3400  }
0x43a: {  	s10 =	sld [smem:$0x7FC]  }
0x43b: {  	[sflag:s2] =	ssyncset.done $0x0  }
0x43c: {  	[sflag:s2] =	ssyncadd.s32 $0xFFFFCC00  }
0x43d: {  	[tilespmem:s31], [sflag:$0x4] =	stream.linear.gather [spmem:s10], $0x3400, $0x38;
	[tilespmem:$0x1D400] =	vst v63  }
0x43e: {  	_ =	swait.ge [sflag:s2], $0x3400  }
0x43f: {  	s9 =	sld [smem:$0x7F2]  }
0x440: {  	[sflag:s2] =	ssyncset.done $0x0  }
0x441: {  	[sflag:s2] =	ssyncadd.s32 $0xFFFFCC00  }
0x442: {  	[hbm4b:s9+s13] =	stream.linear.scatter [tilespmem:s31], [sflag:$0x4], $0x3400, $0x38;
	[tilespmem:$0x1D400] =	vst v63  }
0x443: {  	_ =	swait.ge [sflag:s2], $0x3400  }
0x444: {  	s9 =	sld [smem:$0x7FD]  }
0x445: {  	[sflag:s2] =	ssyncset.done $0x0  }
0x446: {  	[sflag:s2] =	ssyncadd.s32 $0xFFFFCC00  }
0x447: {  	[tilespmem:s31], [sflag:$0x4] =	stream.linear.gather [spmem:s9], $0x400, $0x38;
	[tilespmem:$0x1D400] =	vst v63  }
0x448: {  	_ =	swait.ge [sflag:s2], $0x400  }
0x449: {  	s1 =	sld [smem:$0x7F3]  }
0x44a: {  	[sflag:s2] =	ssyncset.done $0x0  }
0x44b: {  	[sflag:s2] =	ssyncadd.s32 $0xFFFFFC00  }
0x44c: {  	[hbm4b:s1+s13] =	stream.linear.scatter [tilespmem:s31], [sflag:$0x4], $0x400, $0x38;
	[tilespmem:$0x1D400] =	vst v63  }
0x44d: {  	_ =	swait.ge [sflag:s2], $0x400  }
0x44e: {  	s1 =	sld [smem:$0x7EB];
	_ =	sdelay $0x2  }
0x44f: {  	s13 =	sadd.s32 $0x1, s1;
	s1 =	sld [smem:$0x7F9];
	_ =	sdelay $0x2  }
0x450: {  	p0 =	sne.s32 s13, s1  }
.Ltmp2:
0x451: {  	_ = 	snop;
	(pc) =	sbr.rel @p0 .LBB2_1-.Ltmp2, $3  }
0x452: {  	_ =	sdelay $0x1  }
0x453: {  	[sflag:s2] =	ssyncset.done $0x0  }
0x454: {  	[sflag:s2] =	ssyncadd.s32 $0xFFFFFC00  }
0x455: {  	_ =	sfence.sel $0x180000  }
0x456: {  	[bflag:$0x0] =	sbarrier.arrive $0xFFFF  }
0x457: {  	_ =	strace $0x90000047  }
0x458: {  	s0 =	stileid.u32;
	[bflag:$0x2] =	sbarrier.arrive $0xFFFF  }
0x459: {  	p0 =	sne.s32 s0, $0x0;
	s0 =	rddreg [dreg:$0x4]  }
0x45a: {  	s0 =	sadd.s32 @!p0 $0x100000, s0  }
0x45b: {  	[sflag:s0] =	ssyncadd.tile.s32 @!p0 $0x1;
	_ =	shalt  }
.Lfunc_end2:
_tile_overlayer_lowered:
.L_overlay_start_2:
0x45c: {  	(tag) =	ssettag $0x2  }
0x45d: {  	s0 =	rddreg [dreg:$0x0];
	s2 =	stileid.u32  }
0x45e: {  	s1 =	rddreg [dreg:$0x1];
	p0 =	sne.s32 s2, $0x0  }
0x45f: {  	s3 =	rddreg [dreg:$0x2];
	[bflag:$0x3] =	sbarrier.arrive $0xFFFF;
	s2 =	simm.s32 @!p0 $0x1C04  }
0x460: {  	[timem:s3], [sflag:s2] =	dma.local @!p0 [hbm:s0], s1  }
0x461: {  	s0 =	simm.s32 @!p0 $0x4  }
0x462: {  	_ =	swait.ge @!p0 [sflag:s0], s1  }
0x463: {  	s1 =	ssub.s32 @!p0 $0x0, s1;
	[sflag:s0] =	ssyncset.done @!p0 $0x0  }
0x464: {  	[sflag:s0] =	ssyncadd.s32 @!p0 s1  }
0x465: {  	[bflag:$0x3] =	sbarrier.arrive $0xFFFF  }
0x466: {  	_ =	shalt  }

</sc_bundles>
